<compile_context>
chip_gen: v7x
topology: tpu7x:2x2x1
jax: 0.10.2.dev20260603
libtpu: 0.0.44.dev20260713+nightly
codegen_flags: <defaults>
</compile_context>

<pallas_src>
import functools

import jax
import jax.numpy as jnp
from jax import lax
from jax.experimental import pallas as pl
from jax.experimental.pallas import tpu as pltpu
from jax.experimental.pallas import tpu_sc as plsc

D = 64
NHOP = 2
BATCH = 4096
K = 32
L1_DECAY = 1e-06

NC, NS = 2, 16
NW = NC * NS

PROTEIN_ROWS = 1000000
DRUG_ROWS = 100000
CELL_ROWS = 1000
CW = 16384
PROT_PAD = ((PROTEIN_ROWS + CW - 1) // CW) * CW
DRUG_PAD = ((DRUG_ROWS + CW - 1) // CW) * CW
CELL_PAD = ((CELL_ROWS + CW - 1) // CW) * CW
NPROT = 6 * BATCH * K
SLICES = 4
BATCH_S = BATCH // SLICES
NPROT_S = NPROT // SLICES
R_PER_W = NPROT_S // NW
CH = 128
NCH = R_PER_W // CH
IB = BATCH_S // NW


@functools.lru_cache(maxsize=1)
def _sc_gather_build():
    mesh = plsc.VectorSubcoreMesh(core_axis_name="c", subcore_axis_name="s",
                                  num_cores=NC, num_subcores=NS)

    @functools.partial(
        pl.kernel,
        out_type=(
            jax.ShapeDtypeStruct((NPROT_S, D), jnp.float32),
            jax.ShapeDtypeStruct((BATCH_S, D), jnp.float32),
            jax.ShapeDtypeStruct((BATCH_S, D), jnp.float32),
            jax.ShapeDtypeStruct((BATCH_S, D), jnp.float32),
        ),
        mesh=mesh,
        scratch_types=[
            pltpu.VMEM((NCH, CH), jnp.int32),
            pltpu.VMEM((CH, D), jnp.float32),
            pltpu.VMEM((IB,), jnp.int32),
            pltpu.VMEM((IB, D), jnp.float32),
            pltpu.SemaphoreType.DMA,
        ],
        compiler_params=pltpu.CompilerParams(use_tc_tiling_on_sc=False),
    )
    def sc_gather(pidx_hbm, cells_hbm, d1_hbm, d2_hbm,
                  prot_hbm, cell_emb_hbm, drug_emb_hbm,
                  prot_out, cell_out, d1_out, d2_out,
                  idx_v, rows_v, iidx_v, irows_v, sem):
        wid = lax.axis_index("s") * NC + lax.axis_index("c")
        base = wid * R_PER_W

        pltpu.sync_copy(pidx_hbm.at[wid], idx_v)

        def chunk(j, carry):
            pltpu.async_copy(prot_hbm.at[idx_v.at[j]], rows_v, sem).wait()
            pltpu.sync_copy(rows_v, prot_out.at[pl.ds(base + j * CH, CH)])
            return carry

        lax.fori_loop(0, NCH, chunk, 0)

        for ids_hbm, table_hbm, out_hbm in (
            (cells_hbm, cell_emb_hbm, cell_out),
            (d1_hbm, drug_emb_hbm, d1_out),
            (d2_hbm, drug_emb_hbm, d2_out),
        ):
            pltpu.sync_copy(ids_hbm.at[wid], iidx_v)
            pltpu.async_copy(table_hbm.at[iidx_v], irows_v, sem).wait()
            pltpu.sync_copy(irows_v, out_hbm.at[pl.ds(wid * IB, IB)])

    return sc_gather


def _tp_body(in_ref, out_ref):
    t = jnp.transpose(in_ref[...])
    h = t.shape[0] // 2
    out_ref[...] = jnp.concatenate([t[:h], t[h:]], axis=-1)


@functools.lru_cache(maxsize=None)
def _tp_call(nrows):
    nb = (nrows + CW - 1) // CW
    return pl.pallas_call(
        _tp_body,
        grid=(nb,),
        in_specs=[pl.BlockSpec((D, CW), lambda j: (0, j))],
        out_specs=pl.BlockSpec((CW // 2, 2 * D), lambda j: (j, 0)),
        out_shape=jax.ShapeDtypeStruct((nb * CW // 2, 2 * D), jnp.float32),
    )


def _remap(p):
    j = p // CW
    c = p - j * CW
    half = (c >= CW // 2).astype(jnp.int32)
    r = c - half * (CW // 2)
    return j * CW + 2 * r + half


BB = 64
NB = BATCH // BB
NB_S = BATCH_S // BB
K2 = K // 2


def _tc_body(prot_ref, ce_ref, d1_ref, d2_ref, aw_ref, ab_ref, cw_ref,
             score_ref, loss_ref):
    i = pl.program_id(0)
    n2 = prot_ref[...].reshape(6, BB, K2, 2 * D)
    ce = ce_ref[...]
    d1 = d1_ref[...]
    d2 = d2_ref[...]
    aw = aw_ref[...]
    ab = ab_ref[...]
    cw = cw_ref[...]

    row_lt = lax.broadcasted_iota(jnp.int32, (2 * D, 2), 0) < D
    is_c0 = lax.broadcasted_iota(jnp.int32, (2 * D, 2), 1) == 0
    sel = (row_lt == is_c0).astype(jnp.float32)

    def attn(item, g):
        blk = n2[g]
        item2 = jnp.concatenate([item, item], axis=-1)
        prod = blk * item2[:, None, :]
        c2 = lax.dot_general(prod.reshape(BB * K2, 2 * D), sel,
                             (((1,), (0,)), ((), ())),
                             preferred_element_type=jnp.float32)
        c = c2.reshape(BB, K2, 2)
        m = jnp.max(jnp.max(c, axis=2, keepdims=True), axis=1, keepdims=True)
        e = jnp.exp(c - m)
        z = jnp.sum(jnp.sum(e, axis=2, keepdims=True), axis=1, keepdims=True)
        w = e / z
        w0 = jnp.broadcast_to(w[:, :, 0:1], (BB, K2, D))
        w1 = jnp.broadcast_to(w[:, :, 1:2], (BB, K2, D))
        wexp = jnp.concatenate([w0, w1], axis=-1)
        s = jnp.sum(blk * wexp, axis=1)
        return s[:, :D] + s[:, D:]

    ci0 = attn(ce, 0)
    ci1 = attn(ci0, 1)
    x10 = attn(d1, 2)
    x11 = attn(x10, 3)
    x20 = attn(d2, 4)
    x21 = attn(x20, 5)

    def agg(a, b):
        cat = jnp.concatenate([a, b], axis=-1)
        return lax.dot_general(cat, aw, (((1,), (1,)), ((), ())),
                               preferred_element_type=jnp.float32) + ab

    cf = agg(ci0, ci1)
    f1 = agg(x10, x11)
    f2 = agg(x20, x21)
    comb = lax.dot_general(jnp.concatenate([f1, f2], axis=-1), cw,
                           (((1,), (1,)), ((), ())),
                           preferred_element_type=jnp.float32)
    score = jnp.sum(comb * cf, axis=-1) - jnp.sum(f1 * f2, axis=-1)
    score_ref[...] = score[None, None, :]

    sq = 0.5 * (jnp.sum(ce * ce) + jnp.sum(d1 * d1) + jnp.sum(d2 * d2)
                + jnp.sum(n2 * n2))

    @pl.when(i == 0)
    def _():
        loss_ref[...] = jnp.zeros((1, 1), jnp.float32)

    loss_ref[...] += sq.reshape(1, 1)


_tc_compute = pl.pallas_call(
    _tc_body,
    grid=(NB_S,),
    in_specs=[
        pl.BlockSpec((6 * BB * K2, 2 * D), lambda i: (i, 0)),
        pl.BlockSpec((BB, D), lambda i: (i, 0)),
        pl.BlockSpec((BB, D), lambda i: (i, 0)),
        pl.BlockSpec((BB, D), lambda i: (i, 0)),
        pl.BlockSpec((D, 2 * D), lambda i: (0, 0)),
        pl.BlockSpec((1, D), lambda i: (0, 0)),
        pl.BlockSpec((D, 2 * D), lambda i: (0, 0)),
    ],
    out_specs=[
        pl.BlockSpec((1, 1, BB), lambda i: (i, 0, 0)),
        pl.BlockSpec((1, 1), lambda i: (0, 0)),
    ],
    out_shape=[
        jax.ShapeDtypeStruct((NB_S, 1, BB), jnp.float32),
        jax.ShapeDtypeStruct((1, 1), jnp.float32),
    ],
)


def kernel(cells, drug1, drug2, cell_neighbors, drug1_neighbors,
           drug2_neighbors, protein_emb, cell_emb, drug_emb,
           agg_W, agg_b, comb_W):
    pidx = _remap(
        jnp.stack([cell_neighbors, drug1_neighbors, drug2_neighbors])
        .astype(jnp.int32)
        .reshape(3, NHOP, NB, BB, K)
        .transpose(2, 0, 1, 3, 4)
        .reshape(SLICES, NW, NCH, CH))

    prot_lin = _tp_call(PROTEIN_ROWS)(protein_emb.T).reshape(PROT_PAD, D)
    drug_lin = _tp_call(DRUG_ROWS)(drug_emb.T).reshape(DRUG_PAD, D)
    cell_lin = _tp_call(CELL_ROWS)(cell_emb.T).reshape(CELL_PAD, D)

    cells_r = _remap(cells.astype(jnp.int32)).reshape(SLICES, NW, IB)
    drug1_r = _remap(drug1.astype(jnp.int32)).reshape(SLICES, NW, IB)
    drug2_r = _remap(drug2.astype(jnp.int32)).reshape(SLICES, NW, IB)

    sc = _sc_gather_build()
    ab2 = agg_b.reshape(1, D)
    scores, losses = [], []
    for s in range(SLICES):
        prot_rows, ce, d1e, d2e = sc(
            pidx[s], cells_r[s], drug1_r[s], drug2_r[s],
            prot_lin, cell_lin, drug_lin,
        )
        prot_pairs = prot_rows.reshape(NPROT_S // 2, 2 * D)
        score2d, loss = _tc_compute(prot_pairs, ce, d1e, d2e, agg_W,
                                    ab2, comb_W)
        scores.append(score2d.reshape(BATCH_S))
        losses.append(loss[0, 0])
    score = jnp.concatenate(scores)
    emb_loss = sum(losses[1:], losses[0]) * (L1_DECAY / BATCH)
    return score, emb_loss

# --- scband reference (transcript-rebuilt; emitter-appended) ---
"""Pipeline reference for scband-graph-synergy-71107478553330 (READ-ONLY COPY).

The authoritative reference and input builder live on the scoring server;
editing this copy changes nothing except your own understanding.
"""

import jax, jax.numpy as jnp
import numpy as np

EMB_DIM = 64
N_HOP = 2
L1_DECAY = 1e-06
PROTEIN_NUM = 1000000
CELL_NUM = 1000
DRUG_NUM = 100000
B = 4096
K = 32


def setup_inputs(seed: int = 0) -> dict:
    key = jax.random.key(seed)
    ks = jax.random.split(key, 12)
    cells = jax.random.randint(ks[0], (B,), 0, CELL_NUM)
    drug1 = jax.random.randint(ks[1], (B,), 0, DRUG_NUM)
    drug2 = jax.random.randint(ks[2], (B,), 0, DRUG_NUM)
    cell_neighbors = jax.random.randint(ks[3], (N_HOP, B, K), 0, PROTEIN_NUM)
    drug1_neighbors = jax.random.randint(ks[4], (N_HOP, B, K), 0, PROTEIN_NUM)
    drug2_neighbors = jax.random.randint(ks[5], (N_HOP, B, K), 0, PROTEIN_NUM)
    protein_emb = jax.random.normal(ks[6], (PROTEIN_NUM, EMB_DIM), jnp.float32) * 0.02
    cell_emb = jax.random.normal(ks[7], (CELL_NUM, EMB_DIM), jnp.float32) * 0.02
    drug_emb = jax.random.normal(ks[8], (DRUG_NUM, EMB_DIM), jnp.float32) * 0.02
    agg_W = jax.random.normal(ks[9], (EMB_DIM, EMB_DIM * N_HOP), jnp.float32) * 0.02
    agg_b = jnp.zeros((EMB_DIM,), jnp.float32)
    comb_W = jax.random.normal(ks[10], (EMB_DIM, 2 * EMB_DIM), jnp.float32) * 0.02
    return {
        'cells': cells, 'drug1': drug1, 'drug2': drug2,
        'cell_neighbors': cell_neighbors, 'drug1_neighbors': drug1_neighbors,
        'drug2_neighbors': drug2_neighbors,
        'protein_emb': protein_emb, 'cell_emb': cell_emb, 'drug_emb': drug_emb,
        'agg_W': agg_W, 'agg_b': agg_b, 'comb_W': comb_W,
    }


def _interaction_aggregation(item_embeddings, neighbors_emb_list):
    interact_list = []
    for hop in range(N_HOP):
        neighbor_emb = neighbors_emb_list[hop]  # [B, K, D]
        contributions = jnp.einsum('bkd,bd->bk', neighbor_emb, item_embeddings)
        contributions_normalized = jax.nn.softmax(contributions, axis=1)
        i = (neighbor_emb * contributions_normalized[:, :, None]).sum(axis=1)
        item_embeddings = i
        interact_list.append(i)
    return interact_list


def _aggregation(item_i_list, agg_W, agg_b):
    item_i_concat = jnp.concatenate(item_i_list, axis=1)
    return item_i_concat @ agg_W.T + agg_b


def reference(cells, drug1, drug2, cell_neighbors, drug1_neighbors, drug2_neighbors,
              protein_emb, cell_emb, drug_emb, agg_W, agg_b, comb_W):
    cell_e = jnp.take(cell_emb, cells, axis=0)
    d1_e = jnp.take(drug_emb, drug1, axis=0)
    d2_e = jnp.take(drug_emb, drug2, axis=0)
    cell_n = [jnp.take(protein_emb, cell_neighbors[h], axis=0) for h in range(N_HOP)]
    d1_n = [jnp.take(protein_emb, drug1_neighbors[h], axis=0) for h in range(N_HOP)]
    d2_n = [jnp.take(protein_emb, drug2_neighbors[h], axis=0) for h in range(N_HOP)]
    # emb loss (L2 regularizer)
    item_reg = (jnp.sum(cell_e ** 2) + jnp.sum(d1_e ** 2) + jnp.sum(d2_e ** 2)) / 2.0
    node_reg = 0.0
    for h in range(N_HOP):
        node_reg = node_reg + (jnp.sum(cell_n[h] ** 2) + jnp.sum(d1_n[h] ** 2) + jnp.sum(d2_n[h] ** 2)) / 2.0
    emb_loss = L1_DECAY * (item_reg + node_reg) / cell_e.shape[0]
    # interaction aggregation per hop
    cell_i = _interaction_aggregation(cell_e, cell_n)
    d1_i = _interaction_aggregation(d1_e, d1_n)
    d2_i = _interaction_aggregation(d2_e, d2_n)
    cell_f = _aggregation(cell_i, agg_W, agg_b)
    d1_f = _aggregation(d1_i, agg_W, agg_b)
    d2_f = _aggregation(d2_i, agg_W, agg_b)
    # therapy: transformation_matrix
    combined_drug = jnp.concatenate([d1_f, d2_f], axis=1) @ comb_W.T
    therapy_score = (combined_drug * cell_f).sum(axis=1)
    toxic_score = (d1_f * d2_f).sum(axis=1)
    score = therapy_score - toxic_score
    return (score, emb_loss)

if __name__ == "__main__":
    import jax
    _d = setup_inputs()
    print(jax.jit(kernel)(*tuple(_d.values())))

</pallas_src>

<mosaic_0001>
#map = affine_map<(d0, d1) -> (0, 0, 0)>
#map1 = affine_map<(d0, d1) -> (0, 0)>
module attributes {stable_mosaic.version = 14 : i64} {
  func.func @sc_gather(%arg0: i32, %arg1: i32, %arg2: memref<32x48x128xi32, #tpu.memory_space<hbm>>, %arg3: memref<32x32xi32, #tpu.memory_space<hbm>>, %arg4: memref<32x32xi32, #tpu.memory_space<hbm>>, %arg5: memref<32x32xi32, #tpu.memory_space<hbm>>, %arg6: memref<1015808x64xf32, #tpu.memory_space<hbm>>, %arg7: memref<16384x64xf32, #tpu.memory_space<hbm>>, %arg8: memref<114688x64xf32, #tpu.memory_space<hbm>>, %arg9: memref<196608x64xf32, #tpu.memory_space<hbm>>, %arg10: memref<1024x64xf32, #tpu.memory_space<hbm>>, %arg11: memref<1024x64xf32, #tpu.memory_space<hbm>>, %arg12: memref<1024x64xf32, #tpu.memory_space<hbm>>, %arg13: memref<48x128xi32, #tpu.memory_space<vmem>>, %arg14: memref<128x64xf32, #tpu.memory_space<vmem>>, %arg15: memref<32xi32, #tpu.memory_space<vmem>>, %arg16: memref<32x64xf32, #tpu.memory_space<vmem>>, %arg17: memref<!tpu.dma_semaphore, #tpu.memory_space<semaphore_mem>>) attributes {dimension_semantics = [#tpu.dimension_semantics<core_parallel>, #tpu.dimension_semantics<subcore_parallel>], iteration_bounds = array<i64: 2, 16>, scalar_prefetch = 0 : i64, scratch_operands = 5 : i64, tpu.core_type = #tpu.core_type<sc_vector_subcore>, window_params = [{transform_indices = #map}, {transform_indices = #map1}, {transform_indices = #map1}, {transform_indices = #map1}, {transform_indices = #map1}, {transform_indices = #map1}, {transform_indices = #map1}, {transform_indices = #map1}, {transform_indices = #map1}, {transform_indices = #map1}, {transform_indices = #map1}]} {
    %mul3A = arith.constant 2 : i32
    %mul3A_0 = arith.muli %arg1, %mul3A : i32
    %add3A = arith.addi %mul3A_0, %arg0 : i32
    %mul3A_1 = arith.constant 6144 : i32
    %mul3A_2 = arith.muli %add3A, %mul3A_1 : i32
    "tpu.region"() ({
      %run_scoped3A = tpu.sem_alloc : memref<!tpu.dma_semaphore, #tpu.memory_space<semaphore_mem>>
      %dma_start3A_30 = arith.constant 0 : i32
      %dma_start3A_31 = arith.constant 0 : i32
      %dma_start3A_32 = tpu.memref_slice %arg2[%add3A, %dma_start3A_30, %dma_start3A_31] : memref<32x48x128xi32, #tpu.memory_space<hbm>> -> memref<1x48x128xi32, #tpu.memory_space<hbm>>
      %dma_start3A_33 = tpu.memref_squeeze %dma_start3A_32 : memref<1x48x128xi32, #tpu.memory_space<hbm>> -> memref<48x128xi32, #tpu.memory_space<hbm>>
      %dma_start3A_34 = arith.constant 0 : i32
      %dma_start3A_35 = arith.constant 0 : i32
      %dma_start3A_36 = tpu.memref_slice %arg2[%add3A, %dma_start3A_34, %dma_start3A_35] : memref<32x48x128xi32, #tpu.memory_space<hbm>> -> memref<1x48x128xi32, #tpu.memory_space<hbm>>
      %dma_start3A_37 = tpu.memref_squeeze %dma_start3A_36 : memref<1x48x128xi32, #tpu.memory_space<hbm>> -> memref<48x128xi32, #tpu.memory_space<hbm>>
      tpu.enqueue_dma source(%dma_start3A_37 : memref<48x128xi32, #tpu.memory_space<hbm>>) target(%arg13 : memref<48x128xi32, #tpu.memory_space<vmem>>) target_semaphore(%run_scoped3A : memref<!tpu.dma_semaphore, #tpu.memory_space<semaphore_mem>>)
      %dma_wait3A_38 = arith.constant 0 : i32
      %dma_wait3A_39 = arith.constant 0 : i32
      %dma_wait3A_40 = tpu.memref_slice %arg2[%add3A, %dma_wait3A_38, %dma_wait3A_39] : memref<32x48x128xi32, #tpu.memory_space<hbm>> -> memref<1x48x128xi32, #tpu.memory_space<hbm>>
      %dma_wait3A_41 = tpu.memref_squeeze %dma_wait3A_40 : memref<1x48x128xi32, #tpu.memory_space<hbm>> -> memref<48x128xi32, #tpu.memory_space<hbm>>
      %dma_wait3A_42 = arith.constant 0 : i32
      %dma_wait3A_43 = arith.constant 0 : i32
      %dma_wait3A_44 = tpu.memref_slice %arg2[%add3A, %dma_wait3A_42, %dma_wait3A_43] : memref<32x48x128xi32, #tpu.memory_space<hbm>> -> memref<1x48x128xi32, #tpu.memory_space<hbm>>
      %dma_wait3A_45 = tpu.memref_squeeze %dma_wait3A_44 : memref<1x48x128xi32, #tpu.memory_space<hbm>> -> memref<48x128xi32, #tpu.memory_space<hbm>>
      tpu.wait_dma2 semaphore(%run_scoped3A : memref<!tpu.dma_semaphore, #tpu.memory_space<semaphore_mem>>) src(%dma_wait3A_45 : memref<48x128xi32, #tpu.memory_space<hbm>>) dst(%arg13 : memref<48x128xi32, #tpu.memory_space<vmem>>)
      tpu.yield
    }) : () -> ()
    %scan3A = arith.constant 0 : i32
    %scan3A_3 = arith.constant 0 : i32
    %scan3A_4 = arith.constant 48 : i32
    %scan3A_5 = arith.addi %scan3A_3, %scan3A_4 : i32
    %scan3A_6 = arith.constant 1 : i32
    scf.for %scan3A_30 = %scan3A_3 to %scan3A_5 step %scan3A_6  : i32 {
      %dma_start3A_31 = arith.constant 0 : i32
      %dma_start3A_32 = tpu.memref_slice %arg13[%scan3A_30, %dma_start3A_31] : memref<48x128xi32, #tpu.memory_space<vmem>> -> memref<1x128xi32, #tpu.memory_space<vmem>>
      %dma_start3A_33 = tpu.memref_squeeze %dma_start3A_32 : memref<1x128xi32, #tpu.memory_space<vmem>> -> memref<128xi32, #tpu.memory_space<vmem>>
      %dma_start3A_34 = arith.constant 0 : i32
      %dma_start3A_35 = arith.constant 0 : i32
      %dma_start3A_36 = tpu.memref_slice %arg6[%dma_start3A_34, %dma_start3A_35] : memref<1015808x64xf32, #tpu.memory_space<hbm>> -> memref<1015808x64xf32, #tpu.memory_space<hbm>>
      tpu.enqueue_indirect_dma source(%dma_start3A_36 : memref<1015808x64xf32, #tpu.memory_space<hbm>>) target(%arg14 : memref<128x64xf32, #tpu.memory_space<vmem>>) offsets(%dma_start3A_33 : memref<128xi32, #tpu.memory_space<vmem>>) semaphore(%arg17 : memref<!tpu.dma_semaphore, #tpu.memory_space<semaphore_mem>>)
      %dma_wait3A_37 = arith.constant 0 : i32
      %dma_wait3A_38 = tpu.memref_slice %arg13[%scan3A_30, %dma_wait3A_37] : memref<48x128xi32, #tpu.memory_space<vmem>> -> memref<1x128xi32, #tpu.memory_space<vmem>>
      %dma_wait3A_39 = tpu.memref_squeeze %dma_wait3A_38 : memref<1x128xi32, #tpu.memory_space<vmem>> -> memref<128xi32, #tpu.memory_space<vmem>>
      %dma_wait3A_40 = arith.constant 0 : i32
      %dma_wait3A_41 = arith.constant 0 : i32
      %dma_wait3A_42 = tpu.memref_slice %arg6[%dma_wait3A_40, %dma_wait3A_41] : memref<1015808x64xf32, #tpu.memory_space<hbm>> -> memref<1015808x64xf32, #tpu.memory_space<hbm>>
      tpu.wait_indirect_dma semaphore(%arg17 : memref<!tpu.dma_semaphore, #tpu.memory_space<semaphore_mem>>) src(%dma_wait3A_42 : memref<1015808x64xf32, #tpu.memory_space<hbm>>) dst(%arg14 : memref<128x64xf32, #tpu.memory_space<vmem>>)
      %mul3A_43 = arith.constant 128 : i32
      %mul3A_44 = arith.muli %scan3A_30, %mul3A_43 : i32
      %add3A_45 = arith.addi %mul3A_2, %mul3A_44 : i32
      "tpu.region"() ({
        %run_scoped3A = tpu.sem_alloc : memref<!tpu.dma_semaphore, #tpu.memory_space<semaphore_mem>>
        %dma_start3A_46 = arith.constant 0 : i32
        %dma_start3A_47 = tpu.memref_slice %arg9[%add3A_45, %dma_start3A_46] : memref<196608x64xf32, #tpu.memory_space<hbm>> -> memref<128x64xf32, #tpu.memory_space<hbm>>
        %dma_start3A_48 = arith.constant 0 : i32
        %dma_start3A_49 = tpu.memref_slice %arg9[%add3A_45, %dma_start3A_48] : memref<196608x64xf32, #tpu.memory_space<hbm>> -> memref<128x64xf32, #tpu.memory_space<hbm>>
        tpu.enqueue_dma source(%arg14 : memref<128x64xf32, #tpu.memory_space<vmem>>) target(%dma_start3A_49 : memref<128x64xf32, #tpu.memory_space<hbm>>) target_semaphore(%run_scoped3A : memref<!tpu.dma_semaphore, #tpu.memory_space<semaphore_mem>>)
        %dma_wait3A_50 = arith.constant 0 : i32
        %dma_wait3A_51 = tpu.memref_slice %arg9[%add3A_45, %dma_wait3A_50] : memref<196608x64xf32, #tpu.memory_space<hbm>> -> memref<128x64xf32, #tpu.memory_space<hbm>>
        %dma_wait3A_52 = arith.constant 0 : i32
        %dma_wait3A_53 = tpu.memref_slice %arg9[%add3A_45, %dma_wait3A_52] : memref<196608x64xf32, #tpu.memory_space<hbm>> -> memref<128x64xf32, #tpu.memory_space<hbm>>
        tpu.wait_dma2 semaphore(%run_scoped3A : memref<!tpu.dma_semaphore, #tpu.memory_space<semaphore_mem>>) src(%arg14 : memref<128x64xf32, #tpu.memory_space<vmem>>) dst(%dma_wait3A_53 : memref<128x64xf32, #tpu.memory_space<hbm>>)
        tpu.yield
      }) : () -> ()
    }
    %scan3A_7 = arith.constant 48 : i32
    "tpu.region"() ({
      %run_scoped3A = tpu.sem_alloc : memref<!tpu.dma_semaphore, #tpu.memory_space<semaphore_mem>>
      %dma_start3A_30 = arith.constant 0 : i32
      %dma_start3A_31 = tpu.memref_slice %arg3[%add3A, %dma_start3A_30] : memref<32x32xi32, #tpu.memory_space<hbm>> -> memref<1x32xi32, #tpu.memory_space<hbm>>
      %dma_start3A_32 = tpu.memref_squeeze %dma_start3A_31 : memref<1x32xi32, #tpu.memory_space<hbm>> -> memref<32xi32, #tpu.memory_space<hbm>>
      %dma_start3A_33 = arith.constant 0 : i32
      %dma_start3A_34 = tpu.memref_slice %arg3[%add3A, %dma_start3A_33] : memref<32x32xi32, #tpu.memory_space<hbm>> -> memref<1x32xi32, #tpu.memory_space<hbm>>
      %dma_start3A_35 = tpu.memref_squeeze %dma_start3A_34 : memref<1x32xi32, #tpu.memory_space<hbm>> -> memref<32xi32, #tpu.memory_space<hbm>>
      tpu.enqueue_dma source(%dma_start3A_35 : memref<32xi32, #tpu.memory_space<hbm>>) target(%arg15 : memref<32xi32, #tpu.memory_space<vmem>>) target_semaphore(%run_scoped3A : memref<!tpu.dma_semaphore, #tpu.memory_space<semaphore_mem>>)
      %dma_wait3A_36 = arith.constant 0 : i32
      %dma_wait3A_37 = tpu.memref_slice %arg3[%add3A, %dma_wait3A_36] : memref<32x32xi32, #tpu.memory_space<hbm>> -> memref<1x32xi32, #tpu.memory_space<hbm>>
      %dma_wait3A_38 = tpu.memref_squeeze %dma_wait3A_37 : memref<1x32xi32, #tpu.memory_space<hbm>> -> memref<32xi32, #tpu.memory_space<hbm>>
      %dma_wait3A_39 = arith.constant 0 : i32
      %dma_wait3A_40 = tpu.memref_slice %arg3[%add3A, %dma_wait3A_39] : memref<32x32xi32, #tpu.memory_space<hbm>> -> memref<1x32xi32, #tpu.memory_space<hbm>>
      %dma_wait3A_41 = tpu.memref_squeeze %dma_wait3A_40 : memref<1x32xi32, #tpu.memory_space<hbm>> -> memref<32xi32, #tpu.memory_space<hbm>>
      tpu.wait_dma2 semaphore(%run_scoped3A : memref<!tpu.dma_semaphore, #tpu.memory_space<semaphore_mem>>) src(%dma_wait3A_41 : memref<32xi32, #tpu.memory_space<hbm>>) dst(%arg15 : memref<32xi32, #tpu.memory_space<vmem>>)
      tpu.yield
    }) : () -> ()
    %dma_start3A = arith.constant 0 : i32
    %dma_start3A_8 = arith.constant 0 : i32
    %dma_start3A_9 = tpu.memref_slice %arg7[%dma_start3A, %dma_start3A_8] : memref<16384x64xf32, #tpu.memory_space<hbm>> -> memref<16384x64xf32, #tpu.memory_space<hbm>>
    tpu.enqueue_indirect_dma source(%dma_start3A_9 : memref<16384x64xf32, #tpu.memory_space<hbm>>) target(%arg16 : memref<32x64xf32, #tpu.memory_space<vmem>>) offsets(%arg15 : memref<32xi32, #tpu.memory_space<vmem>>) semaphore(%arg17 : memref<!tpu.dma_semaphore, #tpu.memory_space<semaphore_mem>>)
    %dma_wait3A = arith.constant 0 : i32
    %dma_wait3A_10 = arith.constant 0 : i32
    %dma_wait3A_11 = tpu.memref_slice %arg7[%dma_wait3A, %dma_wait3A_10] : memref<16384x64xf32, #tpu.memory_space<hbm>> -> memref<16384x64xf32, #tpu.memory_space<hbm>>
    tpu.wait_indirect_dma semaphore(%arg17 : memref<!tpu.dma_semaphore, #tpu.memory_space<semaphore_mem>>) src(%dma_wait3A_11 : memref<16384x64xf32, #tpu.memory_space<hbm>>) dst(%arg16 : memref<32x64xf32, #tpu.memory_space<vmem>>)
    %mul3A_12 = arith.constant 32 : i32
    %mul3A_13 = arith.muli %add3A, %mul3A_12 : i32
    "tpu.region"() ({
      %run_scoped3A = tpu.sem_alloc : memref<!tpu.dma_semaphore, #tpu.memory_space<semaphore_mem>>
      %dma_start3A_30 = arith.constant 0 : i32
      %dma_start3A_31 = tpu.memref_slice %arg10[%mul3A_13, %dma_start3A_30] : memref<1024x64xf32, #tpu.memory_space<hbm>> -> memref<32x64xf32, #tpu.memory_space<hbm>>
      %dma_start3A_32 = arith.constant 0 : i32
      %dma_start3A_33 = tpu.memref_slice %arg10[%mul3A_13, %dma_start3A_32] : memref<1024x64xf32, #tpu.memory_space<hbm>> -> memref<32x64xf32, #tpu.memory_space<hbm>>
      tpu.enqueue_dma source(%arg16 : memref<32x64xf32, #tpu.memory_space<vmem>>) target(%dma_start3A_33 : memref<32x64xf32, #tpu.memory_space<hbm>>) target_semaphore(%run_scoped3A : memref<!tpu.dma_semaphore, #tpu.memory_space<semaphore_mem>>)
      %dma_wait3A_34 = arith.constant 0 : i32
      %dma_wait3A_35 = tpu.memref_slice %arg10[%mul3A_13, %dma_wait3A_34] : memref<1024x64xf32, #tpu.memory_space<hbm>> -> memref<32x64xf32, #tpu.memory_space<hbm>>
      %dma_wait3A_36 = arith.constant 0 : i32
      %dma_wait3A_37 = tpu.memref_slice %arg10[%mul3A_13, %dma_wait3A_36] : memref<1024x64xf32, #tpu.memory_space<hbm>> -> memref<32x64xf32, #tpu.memory_space<hbm>>
      tpu.wait_dma2 semaphore(%run_scoped3A : memref<!tpu.dma_semaphore, #tpu.memory_space<semaphore_mem>>) src(%arg16 : memref<32x64xf32, #tpu.memory_space<vmem>>) dst(%dma_wait3A_37 : memref<32x64xf32, #tpu.memory_space<hbm>>)
      tpu.yield
    }) : () -> ()
    "tpu.region"() ({
      %run_scoped3A = tpu.sem_alloc : memref<!tpu.dma_semaphore, #tpu.memory_space<semaphore_mem>>
      %dma_start3A_30 = arith.constant 0 : i32
      %dma_start3A_31 = tpu.memref_slice %arg4[%add3A, %dma_start3A_30] : memref<32x32xi32, #tpu.memory_space<hbm>> -> memref<1x32xi32, #tpu.memory_space<hbm>>
      %dma_start3A_32 = tpu.memref_squeeze %dma_start3A_31 : memref<1x32xi32, #tpu.memory_space<hbm>> -> memref<32xi32, #tpu.memory_space<hbm>>
      %dma_start3A_33 = arith.constant 0 : i32
      %dma_start3A_34 = tpu.memref_slice %arg4[%add3A, %dma_start3A_33] : memref<32x32xi32, #tpu.memory_space<hbm>> -> memref<1x32xi32, #tpu.memory_space<hbm>>
      %dma_start3A_35 = tpu.memref_squeeze %dma_start3A_34 : memref<1x32xi32, #tpu.memory_space<hbm>> -> memref<32xi32, #tpu.memory_space<hbm>>
      tpu.enqueue_dma source(%dma_start3A_35 : memref<32xi32, #tpu.memory_space<hbm>>) target(%arg15 : memref<32xi32, #tpu.memory_space<vmem>>) target_semaphore(%run_scoped3A : memref<!tpu.dma_semaphore, #tpu.memory_space<semaphore_mem>>)
      %dma_wait3A_36 = arith.constant 0 : i32
      %dma_wait3A_37 = tpu.memref_slice %arg4[%add3A, %dma_wait3A_36] : memref<32x32xi32, #tpu.memory_space<hbm>> -> memref<1x32xi32, #tpu.memory_space<hbm>>
      %dma_wait3A_38 = tpu.memref_squeeze %dma_wait3A_37 : memref<1x32xi32, #tpu.memory_space<hbm>> -> memref<32xi32, #tpu.memory_space<hbm>>
      %dma_wait3A_39 = arith.constant 0 : i32
      %dma_wait3A_40 = tpu.memref_slice %arg4[%add3A, %dma_wait3A_39] : memref<32x32xi32, #tpu.memory_space<hbm>> -> memref<1x32xi32, #tpu.memory_space<hbm>>
      %dma_wait3A_41 = tpu.memref_squeeze %dma_wait3A_40 : memref<1x32xi32, #tpu.memory_space<hbm>> -> memref<32xi32, #tpu.memory_space<hbm>>
      tpu.wait_dma2 semaphore(%run_scoped3A : memref<!tpu.dma_semaphore, #tpu.memory_space<semaphore_mem>>) src(%dma_wait3A_41 : memref<32xi32, #tpu.memory_space<hbm>>) dst(%arg15 : memref<32xi32, #tpu.memory_space<vmem>>)
      tpu.yield
    }) : () -> ()
    %dma_start3A_14 = arith.constant 0 : i32
    %dma_start3A_15 = arith.constant 0 : i32
    %dma_start3A_16 = tpu.memref_slice %arg8[%dma_start3A_14, %dma_start3A_15] : memref<114688x64xf32, #tpu.memory_space<hbm>> -> memref<114688x64xf32, #tpu.memory_space<hbm>>
    tpu.enqueue_indirect_dma source(%dma_start3A_16 : memref<114688x64xf32, #tpu.memory_space<hbm>>) target(%arg16 : memref<32x64xf32, #tpu.memory_space<vmem>>) offsets(%arg15 : memref<32xi32, #tpu.memory_space<vmem>>) semaphore(%arg17 : memref<!tpu.dma_semaphore, #tpu.memory_space<semaphore_mem>>)
    %dma_wait3A_17 = arith.constant 0 : i32
    %dma_wait3A_18 = arith.constant 0 : i32
    %dma_wait3A_19 = tpu.memref_slice %arg8[%dma_wait3A_17, %dma_wait3A_18] : memref<114688x64xf32, #tpu.memory_space<hbm>> -> memref<114688x64xf32, #tpu.memory_space<hbm>>
    tpu.wait_indirect_dma semaphore(%arg17 : memref<!tpu.dma_semaphore, #tpu.memory_space<semaphore_mem>>) src(%dma_wait3A_19 : memref<114688x64xf32, #tpu.memory_space<hbm>>) dst(%arg16 : memref<32x64xf32, #tpu.memory_space<vmem>>)
    %mul3A_20 = arith.constant 32 : i32
    %mul3A_21 = arith.muli %add3A, %mul3A_20 : i32
    "tpu.region"() ({
      %run_scoped3A = tpu.sem_alloc : memref<!tpu.dma_semaphore, #tpu.memory_space<semaphore_mem>>
      %dma_start3A_30 = arith.constant 0 : i32
      %dma_start3A_31 = tpu.memref_slice %arg11[%mul3A_21, %dma_start3A_30] : memref<1024x64xf32, #tpu.memory_space<hbm>> -> memref<32x64xf32, #tpu.memory_space<hbm>>
      %dma_start3A_32 = arith.constant 0 : i32
      %dma_start3A_33 = tpu.memref_slice %arg11[%mul3A_21, %dma_start3A_32] : memref<1024x64xf32, #tpu.memory_space<hbm>> -> memref<32x64xf32, #tpu.memory_space<hbm>>
      tpu.enqueue_dma source(%arg16 : memref<32x64xf32, #tpu.memory_space<vmem>>) target(%dma_start3A_33 : memref<32x64xf32, #tpu.memory_space<hbm>>) target_semaphore(%run_scoped3A : memref<!tpu.dma_semaphore, #tpu.memory_space<semaphore_mem>>)
      %dma_wait3A_34 = arith.constant 0 : i32
      %dma_wait3A_35 = tpu.memref_slice %arg11[%mul3A_21, %dma_wait3A_34] : memref<1024x64xf32, #tpu.memory_space<hbm>> -> memref<32x64xf32, #tpu.memory_space<hbm>>
      %dma_wait3A_36 = arith.constant 0 : i32
      %dma_wait3A_37 = tpu.memref_slice %arg11[%mul3A_21, %dma_wait3A_36] : memref<1024x64xf32, #tpu.memory_space<hbm>> -> memref<32x64xf32, #tpu.memory_space<hbm>>
      tpu.wait_dma2 semaphore(%run_scoped3A : memref<!tpu.dma_semaphore, #tpu.memory_space<semaphore_mem>>) src(%arg16 : memref<32x64xf32, #tpu.memory_space<vmem>>) dst(%dma_wait3A_37 : memref<32x64xf32, #tpu.memory_space<hbm>>)
      tpu.yield
    }) : () -> ()
    "tpu.region"() ({
      %run_scoped3A = tpu.sem_alloc : memref<!tpu.dma_semaphore, #tpu.memory_space<semaphore_mem>>
      %dma_start3A_30 = arith.constant 0 : i32
      %dma_start3A_31 = tpu.memref_slice %arg5[%add3A, %dma_start3A_30] : memref<32x32xi32, #tpu.memory_space<hbm>> -> memref<1x32xi32, #tpu.memory_space<hbm>>
      %dma_start3A_32 = tpu.memref_squeeze %dma_start3A_31 : memref<1x32xi32, #tpu.memory_space<hbm>> -> memref<32xi32, #tpu.memory_space<hbm>>
      %dma_start3A_33 = arith.constant 0 : i32
      %dma_start3A_34 = tpu.memref_slice %arg5[%add3A, %dma_start3A_33] : memref<32x32xi32, #tpu.memory_space<hbm>> -> memref<1x32xi32, #tpu.memory_space<hbm>>
      %dma_start3A_35 = tpu.memref_squeeze %dma_start3A_34 : memref<1x32xi32, #tpu.memory_space<hbm>> -> memref<32xi32, #tpu.memory_space<hbm>>
      tpu.enqueue_dma source(%dma_start3A_35 : memref<32xi32, #tpu.memory_space<hbm>>) target(%arg15 : memref<32xi32, #tpu.memory_space<vmem>>) target_semaphore(%run_scoped3A : memref<!tpu.dma_semaphore, #tpu.memory_space<semaphore_mem>>)
      %dma_wait3A_36 = arith.constant 0 : i32
      %dma_wait3A_37 = tpu.memref_slice %arg5[%add3A, %dma_wait3A_36] : memref<32x32xi32, #tpu.memory_space<hbm>> -> memref<1x32xi32, #tpu.memory_space<hbm>>
      %dma_wait3A_38 = tpu.memref_squeeze %dma_wait3A_37 : memref<1x32xi32, #tpu.memory_space<hbm>> -> memref<32xi32, #tpu.memory_space<hbm>>
      %dma_wait3A_39 = arith.constant 0 : i32
      %dma_wait3A_40 = tpu.memref_slice %arg5[%add3A, %dma_wait3A_39] : memref<32x32xi32, #tpu.memory_space<hbm>> -> memref<1x32xi32, #tpu.memory_space<hbm>>
      %dma_wait3A_41 = tpu.memref_squeeze %dma_wait3A_40 : memref<1x32xi32, #tpu.memory_space<hbm>> -> memref<32xi32, #tpu.memory_space<hbm>>
      tpu.wait_dma2 semaphore(%run_scoped3A : memref<!tpu.dma_semaphore, #tpu.memory_space<semaphore_mem>>) src(%dma_wait3A_41 : memref<32xi32, #tpu.memory_space<hbm>>) dst(%arg15 : memref<32xi32, #tpu.memory_space<vmem>>)
      tpu.yield
    }) : () -> ()
    %dma_start3A_22 = arith.constant 0 : i32
    %dma_start3A_23 = arith.constant 0 : i32
    %dma_start3A_24 = tpu.memref_slice %arg8[%dma_start3A_22, %dma_start3A_23] : memref<114688x64xf32, #tpu.memory_space<hbm>> -> memref<114688x64xf32, #tpu.memory_space<hbm>>
    tpu.enqueue_indirect_dma source(%dma_start3A_24 : memref<114688x64xf32, #tpu.memory_space<hbm>>) target(%arg16 : memref<32x64xf32, #tpu.memory_space<vmem>>) offsets(%arg15 : memref<32xi32, #tpu.memory_space<vmem>>) semaphore(%arg17 : memref<!tpu.dma_semaphore, #tpu.memory_space<semaphore_mem>>)
    %dma_wait3A_25 = arith.constant 0 : i32
    %dma_wait3A_26 = arith.constant 0 : i32
    %dma_wait3A_27 = tpu.memref_slice %arg8[%dma_wait3A_25, %dma_wait3A_26] : memref<114688x64xf32, #tpu.memory_space<hbm>> -> memref<114688x64xf32, #tpu.memory_space<hbm>>
    tpu.wait_indirect_dma semaphore(%arg17 : memref<!tpu.dma_semaphore, #tpu.memory_space<semaphore_mem>>) src(%dma_wait3A_27 : memref<114688x64xf32, #tpu.memory_space<hbm>>) dst(%arg16 : memref<32x64xf32, #tpu.memory_space<vmem>>)
    %mul3A_28 = arith.constant 32 : i32
    %mul3A_29 = arith.muli %add3A, %mul3A_28 : i32
    "tpu.region"() ({
      %run_scoped3A = tpu.sem_alloc : memref<!tpu.dma_semaphore, #tpu.memory_space<semaphore_mem>>
      %dma_start3A_30 = arith.constant 0 : i32
      %dma_start3A_31 = tpu.memref_slice %arg12[%mul3A_29, %dma_start3A_30] : memref<1024x64xf32, #tpu.memory_space<hbm>> -> memref<32x64xf32, #tpu.memory_space<hbm>>
      %dma_start3A_32 = arith.constant 0 : i32
      %dma_start3A_33 = tpu.memref_slice %arg12[%mul3A_29, %dma_start3A_32] : memref<1024x64xf32, #tpu.memory_space<hbm>> -> memref<32x64xf32, #tpu.memory_space<hbm>>
      tpu.enqueue_dma source(%arg16 : memref<32x64xf32, #tpu.memory_space<vmem>>) target(%dma_start3A_33 : memref<32x64xf32, #tpu.memory_space<hbm>>) target_semaphore(%run_scoped3A : memref<!tpu.dma_semaphore, #tpu.memory_space<semaphore_mem>>)
      %dma_wait3A_34 = arith.constant 0 : i32
      %dma_wait3A_35 = tpu.memref_slice %arg12[%mul3A_29, %dma_wait3A_34] : memref<1024x64xf32, #tpu.memory_space<hbm>> -> memref<32x64xf32, #tpu.memory_space<hbm>>
      %dma_wait3A_36 = arith.constant 0 : i32
      %dma_wait3A_37 = tpu.memref_slice %arg12[%mul3A_29, %dma_wait3A_36] : memref<1024x64xf32, #tpu.memory_space<hbm>> -> memref<32x64xf32, #tpu.memory_space<hbm>>
      tpu.wait_dma2 semaphore(%run_scoped3A : memref<!tpu.dma_semaphore, #tpu.memory_space<semaphore_mem>>) src(%arg16 : memref<32x64xf32, #tpu.memory_space<vmem>>) dst(%dma_wait3A_37 : memref<32x64xf32, #tpu.memory_space<hbm>>)
      tpu.yield
    }) : () -> ()
    return
  }
}

#map = affine_map<(d0, d1) -> (0, 0, 0)>
#map1 = affine_map<(d0, d1) -> (0, 0)>
module attributes {stable_mosaic.version = 14 : i64} {
  func.func @sc_gather(%arg0: i32, %arg1: i32, %arg2: memref<32x48x128xi32, #tpu.memory_space<hbm>>, %arg3: memref<32x32xi32, #tpu.memory_space<hbm>>, %arg4: memref<32x32xi32, #tpu.memory_space<hbm>>, %arg5: memref<32x32xi32, #tpu.memory_space<hbm>>, %arg6: memref<1015808x64xf32, #tpu.memory_space<hbm>>, %arg7: memref<16384x64xf32, #tpu.memory_space<hbm>>, %arg8: memref<114688x64xf32, #tpu.memory_space<hbm>>, %arg9: memref<196608x64xf32, #tpu.memory_space<hbm>>, %arg10: memref<1024x64xf32, #tpu.memory_space<hbm>>, %arg11: memref<1024x64xf32, #tpu.memory_space<hbm>>, %arg12: memref<1024x64xf32, #tpu.memory_space<hbm>>, %arg13: memref<48x128xi32, #tpu.memory_space<vmem>>, %arg14: memref<128x64xf32, #tpu.memory_space<vmem>>, %arg15: memref<32xi32, #tpu.memory_space<vmem>>, %arg16: memref<32x64xf32, #tpu.memory_space<vmem>>, %arg17: memref<!tpu.dma_semaphore, #tpu.memory_space<semaphore_mem>>) attributes {dimension_semantics = [#tpu.dimension_semantics<core_parallel>, #tpu.dimension_semantics<subcore_parallel>], iteration_bounds = array<i64: 2, 16>, scalar_prefetch = 0 : i64, scratch_operands = 5 : i64, tpu.core_type = #tpu.core_type<sc_vector_subcore>, window_params = [{transform_indices = #map}, {transform_indices = #map1}, {transform_indices = #map1}, {transform_indices = #map1}, {transform_indices = #map1}, {transform_indices = #map1}, {transform_indices = #map1}, {transform_indices = #map1}, {transform_indices = #map1}, {transform_indices = #map1}, {transform_indices = #map1}]} {
    %mul3A = arith.constant 2 : i32
    %mul3A_0 = arith.muli %arg1, %mul3A : i32
    %add3A = arith.addi %mul3A_0, %arg0 : i32
    %mul3A_1 = arith.constant 6144 : i32
    %mul3A_2 = arith.muli %add3A, %mul3A_1 : i32
    "tpu.region"() ({
      %run_scoped3A = tpu.sem_alloc : memref<!tpu.dma_semaphore, #tpu.memory_space<semaphore_mem>>
      %dma_start3A_30 = arith.constant 0 : i32
      %dma_start3A_31 = arith.constant 0 : i32
      %dma_start3A_32 = tpu.memref_slice %arg2[%add3A, %dma_start3A_30, %dma_start3A_31] : memref<32x48x128xi32, #tpu.memory_space<hbm>> -> memref<1x48x128xi32, #tpu.memory_space<hbm>>
      %dma_start3A_33 = tpu.memref_squeeze %dma_start3A_32 : memref<1x48x128xi32, #tpu.memory_space<hbm>> -> memref<48x128xi32, #tpu.memory_space<hbm>>
      %dma_start3A_34 = arith.constant 0 : i32
      %dma_start3A_35 = arith.constant 0 : i32
      %dma_start3A_36 = tpu.memref_slice %arg2[%add3A, %dma_start3A_34, %dma_start3A_35] : memref<32x48x128xi32, #tpu.memory_space<hbm>> -> memref<1x48x128xi32, #tpu.memory_space<hbm>>
      %dma_start3A_37 = tpu.memref_squeeze %dma_start3A_36 : memref<1x48x128xi32, #tpu.memory_space<hbm>> -> memref<48x128xi32, #tpu.memory_space<hbm>>
      tpu.enqueue_dma source(%dma_start3A_37 : memref<48x128xi32, #tpu.memory_space<hbm>>) target(%arg13 : memref<48x128xi32, #tpu.memory_space<vmem>>) target_semaphore(%run_scoped3A : memref<!tpu.dma_semaphore, #tpu.memory_space<semaphore_mem>>)
      %dma_wait3A_38 = arith.constant 0 : i32
      %dma_wait3A_39 = arith.constant 0 : i32
      %dma_wait3A_40 = tpu.memref_slice %arg2[%add3A, %dma_wait3A_38, %dma_wait3A_39] : memref<32x48x128xi32, #tpu.memory_space<hbm>> -> memref<1x48x128xi32, #tpu.memory_space<hbm>>
      %dma_wait3A_41 = tpu.memref_squeeze %dma_wait3A_40 : memref<1x48x128xi32, #tpu.memory_space<hbm>> -> memref<48x128xi32, #tpu.memory_space<hbm>>
      %dma_wait3A_42 = arith.constant 0 : i32
      %dma_wait3A_43 = arith.constant 0 : i32
      %dma_wait3A_44 = tpu.memref_slice %arg2[%add3A, %dma_wait3A_42, %dma_wait3A_43] : memref<32x48x128xi32, #tpu.memory_space<hbm>> -> memref<1x48x128xi32, #tpu.memory_space<hbm>>
      %dma_wait3A_45 = tpu.memref_squeeze %dma_wait3A_44 : memref<1x48x128xi32, #tpu.memory_space<hbm>> -> memref<48x128xi32, #tpu.memory_space<hbm>>
      tpu.wait_dma2 semaphore(%run_scoped3A : memref<!tpu.dma_semaphore, #tpu.memory_space<semaphore_mem>>) src(%dma_wait3A_45 : memref<48x128xi32, #tpu.memory_space<hbm>>) dst(%arg13 : memref<48x128xi32, #tpu.memory_space<vmem>>)
      tpu.yield
    }) : () -> ()
    %scan3A = arith.constant 0 : i32
    %scan3A_3 = arith.constant 0 : i32
    %scan3A_4 = arith.constant 48 : i32
    %scan3A_5 = arith.addi %scan3A_3, %scan3A_4 : i32
    %scan3A_6 = arith.constant 1 : i32
    scf.for %scan3A_30 = %scan3A_3 to %scan3A_5 step %scan3A_6  : i32 {
      %dma_start3A_31 = arith.constant 0 : i32
      %dma_start3A_32 = tpu.memref_slice %arg13[%scan3A_30, %dma_start3A_31] : memref<48x128xi32, #tpu.memory_space<vmem>> -> memref<1x128xi32, #tpu.memory_space<vmem>>
      %dma_start3A_33 = tpu.memref_squeeze %dma_start3A_32 : memref<1x128xi32, #tpu.memory_space<vmem>> -> memref<128xi32, #tpu.memory_space<vmem>>
      %dma_start3A_34 = arith.constant 0 : i32
      %dma_start3A_35 = arith.constant 0 : i32
      %dma_start3A_36 = tpu.memref_slice %arg6[%dma_start3A_34, %dma_start3A_35] : memref<1015808x64xf32, #tpu.memory_space<hbm>> -> memref<1015808x64xf32, #tpu.memory_space<hbm>>
      tpu.enqueue_indirect_dma source(%dma_start3A_36 : memref<1015808x64xf32, #tpu.memory_space<hbm>>) target(%arg14 : memref<128x64xf32, #tpu.memory_space<vmem>>) offsets(%dma_start3A_33 : memref<128xi32, #tpu.memory_space<vmem>>) semaphore(%arg17 : memref<!tpu.dma_semaphore, #tpu.memory_space<semaphore_mem>>)
      %dma_wait3A_37 = arith.constant 0 : i32
      %dma_wait3A_38 = tpu.memref_slice %arg13[%scan3A_30, %dma_wait3A_37] : memref<48x128xi32, #tpu.memory_space<vmem>> -> memref<1x128xi32, #tpu.memory_space<vmem>>
      %dma_wait3A_39 = tpu.memref_squeeze %dma_wait3A_38 : memref<1x128xi32, #tpu.memory_space<vmem>> -> memref<128xi32, #tpu.memory_space<vmem>>
      %dma_wait3A_40 = arith.constant 0 : i32
      %dma_wait3A_41 = arith.constant 0 : i32
      %dma_wait3A_42 = tpu.memref_slice %arg6[%dma_wait3A_40, %dma_wait3A_41] : memref<1015808x64xf32, #tpu.memory_space<hbm>> -> memref<1015808x64xf32, #tpu.memory_space<hbm>>
      tpu.wait_indirect_dma semaphore(%arg17 : memref<!tpu.dma_semaphore, #tpu.memory_space<semaphore_mem>>) src(%dma_wait3A_42 : memref<1015808x64xf32, #tpu.memory_space<hbm>>) dst(%arg14 : memref<128x64xf32, #tpu.memory_space<vmem>>)
      %mul3A_43 = arith.constant 128 : i32
      %mul3A_44 = arith.muli %scan3A_30, %mul3A_43 : i32
      %add3A_45 = arith.addi %mul3A_2, %mul3A_44 : i32
      "tpu.region"() ({
        %run_scoped3A = tpu.sem_alloc : memref<!tpu.dma_semaphore, #tpu.memory_space<semaphore_mem>>
        %dma_start3A_46 = arith.constant 0 : i32
        %dma_start3A_47 = tpu.memref_slice %arg9[%add3A_45, %dma_start3A_46] : memref<196608x64xf32, #tpu.memory_space<hbm>> -> memref<128x64xf32, #tpu.memory_space<hbm>>
        %dma_start3A_48 = arith.constant 0 : i32
        %dma_start3A_49 = tpu.memref_slice %arg9[%add3A_45, %dma_start3A_48] : memref<196608x64xf32, #tpu.memory_space<hbm>> -> memref<128x64xf32, #tpu.memory_space<hbm>>
        tpu.enqueue_dma source(%arg14 : memref<128x64xf32, #tpu.memory_space<vmem>>) target(%dma_start3A_49 : memref<128x64xf32, #tpu.memory_space<hbm>>) target_semaphore(%run_scoped3A : memref<!tpu.dma_semaphore, #tpu.memory_space<semaphore_mem>>)
        %dma_wait3A_50 = arith.constant 0 : i32
        %dma_wait3A_51 = tpu.memref_slice %arg9[%add3A_45, %dma_wait3A_50] : memref<196608x64xf32, #tpu.memory_space<hbm>> -> memref<128x64xf32, #tpu.memory_space<hbm>>
        %dma_wait3A_52 = arith.constant 0 : i32
        %dma_wait3A_53 = tpu.memref_slice %arg9[%add3A_45, %dma_wait3A_52] : memref<196608x64xf32, #tpu.memory_space<hbm>> -> memref<128x64xf32, #tpu.memory_space<hbm>>
        tpu.wait_dma2 semaphore(%run_scoped3A : memref<!tpu.dma_semaphore, #tpu.memory_space<semaphore_mem>>) src(%arg14 : memref<128x64xf32, #tpu.memory_space<vmem>>) dst(%dma_wait3A_53 : memref<128x64xf32, #tpu.memory_space<hbm>>)
        tpu.yield
      }) : () -> ()
    }
    %scan3A_7 = arith.constant 48 : i32
    "tpu.region"() ({
      %run_scoped3A = tpu.sem_alloc : memref<!tpu.dma_semaphore, #tpu.memory_space<semaphore_mem>>
      %dma_start3A_30 = arith.constant 0 : i32
      %dma_start3A_31 = tpu.memref_slice %arg3[%add3A, %dma_start3A_30] : memref<32x32xi32, #tpu.memory_space<hbm>> -> memref<1x32xi32, #tpu.memory_space<hbm>>
      %dma_start3A_32 = tpu.memref_squeeze %dma_start3A_31 : memref<1x32xi32, #tpu.memory_space<hbm>> -> memref<32xi32, #tpu.memory_space<hbm>>
      %dma_start3A_33 = arith.constant 0 : i32
      %dma_start3A_34 = tpu.memref_slice %arg3[%add3A, %dma_start3A_33] : memref<32x32xi32, #tpu.memory_space<hbm>> -> memref<1x32xi32, #tpu.memory_space<hbm>>
      %dma_start3A_35 = tpu.memref_squeeze %dma_start3A_34 : memref<1x32xi32, #tpu.memory_space<hbm>> -> memref<32xi32, #tpu.memory_space<hbm>>
      tpu.enqueue_dma source(%dma_start3A_35 : memref<32xi32, #tpu.memory_space<hbm>>) target(%arg15 : memref<32xi32, #tpu.memory_space<vmem>>) target_semaphore(%run_scoped3A : memref<!tpu.dma_semaphore, #tpu.memory_space<semaphore_mem>>)
      %dma_wait3A_36 = arith.constant 0 : i32
      %dma_wait3A_37 = tpu.memref_slice %arg3[%add3A, %dma_wait3A_36] : memref<32x32xi32, #tpu.memory_space<hbm>> -> memref<1x32xi32, #tpu.memory_space<hbm>>
      %dma_wait3A_38 = tpu.memref_squeeze %dma_wait3A_37 : memref<1x32xi32, #tpu.memory_space<hbm>> -> memref<32xi32, #tpu.memory_space<hbm>>
      %dma_wait3A_39 = arith.constant 0 : i32
      %dma_wait3A_40 = tpu.memref_slice %arg3[%add3A, %dma_wait3A_39] : memref<32x32xi32, #tpu.memory_space<hbm>> -> memref<1x32xi32, #tpu.memory_space<hbm>>
      %dma_wait3A_41 = tpu.memref_squeeze %dma_wait3A_40 : memref<1x32xi32, #tpu.memory_space<hbm>> -> memref<32xi32, #tpu.memory_space<hbm>>
      tpu.wait_dma2 semaphore(%run_scoped3A : memref<!tpu.dma_semaphore, #tpu.memory_space<semaphore_mem>>) src(%dma_wait3A_41 : memref<32xi32, #tpu.memory_space<hbm>>) dst(%arg15 : memref<32xi32, #tpu.memory_space<vmem>>)
      tpu.yield
    }) : () -> ()
    %dma_start3A = arith.constant 0 : i32
    %dma_start3A_8 = arith.constant 0 : i32
    %dma_start3A_9 = tpu.memref_slice %arg7[%dma_start3A, %dma_start3A_8] : memref<16384x64xf32, #tpu.memory_space<hbm>> -> memref<16384x64xf32, #tpu.memory_space<hbm>>
    tpu.enqueue_indirect_dma source(%dma_start3A_9 : memref<16384x64xf32, #tpu.memory_space<hbm>>) target(%arg16 : memref<32x64xf32, #tpu.memory_space<vmem>>) offsets(%arg15 : memref<32xi32, #tpu.memory_space<vmem>>) semaphore(%arg17 : memref<!tpu.dma_semaphore, #tpu.memory_space<semaphore_mem>>)
    %dma_wait3A = arith.constant 0 : i32
    %dma_wait3A_10 = arith.constant 0 : i32
    %dma_wait3A_11 = tpu.memref_slice %arg7[%dma_wait3A, %dma_wait3A_10] : memref<16384x64xf32, #tpu.memory_space<hbm>> -> memref<16384x64xf32, #tpu.memory_space<hbm>>
    tpu.wait_indirect_dma semaphore(%arg17 : memref<!tpu.dma_semaphore, #tpu.memory_space<semaphore_mem>>) src(%dma_wait3A_11 : memref<16384x64xf32, #tpu.memory_space<hbm>>) dst(%arg16 : memref<32x64xf32, #tpu.memory_space<vmem>>)
    %mul3A_12 = arith.constant 32 : i32
    %mul3A_13 = arith.muli %add3A, %mul3A_12 : i32
    "tpu.region"() ({
      %run_scoped3A = tpu.sem_alloc : memref<!tpu.dma_semaphore, #tpu.memory_space<semaphore_mem>>
      %dma_start3A_30 = arith.constant 0 : i32
      %dma_start3A_31 = tpu.memref_slice %arg10[%mul3A_13, %dma_start3A_30] : memref<1024x64xf32, #tpu.memory_space<hbm>> -> memref<32x64xf32, #tpu.memory_space<hbm>>
      %dma_start3A_32 = arith.constant 0 : i32
      %dma_start3A_33 = tpu.memref_slice %arg10[%mul3A_13, %dma_start3A_32] : memref<1024x64xf32, #tpu.memory_space<hbm>> -> memref<32x64xf32, #tpu.memory_space<hbm>>
      tpu.enqueue_dma source(%arg16 : memref<32x64xf32, #tpu.memory_space<vmem>>) target(%dma_start3A_33 : memref<32x64xf32, #tpu.memory_space<hbm>>) target_semaphore(%run_scoped3A : memref<!tpu.dma_semaphore, #tpu.memory_space<semaphore_mem>>)
      %dma_wait3A_34 = arith.constant 0 : i32
      %dma_wait3A_35 = tpu.memref_slice %arg10[%mul3A_13, %dma_wait3A_34] : memref<1024x64xf32, #tpu.memory_space<hbm>> -> memref<32x64xf32, #tpu.memory_space<hbm>>
      %dma_wait3A_36 = arith.constant 0 : i32
      %dma_wait3A_37 = tpu.memref_slice %arg10[%mul3A_13, %dma_wait3A_36] : memref<1024x64xf32, #tpu.memory_space<hbm>> -> memref<32x64xf32, #tpu.memory_space<hbm>>
      tpu.wait_dma2 semaphore(%run_scoped3A : memref<!tpu.dma_semaphore, #tpu.memory_space<semaphore_mem>>) src(%arg16 : memref<32x64xf32, #tpu.memory_space<vmem>>) dst(%dma_wait3A_37 : memref<32x64xf32, #tpu.memory_space<hbm>>)
      tpu.yield
    }) : () -> ()
    "tpu.region"() ({
      %run_scoped3A = tpu.sem_alloc : memref<!tpu.dma_semaphore, #tpu.memory_space<semaphore_mem>>
      %dma_start3A_30 = arith.constant 0 : i32
      %dma_start3A_31 = tpu.memref_slice %arg4[%add3A, %dma_start3A_30] : memref<32x32xi32, #tpu.memory_space<hbm>> -> memref<1x32xi32, #tpu.memory_space<hbm>>
      %dma_start3A_32 = tpu.memref_squeeze %dma_start3A_31 : memref<1x32xi32, #tpu.memory_space<hbm>> -> memref<32xi32, #tpu.memory_space<hbm>>
      %dma_start3A_33 = arith.constant 0 : i32
      %dma_start3A_34 = tpu.memref_slice %arg4[%add3A, %dma_start3A_33] : memref<32x32xi32, #tpu.memory_space<hbm>> -> memref<1x32xi32, #tpu.memory_space<hbm>>
      %dma_start3A_35 = tpu.memref_squeeze %dma_start3A_34 : memref<1x32xi32, #tpu.memory_space<hbm>> -> memref<32xi32, #tpu.memory_space<hbm>>
      tpu.enqueue_dma source(%dma_start3A_35 : memref<32xi32, #tpu.memory_space<hbm>>) target(%arg15 : memref<32xi32, #tpu.memory_space<vmem>>) target_semaphore(%run_scoped3A : memref<!tpu.dma_semaphore, #tpu.memory_space<semaphore_mem>>)
      %dma_wait3A_36 = arith.constant 0 : i32
      %dma_wait3A_37 = tpu.memref_slice %arg4[%add3A, %dma_wait3A_36] : memref<32x32xi32, #tpu.memory_space<hbm>> -> memref<1x32xi32, #tpu.memory_space<hbm>>
      %dma_wait3A_38 = tpu.memref_squeeze %dma_wait3A_37 : memref<1x32xi32, #tpu.memory_space<hbm>> -> memref<32xi32, #tpu.memory_space<hbm>>
      %dma_wait3A_39 = arith.constant 0 : i32
      %dma_wait3A_40 = tpu.memref_slice %arg4[%add3A, %dma_wait3A_39] : memref<32x32xi32, #tpu.memory_space<hbm>> -> memref<1x32xi32, #tpu.memory_space<hbm>>
      %dma_wait3A_41 = tpu.memref_squeeze %dma_wait3A_40 : memref<1x32xi32, #tpu.memory_space<hbm>> -> memref<32xi32, #tpu.memory_space<hbm>>
      tpu.wait_dma2 semaphore(%run_scoped3A : memref<!tpu.dma_semaphore, #tpu.memory_space<semaphore_mem>>) src(%dma_wait3A_41 : memref<32xi32, #tpu.memory_space<hbm>>) dst(%arg15 : memref<32xi32, #tpu.memory_space<vmem>>)
      tpu.yield
    }) : () -> ()
    %dma_start3A_14 = arith.constant 0 : i32
    %dma_start3A_15 = arith.constant 0 : i32
    %dma_start3A_16 = tpu.memref_slice %arg8[%dma_start3A_14, %dma_start3A_15] : memref<114688x64xf32, #tpu.memory_space<hbm>> -> memref<114688x64xf32, #tpu.memory_space<hbm>>
    tpu.enqueue_indirect_dma source(%dma_start3A_16 : memref<114688x64xf32, #tpu.memory_space<hbm>>) target(%arg16 : memref<32x64xf32, #tpu.memory_space<vmem>>) offsets(%arg15 : memref<32xi32, #tpu.memory_space<vmem>>) semaphore(%arg17 : memref<!tpu.dma_semaphore, #tpu.memory_space<semaphore_mem>>)
    %dma_wait3A_17 = arith.constant 0 : i32
    %dma_wait3A_18 = arith.constant 0 : i32
    %dma_wait3A_19 = tpu.memref_slice %arg8[%dma_wait3A_17, %dma_wait3A_18] : memref<114688x64xf32, #tpu.memory_space<hbm>> -> memref<114688x64xf32, #tpu.memory_space<hbm>>
    tpu.wait_indirect_dma semaphore(%arg17 : memref<!tpu.dma_semaphore, #tpu.memory_space<semaphore_mem>>) src(%dma_wait3A_19 : memref<114688x64xf32, #tpu.memory_space<hbm>>) dst(%arg16 : memref<32x64xf32, #tpu.memory_space<vmem>>)
    %mul3A_20 = arith.constant 32 : i32
    %mul3A_21 = arith.muli %add3A, %mul3A_20 : i32
    "tpu.region"() ({
      %run_scoped3A = tpu.sem_alloc : memref<!tpu.dma_semaphore, #tpu.memory_space<semaphore_mem>>
      %dma_start3A_30 = arith.constant 0 : i32
      %dma_start3A_31 = tpu.memref_slice %arg11[%mul3A_21, %dma_start3A_30] : memref<1024x64xf32, #tpu.memory_space<hbm>> -> memref<32x64xf32, #tpu.memory_space<hbm>>
      %dma_start3A_32 = arith.constant 0 : i32
      %dma_start3A_33 = tpu.memref_slice %arg11[%mul3A_21, %dma_start3A_32] : memref<1024x64xf32, #tpu.memory_space<hbm>> -> memref<32x64xf32, #tpu.memory_space<hbm>>
      tpu.enqueue_dma source(%arg16 : memref<32x64xf32, #tpu.memory_space<vmem>>) target(%dma_start3A_33 : memref<32x64xf32, #tpu.memory_space<hbm>>) target_semaphore(%run_scoped3A : memref<!tpu.dma_semaphore, #tpu.memory_space<semaphore_mem>>)
      %dma_wait3A_34 = arith.constant 0 : i32
      %dma_wait3A_35 = tpu.memref_slice %arg11[%mul3A_21, %dma_wait3A_34] : memref<1024x64xf32, #tpu.memory_space<hbm>> -> memref<32x64xf32, #tpu.memory_space<hbm>>
      %dma_wait3A_36 = arith.constant 0 : i32
      %dma_wait3A_37 = tpu.memref_slice %arg11[%mul3A_21, %dma_wait3A_36] : memref<1024x64xf32, #tpu.memory_space<hbm>> -> memref<32x64xf32, #tpu.memory_space<hbm>>
      tpu.wait_dma2 semaphore(%run_scoped3A : memref<!tpu.dma_semaphore, #tpu.memory_space<semaphore_mem>>) src(%arg16 : memref<32x64xf32, #tpu.memory_space<vmem>>) dst(%dma_wait3A_37 : memref<32x64xf32, #tpu.memory_space<hbm>>)
      tpu.yield
    }) : () -> ()
    "tpu.region"() ({
      %run_scoped3A = tpu.sem_alloc : memref<!tpu.dma_semaphore, #tpu.memory_space<semaphore_mem>>
      %dma_start3A_30 = arith.constant 0 : i32
      %dma_start3A_31 = tpu.memref_slice %arg5[%add3A, %dma_start3A_30] : memref<32x32xi32, #tpu.memory_space<hbm>> -> memref<1x32xi32, #tpu.memory_space<hbm>>
      %dma_start3A_32 = tpu.memref_squeeze %dma_start3A_31 : memref<1x32xi32, #tpu.memory_space<hbm>> -> memref<32xi32, #tpu.memory_space<hbm>>
      %dma_start3A_33 = arith.constant 0 : i32
      %dma_start3A_34 = tpu.memref_slice %arg5[%add3A, %dma_start3A_33] : memref<32x32xi32, #tpu.memory_space<hbm>> -> memref<1x32xi32, #tpu.memory_space<hbm>>
      %dma_start3A_35 = tpu.memref_squeeze %dma_start3A_34 : memref<1x32xi32, #tpu.memory_space<hbm>> -> memref<32xi32, #tpu.memory_space<hbm>>
      tpu.enqueue_dma source(%dma_start3A_35 : memref<32xi32, #tpu.memory_space<hbm>>) target(%arg15 : memref<32xi32, #tpu.memory_space<vmem>>) target_semaphore(%run_scoped3A : memref<!tpu.dma_semaphore, #tpu.memory_space<semaphore_mem>>)
      %dma_wait3A_36 = arith.constant 0 : i32
      %dma_wait3A_37 = tpu.memref_slice %arg5[%add3A, %dma_wait3A_36] : memref<32x32xi32, #tpu.memory_space<hbm>> -> memref<1x32xi32, #tpu.memory_space<hbm>>
      %dma_wait3A_38 = tpu.memref_squeeze %dma_wait3A_37 : memref<1x32xi32, #tpu.memory_space<hbm>> -> memref<32xi32, #tpu.memory_space<hbm>>
      %dma_wait3A_39 = arith.constant 0 : i32
      %dma_wait3A_40 = tpu.memref_slice %arg5[%add3A, %dma_wait3A_39] : memref<32x32xi32, #tpu.memory_space<hbm>> -> memref<1x32xi32, #tpu.memory_space<hbm>>
      %dma_wait3A_41 = tpu.memref_squeeze %dma_wait3A_40 : memref<1x32xi32, #tpu.memory_space<hbm>> -> memref<32xi32, #tpu.memory_space<hbm>>
      tpu.wait_dma2 semaphore(%run_scoped3A : memref<!tpu.dma_semaphore, #tpu.memory_space<semaphore_mem>>) src(%dma_wait3A_41 : memref<32xi32, #tpu.memory_space<hbm>>) dst(%arg15 : memref<32xi32, #tpu.memory_space<vmem>>)
      tpu.yield
    }) : () -> ()
    %dma_start3A_22 = arith.constant 0 : i32
    %dma_start3A_23 = arith.constant 0 : i32
    %dma_start3A_24 = tpu.memref_slice %arg8[%dma_start3A_22, %dma_start3A_23] : memref<114688x64xf32, #tpu.memory_space<hbm>> -> memref<114688x64xf32, #tpu.memory_space<hbm>>
    tpu.enqueue_indirect_dma source(%dma_start3A_24 : memref<114688x64xf32, #tpu.memory_space<hbm>>) target(%arg16 : memref<32x64xf32, #tpu.memory_space<vmem>>) offsets(%arg15 : memref<32xi32, #tpu.memory_space<vmem>>) semaphore(%arg17 : memref<!tpu.dma_semaphore, #tpu.memory_space<semaphore_mem>>)
    %dma_wait3A_25 = arith.constant 0 : i32
    %dma_wait3A_26 = arith.constant 0 : i32
    %dma_wait3A_27 = tpu.memref_slice %arg8[%dma_wait3A_25, %dma_wait3A_26] : memref<114688x64xf32, #tpu.memory_space<hbm>> -> memref<114688x64xf32, #tpu.memory_space<hbm>>
    tpu.wait_indirect_dma semaphore(%arg17 : memref<!tpu.dma_semaphore, #tpu.memory_space<semaphore_mem>>) src(%dma_wait3A_27 : memref<114688x64xf32, #tpu.memory_space<hbm>>) dst(%arg16 : memref<32x64xf32, #tpu.memory_space<vmem>>)
    %mul3A_28 = arith.constant 32 : i32
    %mul3A_29 = arith.muli %add3A, %mul3A_28 : i32
    "tpu.region"() ({
      %run_scoped3A = tpu.sem_alloc : memref<!tpu.dma_semaphore, #tpu.memory_space<semaphore_mem>>
      %dma_start3A_30 = arith.constant 0 : i32
      %dma_start3A_31 = tpu.memref_slice %arg12[%mul3A_29, %dma_start3A_30] : memref<1024x64xf32, #tpu.memory_space<hbm>> -> memref<32x64xf32, #tpu.memory_space<hbm>>
      %dma_start3A_32 = arith.constant 0 : i32
      %dma_start3A_33 = tpu.memref_slice %arg12[%mul3A_29, %dma_start3A_32] : memref<1024x64xf32, #tpu.memory_space<hbm>> -> memref<32x64xf32, #tpu.memory_space<hbm>>
      tpu.enqueue_dma source(%arg16 : memref<32x64xf32, #tpu.memory_space<vmem>>) target(%dma_start3A_33 : memref<32x64xf32, #tpu.memory_space<hbm>>) target_semaphore(%run_scoped3A : memref<!tpu.dma_semaphore, #tpu.memory_space<semaphore_mem>>)
      %dma_wait3A_34 = arith.constant 0 : i32
      %dma_wait3A_35 = tpu.memref_slice %arg12[%mul3A_29, %dma_wait3A_34] : memref<1024x64xf32, #tpu.memory_space<hbm>> -> memref<32x64xf32, #tpu.memory_space<hbm>>
      %dma_wait3A_36 = arith.constant 0 : i32
      %dma_wait3A_37 = tpu.memref_slice %arg12[%mul3A_29, %dma_wait3A_36] : memref<1024x64xf32, #tpu.memory_space<hbm>> -> memref<32x64xf32, #tpu.memory_space<hbm>>
      tpu.wait_dma2 semaphore(%run_scoped3A : memref<!tpu.dma_semaphore, #tpu.memory_space<semaphore_mem>>) src(%arg16 : memref<32x64xf32, #tpu.memory_space<vmem>>) dst(%dma_wait3A_37 : memref<32x64xf32, #tpu.memory_space<hbm>>)
      tpu.yield
    }) : () -> ()
    return
  }
}

#map = affine_map<(d0, d1) -> (0, 0, 0)>
#map1 = affine_map<(d0, d1) -> (0, 0)>
module attributes {stable_mosaic.version = 14 : i64} {
  func.func @sc_gather(%arg0: i32, %arg1: i32, %arg2: memref<32x48x128xi32, #tpu.memory_space<hbm>>, %arg3: memref<32x32xi32, #tpu.memory_space<hbm>>, %arg4: memref<32x32xi32, #tpu.memory_space<hbm>>, %arg5: memref<32x32xi32, #tpu.memory_space<hbm>>, %arg6: memref<1015808x64xf32, #tpu.memory_space<hbm>>, %arg7: memref<16384x64xf32, #tpu.memory_space<hbm>>, %arg8: memref<114688x64xf32, #tpu.memory_space<hbm>>, %arg9: memref<196608x64xf32, #tpu.memory_space<hbm>>, %arg10: memref<1024x64xf32, #tpu.memory_space<hbm>>, %arg11: memref<1024x64xf32, #tpu.memory_space<hbm>>, %arg12: memref<1024x64xf32, #tpu.memory_space<hbm>>, %arg13: memref<48x128xi32, #tpu.memory_space<vmem>>, %arg14: memref<128x64xf32, #tpu.memory_space<vmem>>, %arg15: memref<32xi32, #tpu.memory_space<vmem>>, %arg16: memref<32x64xf32, #tpu.memory_space<vmem>>, %arg17: memref<!tpu.dma_semaphore, #tpu.memory_space<semaphore_mem>>) attributes {dimension_semantics = [#tpu.dimension_semantics<core_parallel>, #tpu.dimension_semantics<subcore_parallel>], iteration_bounds = array<i64: 2, 16>, scalar_prefetch = 0 : i64, scratch_operands = 5 : i64, tpu.core_type = #tpu.core_type<sc_vector_subcore>, window_params = [{transform_indices = #map}, {transform_indices = #map1}, {transform_indices = #map1}, {transform_indices = #map1}, {transform_indices = #map1}, {transform_indices = #map1}, {transform_indices = #map1}, {transform_indices = #map1}, {transform_indices = #map1}, {transform_indices = #map1}, {transform_indices = #map1}]} {
    %mul3A = arith.constant 2 : i32
    %mul3A_0 = arith.muli %arg1, %mul3A : i32
    %add3A = arith.addi %mul3A_0, %arg0 : i32
    %mul3A_1 = arith.constant 6144 : i32
    %mul3A_2 = arith.muli %add3A, %mul3A_1 : i32
    "tpu.region"() ({
      %run_scoped3A = tpu.sem_alloc : memref<!tpu.dma_semaphore, #tpu.memory_space<semaphore_mem>>
      %dma_start3A_30 = arith.constant 0 : i32
      %dma_start3A_31 = arith.constant 0 : i32
      %dma_start3A_32 = tpu.memref_slice %arg2[%add3A, %dma_start3A_30, %dma_start3A_31] : memref<32x48x128xi32, #tpu.memory_space<hbm>> -> memref<1x48x128xi32, #tpu.memory_space<hbm>>
      %dma_start3A_33 = tpu.memref_squeeze %dma_start3A_32 : memref<1x48x128xi32, #tpu.memory_space<hbm>> -> memref<48x128xi32, #tpu.memory_space<hbm>>
      %dma_start3A_34 = arith.constant 0 : i32
      %dma_start3A_35 = arith.constant 0 : i32
      %dma_start3A_36 = tpu.memref_slice %arg2[%add3A, %dma_start3A_34, %dma_start3A_35] : memref<32x48x128xi32, #tpu.memory_space<hbm>> -> memref<1x48x128xi32, #tpu.memory_space<hbm>>
      %dma_start3A_37 = tpu.memref_squeeze %dma_start3A_36 : memref<1x48x128xi32, #tpu.memory_space<hbm>> -> memref<48x128xi32, #tpu.memory_space<hbm>>
      tpu.enqueue_dma source(%dma_start3A_37 : memref<48x128xi32, #tpu.memory_space<hbm>>) target(%arg13 : memref<48x128xi32, #tpu.memory_space<vmem>>) target_semaphore(%run_scoped3A : memref<!tpu.dma_semaphore, #tpu.memory_space<semaphore_mem>>)
      %dma_wait3A_38 = arith.constant 0 : i32
      %dma_wait3A_39 = arith.constant 0 : i32
      %dma_wait3A_40 = tpu.memref_slice %arg2[%add3A, %dma_wait3A_38, %dma_wait3A_39] : memref<32x48x128xi32, #tpu.memory_space<hbm>> -> memref<1x48x128xi32, #tpu.memory_space<hbm>>
      %dma_wait3A_41 = tpu.memref_squeeze %dma_wait3A_40 : memref<1x48x128xi32, #tpu.memory_space<hbm>> -> memref<48x128xi32, #tpu.memory_space<hbm>>
      %dma_wait3A_42 = arith.constant 0 : i32
      %dma_wait3A_43 = arith.constant 0 : i32
      %dma_wait3A_44 = tpu.memref_slice %arg2[%add3A, %dma_wait3A_42, %dma_wait3A_43] : memref<32x48x128xi32, #tpu.memory_space<hbm>> -> memref<1x48x128xi32, #tpu.memory_space<hbm>>
      %dma_wait3A_45 = tpu.memref_squeeze %dma_wait3A_44 : memref<1x48x128xi32, #tpu.memory_space<hbm>> -> memref<48x128xi32, #tpu.memory_space<hbm>>
      tpu.wait_dma2 semaphore(%run_scoped3A : memref<!tpu.dma_semaphore, #tpu.memory_space<semaphore_mem>>) src(%dma_wait3A_45 : memref<48x128xi32, #tpu.memory_space<hbm>>) dst(%arg13 : memref<48x128xi32, #tpu.memory_space<vmem>>)
      tpu.yield
    }) : () -> ()
    %scan3A = arith.constant 0 : i32
    %scan3A_3 = arith.constant 0 : i32
    %scan3A_4 = arith.constant 48 : i32
    %scan3A_5 = arith.addi %scan3A_3, %scan3A_4 : i32
    %scan3A_6 = arith.constant 1 : i32
    scf.for %scan3A_30 = %scan3A_3 to %scan3A_5 step %scan3A_6  : i32 {
      %dma_start3A_31 = arith.constant 0 : i32
      %dma_start3A_32 = tpu.memref_slice %arg13[%scan3A_30, %dma_start3A_31] : memref<48x128xi32, #tpu.memory_space<vmem>> -> memref<1x128xi32, #tpu.memory_space<vmem>>
      %dma_start3A_33 = tpu.memref_squeeze %dma_start3A_32 : memref<1x128xi32, #tpu.memory_space<vmem>> -> memref<128xi32, #tpu.memory_space<vmem>>
      %dma_start3A_34 = arith.constant 0 : i32
      %dma_start3A_35 = arith.constant 0 : i32
      %dma_start3A_36 = tpu.memref_slice %arg6[%dma_start3A_34, %dma_start3A_35] : memref<1015808x64xf32, #tpu.memory_space<hbm>> -> memref<1015808x64xf32, #tpu.memory_space<hbm>>
      tpu.enqueue_indirect_dma source(%dma_start3A_36 : memref<1015808x64xf32, #tpu.memory_space<hbm>>) target(%arg14 : memref<128x64xf32, #tpu.memory_space<vmem>>) offsets(%dma_start3A_33 : memref<128xi32, #tpu.memory_space<vmem>>) semaphore(%arg17 : memref<!tpu.dma_semaphore, #tpu.memory_space<semaphore_mem>>)
      %dma_wait3A_37 = arith.constant 0 : i32
      %dma_wait3A_38 = tpu.memref_slice %arg13[%scan3A_30, %dma_wait3A_37] : memref<48x128xi32, #tpu.memory_space<vmem>> -> memref<1x128xi32, #tpu.memory_space<vmem>>
      %dma_wait3A_39 = tpu.memref_squeeze %dma_wait3A_38 : memref<1x128xi32, #tpu.memory_space<vmem>> -> memref<128xi32, #tpu.memory_space<vmem>>
      %dma_wait3A_40 = arith.constant 0 : i32
      %dma_wait3A_41 = arith.constant 0 : i32
      %dma_wait3A_42 = tpu.memref_slice %arg6[%dma_wait3A_40, %dma_wait3A_41] : memref<1015808x64xf32, #tpu.memory_space<hbm>> -> memref<1015808x64xf32, #tpu.memory_space<hbm>>
      tpu.wait_indirect_dma semaphore(%arg17 : memref<!tpu.dma_semaphore, #tpu.memory_space<semaphore_mem>>) src(%dma_wait3A_42 : memref<1015808x64xf32, #tpu.memory_space<hbm>>) dst(%arg14 : memref<128x64xf32, #tpu.memory_space<vmem>>)
      %mul3A_43 = arith.constant 128 : i32
      %mul3A_44 = arith.muli %scan3A_30, %mul3A_43 : i32
      %add3A_45 = arith.addi %mul3A_2, %mul3A_44 : i32
      "tpu.region"() ({
        %run_scoped3A = tpu.sem_alloc : memref<!tpu.dma_semaphore, #tpu.memory_space<semaphore_mem>>
        %dma_start3A_46 = arith.constant 0 : i32
        %dma_start3A_47 = tpu.memref_slice %arg9[%add3A_45, %dma_start3A_46] : memref<196608x64xf32, #tpu.memory_space<hbm>> -> memref<128x64xf32, #tpu.memory_space<hbm>>
        %dma_start3A_48 = arith.constant 0 : i32
        %dma_start3A_49 = tpu.memref_slice %arg9[%add3A_45, %dma_start3A_48] : memref<196608x64xf32, #tpu.memory_space<hbm>> -> memref<128x64xf32, #tpu.memory_space<hbm>>
        tpu.enqueue_dma source(%arg14 : memref<128x64xf32, #tpu.memory_space<vmem>>) target(%dma_start3A_49 : memref<128x64xf32, #tpu.memory_space<hbm>>) target_semaphore(%run_scoped3A : memref<!tpu.dma_semaphore, #tpu.memory_space<semaphore_mem>>)
        %dma_wait3A_50 = arith.constant 0 : i32
        %dma_wait3A_51 = tpu.memref_slice %arg9[%add3A_45, %dma_wait3A_50] : memref<196608x64xf32, #tpu.memory_space<hbm>> -> memref<128x64xf32, #tpu.memory_space<hbm>>
        %dma_wait3A_52 = arith.constant 0 : i32
        %dma_wait3A_53 = tpu.memref_slice %arg9[%add3A_45, %dma_wait3A_52] : memref<196608x64xf32, #tpu.memory_space<hbm>> -> memref<128x64xf32, #tpu.memory_space<hbm>>
        tpu.wait_dma2 semaphore(%run_scoped3A : memref<!tpu.dma_semaphore, #tpu.memory_space<semaphore_mem>>) src(%arg14 : memref<128x64xf32, #tpu.memory_space<vmem>>) dst(%dma_wait3A_53 : memref<128x64xf32, #tpu.memory_space<hbm>>)
        tpu.yield
      }) : () -> ()
    }
    %scan3A_7 = arith.constant 48 : i32
    "tpu.region"() ({
      %run_scoped3A = tpu.sem_alloc : memref<!tpu.dma_semaphore, #tpu.memory_space<semaphore_mem>>
      %dma_start3A_30 = arith.constant 0 : i32
      %dma_start3A_31 = tpu.memref_slice %arg3[%add3A, %dma_start3A_30] : memref<32x32xi32, #tpu.memory_space<hbm>> -> memref<1x32xi32, #tpu.memory_space<hbm>>
      %dma_start3A_32 = tpu.memref_squeeze %dma_start3A_31 : memref<1x32xi32, #tpu.memory_space<hbm>> -> memref<32xi32, #tpu.memory_space<hbm>>
      %dma_start3A_33 = arith.constant 0 : i32
      %dma_start3A_34 = tpu.memref_slice %arg3[%add3A, %dma_start3A_33] : memref<32x32xi32, #tpu.memory_space<hbm>> -> memref<1x32xi32, #tpu.memory_space<hbm>>
      %dma_start3A_35 = tpu.memref_squeeze %dma_start3A_34 : memref<1x32xi32, #tpu.memory_space<hbm>> -> memref<32xi32, #tpu.memory_space<hbm>>
      tpu.enqueue_dma source(%dma_start3A_35 : memref<32xi32, #tpu.memory_space<hbm>>) target(%arg15 : memref<32xi32, #tpu.memory_space<vmem>>) target_semaphore(%run_scoped3A : memref<!tpu.dma_semaphore, #tpu.memory_space<semaphore_mem>>)
      %dma_wait3A_36 = arith.constant 0 : i32
      %dma_wait3A_37 = tpu.memref_slice %arg3[%add3A, %dma_wait3A_36] : memref<32x32xi32, #tpu.memory_space<hbm>> -> memref<1x32xi32, #tpu.memory_space<hbm>>
      %dma_wait3A_38 = tpu.memref_squeeze %dma_wait3A_37 : memref<1x32xi32, #tpu.memory_space<hbm>> -> memref<32xi32, #tpu.memory_space<hbm>>
      %dma_wait3A_39 = arith.constant 0 : i32
      %dma_wait3A_40 = tpu.memref_slice %arg3[%add3A, %dma_wait3A_39] : memref<32x32xi32, #tpu.memory_space<hbm>> -> memref<1x32xi32, #tpu.memory_space<hbm>>
      %dma_wait3A_41 = tpu.memref_squeeze %dma_wait3A_40 : memref<1x32xi32, #tpu.memory_space<hbm>> -> memref<32xi32, #tpu.memory_space<hbm>>
      tpu.wait_dma2 semaphore(%run_scoped3A : memref<!tpu.dma_semaphore, #tpu.memory_space<semaphore_mem>>) src(%dma_wait3A_41 : memref<32xi32, #tpu.memory_space<hbm>>) dst(%arg15 : memref<32xi32, #tpu.memory_space<vmem>>)
      tpu.yield
    }) : () -> ()
    %dma_start3A = arith.constant 0 : i32
    %dma_start3A_8 = arith.constant 0 : i32
    %dma_start3A_9 = tpu.memref_slice %arg7[%dma_start3A, %dma_start3A_8] : memref<16384x64xf32, #tpu.memory_space<hbm>> -> memref<16384x64xf32, #tpu.memory_space<hbm>>
    tpu.enqueue_indirect_dma source(%dma_start3A_9 : memref<16384x64xf32, #tpu.memory_space<hbm>>) target(%arg16 : memref<32x64xf32, #tpu.memory_space<vmem>>) offsets(%arg15 : memref<32xi32, #tpu.memory_space<vmem>>) semaphore(%arg17 : memref<!tpu.dma_semaphore, #tpu.memory_space<semaphore_mem>>)
    %dma_wait3A = arith.constant 0 : i32
    %dma_wait3A_10 = arith.constant 0 : i32
    %dma_wait3A_11 = tpu.memref_slice %arg7[%dma_wait3A, %dma_wait3A_10] : memref<16384x64xf32, #tpu.memory_space<hbm>> -> memref<16384x64xf32, #tpu.memory_space<hbm>>
    tpu.wait_indirect_dma semaphore(%arg17 : memref<!tpu.dma_semaphore, #tpu.memory_space<semaphore_mem>>) src(%dma_wait3A_11 : memref<16384x64xf32, #tpu.memory_space<hbm>>) dst(%arg16 : memref<32x64xf32, #tpu.memory_space<vmem>>)
    %mul3A_12 = arith.constant 32 : i32
    %mul3A_13 = arith.muli %add3A, %mul3A_12 : i32
    "tpu.region"() ({
      %run_scoped3A = tpu.sem_alloc : memref<!tpu.dma_semaphore, #tpu.memory_space<semaphore_mem>>
      %dma_start3A_30 = arith.constant 0 : i32
      %dma_start3A_31 = tpu.memref_slice %arg10[%mul3A_13, %dma_start3A_30] : memref<1024x64xf32, #tpu.memory_space<hbm>> -> memref<32x64xf32, #tpu.memory_space<hbm>>
      %dma_start3A_32 = arith.constant 0 : i32
      %dma_start3A_33 = tpu.memref_slice %arg10[%mul3A_13, %dma_start3A_32] : memref<1024x64xf32, #tpu.memory_space<hbm>> -> memref<32x64xf32, #tpu.memory_space<hbm>>
      tpu.enqueue_dma source(%arg16 : memref<32x64xf32, #tpu.memory_space<vmem>>) target(%dma_start3A_33 : memref<32x64xf32, #tpu.memory_space<hbm>>) target_semaphore(%run_scoped3A : memref<!tpu.dma_semaphore, #tpu.memory_space<semaphore_mem>>)
      %dma_wait3A_34 = arith.constant 0 : i32
      %dma_wait3A_35 = tpu.memref_slice %arg10[%mul3A_13, %dma_wait3A_34] : memref<1024x64xf32, #tpu.memory_space<hbm>> -> memref<32x64xf32, #tpu.memory_space<hbm>>
      %dma_wait3A_36 = arith.constant 0 : i32
      %dma_wait3A_37 = tpu.memref_slice %arg10[%mul3A_13, %dma_wait3A_36] : memref<1024x64xf32, #tpu.memory_space<hbm>> -> memref<32x64xf32, #tpu.memory_space<hbm>>
      tpu.wait_dma2 semaphore(%run_scoped3A : memref<!tpu.dma_semaphore, #tpu.memory_space<semaphore_mem>>) src(%arg16 : memref<32x64xf32, #tpu.memory_space<vmem>>) dst(%dma_wait3A_37 : memref<32x64xf32, #tpu.memory_space<hbm>>)
      tpu.yield
    }) : () -> ()
    "tpu.region"() ({
      %run_scoped3A = tpu.sem_alloc : memref<!tpu.dma_semaphore, #tpu.memory_space<semaphore_mem>>
      %dma_start3A_30 = arith.constant 0 : i32
      %dma_start3A_31 = tpu.memref_slice %arg4[%add3A, %dma_start3A_30] : memref<32x32xi32, #tpu.memory_space<hbm>> -> memref<1x32xi32, #tpu.memory_space<hbm>>
      %dma_start3A_32 = tpu.memref_squeeze %dma_start3A_31 : memref<1x32xi32, #tpu.memory_space<hbm>> -> memref<32xi32, #tpu.memory_space<hbm>>
      %dma_start3A_33 = arith.constant 0 : i32
      %dma_start3A_34 = tpu.memref_slice %arg4[%add3A, %dma_start3A_33] : memref<32x32xi32, #tpu.memory_space<hbm>> -> memref<1x32xi32, #tpu.memory_space<hbm>>
      %dma_start3A_35 = tpu.memref_squeeze %dma_start3A_34 : memref<1x32xi32, #tpu.memory_space<hbm>> -> memref<32xi32, #tpu.memory_space<hbm>>
      tpu.enqueue_dma source(%dma_start3A_35 : memref<32xi32, #tpu.memory_space<hbm>>) target(%arg15 : memref<32xi32, #tpu.memory_space<vmem>>) target_semaphore(%run_scoped3A : memref<!tpu.dma_semaphore, #tpu.memory_space<semaphore_mem>>)
      %dma_wait3A_36 = arith.constant 0 : i32
      %dma_wait3A_37 = tpu.memref_slice %arg4[%add3A, %dma_wait3A_36] : memref<32x32xi32, #tpu.memory_space<hbm>> -> memref<1x32xi32, #tpu.memory_space<hbm>>
      %dma_wait3A_38 = tpu.memref_squeeze %dma_wait3A_37 : memref<1x32xi32, #tpu.memory_space<hbm>> -> memref<32xi32, #tpu.memory_space<hbm>>
      %dma_wait3A_39 = arith.constant 0 : i32
      %dma_wait3A_40 = tpu.memref_slice %arg4[%add3A, %dma_wait3A_39] : memref<32x32xi32, #tpu.memory_space<hbm>> -> memref<1x32xi32, #tpu.memory_space<hbm>>
      %dma_wait3A_41 = tpu.memref_squeeze %dma_wait3A_40 : memref<1x32xi32, #tpu.memory_space<hbm>> -> memref<32xi32, #tpu.memory_space<hbm>>
      tpu.wait_dma2 semaphore(%run_scoped3A : memref<!tpu.dma_semaphore, #tpu.memory_space<semaphore_mem>>) src(%dma_wait3A_41 : memref<32xi32, #tpu.memory_space<hbm>>) dst(%arg15 : memref<32xi32, #tpu.memory_space<vmem>>)
      tpu.yield
    }) : () -> ()
    %dma_start3A_14 = arith.constant 0 : i32
    %dma_start3A_15 = arith.constant 0 : i32
    %dma_start3A_16 = tpu.memref_slice %arg8[%dma_start3A_14, %dma_start3A_15] : memref<114688x64xf32, #tpu.memory_space<hbm>> -> memref<114688x64xf32, #tpu.memory_space<hbm>>
    tpu.enqueue_indirect_dma source(%dma_start3A_16 : memref<114688x64xf32, #tpu.memory_space<hbm>>) target(%arg16 : memref<32x64xf32, #tpu.memory_space<vmem>>) offsets(%arg15 : memref<32xi32, #tpu.memory_space<vmem>>) semaphore(%arg17 : memref<!tpu.dma_semaphore, #tpu.memory_space<semaphore_mem>>)
    %dma_wait3A_17 = arith.constant 0 : i32
    %dma_wait3A_18 = arith.constant 0 : i32
    %dma_wait3A_19 = tpu.memref_slice %arg8[%dma_wait3A_17, %dma_wait3A_18] : memref<114688x64xf32, #tpu.memory_space<hbm>> -> memref<114688x64xf32, #tpu.memory_space<hbm>>
    tpu.wait_indirect_dma semaphore(%arg17 : memref<!tpu.dma_semaphore, #tpu.memory_space<semaphore_mem>>) src(%dma_wait3A_19 : memref<114688x64xf32, #tpu.memory_space<hbm>>) dst(%arg16 : memref<32x64xf32, #tpu.memory_space<vmem>>)
    %mul3A_20 = arith.constant 32 : i32
    %mul3A_21 = arith.muli %add3A, %mul3A_20 : i32
    "tpu.region"() ({
      %run_scoped3A = tpu.sem_alloc : memref<!tpu.dma_semaphore, #tpu.memory_space<semaphore_mem>>
      %dma_start3A_30 = arith.constant 0 : i32
      %dma_start3A_31 = tpu.memref_slice %arg11[%mul3A_21, %dma_start3A_30] : memref<1024x64xf32, #tpu.memory_space<hbm>> -> memref<32x64xf32, #tpu.memory_space<hbm>>
      %dma_start3A_32 = arith.constant 0 : i32
      %dma_start3A_33 = tpu.memref_slice %arg11[%mul3A_21, %dma_start3A_32] : memref<1024x64xf32, #tpu.memory_space<hbm>> -> memref<32x64xf32, #tpu.memory_space<hbm>>
      tpu.enqueue_dma source(%arg16 : memref<32x64xf32, #tpu.memory_space<vmem>>) target(%dma_start3A_33 : memref<32x64xf32, #tpu.memory_space<hbm>>) target_semaphore(%run_scoped3A : memref<!tpu.dma_semaphore, #tpu.memory_space<semaphore_mem>>)
      %dma_wait3A_34 = arith.constant 0 : i32
      %dma_wait3A_35 = tpu.memref_slice %arg11[%mul3A_21, %dma_wait3A_34] : memref<1024x64xf32, #tpu.memory_space<hbm>> -> memref<32x64xf32, #tpu.memory_space<hbm>>
      %dma_wait3A_36 = arith.constant 0 : i32
      %dma_wait3A_37 = tpu.memref_slice %arg11[%mul3A_21, %dma_wait3A_36] : memref<1024x64xf32, #tpu.memory_space<hbm>> -> memref<32x64xf32, #tpu.memory_space<hbm>>
      tpu.wait_dma2 semaphore(%run_scoped3A : memref<!tpu.dma_semaphore, #tpu.memory_space<semaphore_mem>>) src(%arg16 : memref<32x64xf32, #tpu.memory_space<vmem>>) dst(%dma_wait3A_37 : memref<32x64xf32, #tpu.memory_space<hbm>>)
      tpu.yield
    }) : () -> ()
    "tpu.region"() ({
      %run_scoped3A = tpu.sem_alloc : memref<!tpu.dma_semaphore, #tpu.memory_space<semaphore_mem>>
      %dma_start3A_30 = arith.constant 0 : i32
      %dma_start3A_31 = tpu.memref_slice %arg5[%add3A, %dma_start3A_30] : memref<32x32xi32, #tpu.memory_space<hbm>> -> memref<1x32xi32, #tpu.memory_space<hbm>>
      %dma_start3A_32 = tpu.memref_squeeze %dma_start3A_31 : memref<1x32xi32, #tpu.memory_space<hbm>> -> memref<32xi32, #tpu.memory_space<hbm>>
      %dma_start3A_33 = arith.constant 0 : i32
      %dma_start3A_34 = tpu.memref_slice %arg5[%add3A, %dma_start3A_33] : memref<32x32xi32, #tpu.memory_space<hbm>> -> memref<1x32xi32, #tpu.memory_space<hbm>>
      %dma_start3A_35 = tpu.memref_squeeze %dma_start3A_34 : memref<1x32xi32, #tpu.memory_space<hbm>> -> memref<32xi32, #tpu.memory_space<hbm>>
      tpu.enqueue_dma source(%dma_start3A_35 : memref<32xi32, #tpu.memory_space<hbm>>) target(%arg15 : memref<32xi32, #tpu.memory_space<vmem>>) target_semaphore(%run_scoped3A : memref<!tpu.dma_semaphore, #tpu.memory_space<semaphore_mem>>)
      %dma_wait3A_36 = arith.constant 0 : i32
      %dma_wait3A_37 = tpu.memref_slice %arg5[%add3A, %dma_wait3A_36] : memref<32x32xi32, #tpu.memory_space<hbm>> -> memref<1x32xi32, #tpu.memory_space<hbm>>
      %dma_wait3A_38 = tpu.memref_squeeze %dma_wait3A_37 : memref<1x32xi32, #tpu.memory_space<hbm>> -> memref<32xi32, #tpu.memory_space<hbm>>
      %dma_wait3A_39 = arith.constant 0 : i32
      %dma_wait3A_40 = tpu.memref_slice %arg5[%add3A, %dma_wait3A_39] : memref<32x32xi32, #tpu.memory_space<hbm>> -> memref<1x32xi32, #tpu.memory_space<hbm>>
      %dma_wait3A_41 = tpu.memref_squeeze %dma_wait3A_40 : memref<1x32xi32, #tpu.memory_space<hbm>> -> memref<32xi32, #tpu.memory_space<hbm>>
      tpu.wait_dma2 semaphore(%run_scoped3A : memref<!tpu.dma_semaphore, #tpu.memory_space<semaphore_mem>>) src(%dma_wait3A_41 : memref<32xi32, #tpu.memory_space<hbm>>) dst(%arg15 : memref<32xi32, #tpu.memory_space<vmem>>)
      tpu.yield
    }) : () -> ()
    %dma_start3A_22 = arith.constant 0 : i32
    %dma_start3A_23 = arith.constant 0 : i32
    %dma_start3A_24 = tpu.memref_slice %arg8[%dma_start3A_22, %dma_start3A_23] : memref<114688x64xf32, #tpu.memory_space<hbm>> -> memref<114688x64xf32, #tpu.memory_space<hbm>>
    tpu.enqueue_indirect_dma source(%dma_start3A_24 : memref<114688x64xf32, #tpu.memory_space<hbm>>) target(%arg16 : memref<32x64xf32, #tpu.memory_space<vmem>>) offsets(%arg15 : memref<32xi32, #tpu.memory_space<vmem>>) semaphore(%arg17 : memref<!tpu.dma_semaphore, #tpu.memory_space<semaphore_mem>>)
    %dma_wait3A_25 = arith.constant 0 : i32
    %dma_wait3A_26 = arith.constant 0 : i32
    %dma_wait3A_27 = tpu.memref_slice %arg8[%dma_wait3A_25, %dma_wait3A_26] : memref<114688x64xf32, #tpu.memory_space<hbm>> -> memref<114688x64xf32, #tpu.memory_space<hbm>>
    tpu.wait_indirect_dma semaphore(%arg17 : memref<!tpu.dma_semaphore, #tpu.memory_space<semaphore_mem>>) src(%dma_wait3A_27 : memref<114688x64xf32, #tpu.memory_space<hbm>>) dst(%arg16 : memref<32x64xf32, #tpu.memory_space<vmem>>)
    %mul3A_28 = arith.constant 32 : i32
    %mul3A_29 = arith.muli %add3A, %mul3A_28 : i32
    "tpu.region"() ({
      %run_scoped3A = tpu.sem_alloc : memref<!tpu.dma_semaphore, #tpu.memory_space<semaphore_mem>>
      %dma_start3A_30 = arith.constant 0 : i32
      %dma_start3A_31 = tpu.memref_slice %arg12[%mul3A_29, %dma_start3A_30] : memref<1024x64xf32, #tpu.memory_space<hbm>> -> memref<32x64xf32, #tpu.memory_space<hbm>>
      %dma_start3A_32 = arith.constant 0 : i32
      %dma_start3A_33 = tpu.memref_slice %arg12[%mul3A_29, %dma_start3A_32] : memref<1024x64xf32, #tpu.memory_space<hbm>> -> memref<32x64xf32, #tpu.memory_space<hbm>>
      tpu.enqueue_dma source(%arg16 : memref<32x64xf32, #tpu.memory_space<vmem>>) target(%dma_start3A_33 : memref<32x64xf32, #tpu.memory_space<hbm>>) target_semaphore(%run_scoped3A : memref<!tpu.dma_semaphore, #tpu.memory_space<semaphore_mem>>)
      %dma_wait3A_34 = arith.constant 0 : i32
      %dma_wait3A_35 = tpu.memref_slice %arg12[%mul3A_29, %dma_wait3A_34] : memref<1024x64xf32, #tpu.memory_space<hbm>> -> memref<32x64xf32, #tpu.memory_space<hbm>>
      %dma_wait3A_36 = arith.constant 0 : i32
      %dma_wait3A_37 = tpu.memref_slice %arg12[%mul3A_29, %dma_wait3A_36] : memref<1024x64xf32, #tpu.memory_space<hbm>> -> memref<32x64xf32, #tpu.memory_space<hbm>>
      tpu.wait_dma2 semaphore(%run_scoped3A : memref<!tpu.dma_semaphore, #tpu.memory_space<semaphore_mem>>) src(%arg16 : memref<32x64xf32, #tpu.memory_space<vmem>>) dst(%dma_wait3A_37 : memref<32x64xf32, #tpu.memory_space<hbm>>)
      tpu.yield
    }) : () -> ()
    return
  }
}

#map = affine_map<(d0, d1) -> (0, 0, 0)>
#map1 = affine_map<(d0, d1) -> (0, 0)>
module attributes {stable_mosaic.version = 14 : i64} {
  func.func @sc_gather(%arg0: i32, %arg1: i32, %arg2: memref<32x48x128xi32, #tpu.memory_space<hbm>>, %arg3: memref<32x32xi32, #tpu.memory_space<hbm>>, %arg4: memref<32x32xi32, #tpu.memory_space<hbm>>, %arg5: memref<32x32xi32, #tpu.memory_space<hbm>>, %arg6: memref<1015808x64xf32, #tpu.memory_space<hbm>>, %arg7: memref<16384x64xf32, #tpu.memory_space<hbm>>, %arg8: memref<114688x64xf32, #tpu.memory_space<hbm>>, %arg9: memref<196608x64xf32, #tpu.memory_space<hbm>>, %arg10: memref<1024x64xf32, #tpu.memory_space<hbm>>, %arg11: memref<1024x64xf32, #tpu.memory_space<hbm>>, %arg12: memref<1024x64xf32, #tpu.memory_space<hbm>>, %arg13: memref<48x128xi32, #tpu.memory_space<vmem>>, %arg14: memref<128x64xf32, #tpu.memory_space<vmem>>, %arg15: memref<32xi32, #tpu.memory_space<vmem>>, %arg16: memref<32x64xf32, #tpu.memory_space<vmem>>, %arg17: memref<!tpu.dma_semaphore, #tpu.memory_space<semaphore_mem>>) attributes {dimension_semantics = [#tpu.dimension_semantics<core_parallel>, #tpu.dimension_semantics<subcore_parallel>], iteration_bounds = array<i64: 2, 16>, scalar_prefetch = 0 : i64, scratch_operands = 5 : i64, tpu.core_type = #tpu.core_type<sc_vector_subcore>, window_params = [{transform_indices = #map}, {transform_indices = #map1}, {transform_indices = #map1}, {transform_indices = #map1}, {transform_indices = #map1}, {transform_indices = #map1}, {transform_indices = #map1}, {transform_indices = #map1}, {transform_indices = #map1}, {transform_indices = #map1}, {transform_indices = #map1}]} {
    %mul3A = arith.constant 2 : i32
    %mul3A_0 = arith.muli %arg1, %mul3A : i32
    %add3A = arith.addi %mul3A_0, %arg0 : i32
    %mul3A_1 = arith.constant 6144 : i32
    %mul3A_2 = arith.muli %add3A, %mul3A_1 : i32
    "tpu.region"() ({
      %run_scoped3A = tpu.sem_alloc : memref<!tpu.dma_semaphore, #tpu.memory_space<semaphore_mem>>
      %dma_start3A_30 = arith.constant 0 : i32
      %dma_start3A_31 = arith.constant 0 : i32
      %dma_start3A_32 = tpu.memref_slice %arg2[%add3A, %dma_start3A_30, %dma_start3A_31] : memref<32x48x128xi32, #tpu.memory_space<hbm>> -> memref<1x48x128xi32, #tpu.memory_space<hbm>>
      %dma_start3A_33 = tpu.memref_squeeze %dma_start3A_32 : memref<1x48x128xi32, #tpu.memory_space<hbm>> -> memref<48x128xi32, #tpu.memory_space<hbm>>
      %dma_start3A_34 = arith.constant 0 : i32
      %dma_start3A_35 = arith.constant 0 : i32
      %dma_start3A_36 = tpu.memref_slice %arg2[%add3A, %dma_start3A_34, %dma_start3A_35] : memref<32x48x128xi32, #tpu.memory_space<hbm>> -> memref<1x48x128xi32, #tpu.memory_space<hbm>>
      %dma_start3A_37 = tpu.memref_squeeze %dma_start3A_36 : memref<1x48x128xi32, #tpu.memory_space<hbm>> -> memref<48x128xi32, #tpu.memory_space<hbm>>
      tpu.enqueue_dma source(%dma_start3A_37 : memref<48x128xi32, #tpu.memory_space<hbm>>) target(%arg13 : memref<48x128xi32, #tpu.memory_space<vmem>>) target_semaphore(%run_scoped3A : memref<!tpu.dma_semaphore, #tpu.memory_space<semaphore_mem>>)
      %dma_wait3A_38 = arith.constant 0 : i32
      %dma_wait3A_39 = arith.constant 0 : i32
      %dma_wait3A_40 = tpu.memref_slice %arg2[%add3A, %dma_wait3A_38, %dma_wait3A_39] : memref<32x48x128xi32, #tpu.memory_space<hbm>> -> memref<1x48x128xi32, #tpu.memory_space<hbm>>
      %dma_wait3A_41 = tpu.memref_squeeze %dma_wait3A_40 : memref<1x48x128xi32, #tpu.memory_space<hbm>> -> memref<48x128xi32, #tpu.memory_space<hbm>>
      %dma_wait3A_42 = arith.constant 0 : i32
      %dma_wait3A_43 = arith.constant 0 : i32
      %dma_wait3A_44 = tpu.memref_slice %arg2[%add3A, %dma_wait3A_42, %dma_wait3A_43] : memref<32x48x128xi32, #tpu.memory_space<hbm>> -> memref<1x48x128xi32, #tpu.memory_space<hbm>>
      %dma_wait3A_45 = tpu.memref_squeeze %dma_wait3A_44 : memref<1x48x128xi32, #tpu.memory_space<hbm>> -> memref<48x128xi32, #tpu.memory_space<hbm>>
      tpu.wait_dma2 semaphore(%run_scoped3A : memref<!tpu.dma_semaphore, #tpu.memory_space<semaphore_mem>>) src(%dma_wait3A_45 : memref<48x128xi32, #tpu.memory_space<hbm>>) dst(%arg13 : memref<48x128xi32, #tpu.memory_space<vmem>>)
      tpu.yield
    }) : () -> ()
    %scan3A = arith.constant 0 : i32
    %scan3A_3 = arith.constant 0 : i32
    %scan3A_4 = arith.constant 48 : i32
    %scan3A_5 = arith.addi %scan3A_3, %scan3A_4 : i32
    %scan3A_6 = arith.constant 1 : i32
    scf.for %scan3A_30 = %scan3A_3 to %scan3A_5 step %scan3A_6  : i32 {
      %dma_start3A_31 = arith.constant 0 : i32
      %dma_start3A_32 = tpu.memref_slice %arg13[%scan3A_30, %dma_start3A_31] : memref<48x128xi32, #tpu.memory_space<vmem>> -> memref<1x128xi32, #tpu.memory_space<vmem>>
      %dma_start3A_33 = tpu.memref_squeeze %dma_start3A_32 : memref<1x128xi32, #tpu.memory_space<vmem>> -> memref<128xi32, #tpu.memory_space<vmem>>
      %dma_start3A_34 = arith.constant 0 : i32
      %dma_start3A_35 = arith.constant 0 : i32
      %dma_start3A_36 = tpu.memref_slice %arg6[%dma_start3A_34, %dma_start3A_35] : memref<1015808x64xf32, #tpu.memory_space<hbm>> -> memref<1015808x64xf32, #tpu.memory_space<hbm>>
      tpu.enqueue_indirect_dma source(%dma_start3A_36 : memref<1015808x64xf32, #tpu.memory_space<hbm>>) target(%arg14 : memref<128x64xf32, #tpu.memory_space<vmem>>) offsets(%dma_start3A_33 : memref<128xi32, #tpu.memory_space<vmem>>) semaphore(%arg17 : memref<!tpu.dma_semaphore, #tpu.memory_space<semaphore_mem>>)
      %dma_wait3A_37 = arith.constant 0 : i32
      %dma_wait3A_38 = tpu.memref_slice %arg13[%scan3A_30, %dma_wait3A_37] : memref<48x128xi32, #tpu.memory_space<vmem>> -> memref<1x128xi32, #tpu.memory_space<vmem>>
      %dma_wait3A_39 = tpu.memref_squeeze %dma_wait3A_38 : memref<1x128xi32, #tpu.memory_space<vmem>> -> memref<128xi32, #tpu.memory_space<vmem>>
      %dma_wait3A_40 = arith.constant 0 : i32
      %dma_wait3A_41 = arith.constant 0 : i32
      %dma_wait3A_42 = tpu.memref_slice %arg6[%dma_wait3A_40, %dma_wait3A_41] : memref<1015808x64xf32, #tpu.memory_space<hbm>> -> memref<1015808x64xf32, #tpu.memory_space<hbm>>
      tpu.wait_indirect_dma semaphore(%arg17 : memref<!tpu.dma_semaphore, #tpu.memory_space<semaphore_mem>>) src(%dma_wait3A_42 : memref<1015808x64xf32, #tpu.memory_space<hbm>>) dst(%arg14 : memref<128x64xf32, #tpu.memory_space<vmem>>)
      %mul3A_43 = arith.constant 128 : i32
      %mul3A_44 = arith.muli %scan3A_30, %mul3A_43 : i32
      %add3A_45 = arith.addi %mul3A_2, %mul3A_44 : i32
      "tpu.region"() ({
        %run_scoped3A = tpu.sem_alloc : memref<!tpu.dma_semaphore, #tpu.memory_space<semaphore_mem>>
        %dma_start3A_46 = arith.constant 0 : i32
        %dma_start3A_47 = tpu.memref_slice %arg9[%add3A_45, %dma_start3A_46] : memref<196608x64xf32, #tpu.memory_space<hbm>> -> memref<128x64xf32, #tpu.memory_space<hbm>>
        %dma_start3A_48 = arith.constant 0 : i32
        %dma_start3A_49 = tpu.memref_slice %arg9[%add3A_45, %dma_start3A_48] : memref<196608x64xf32, #tpu.memory_space<hbm>> -> memref<128x64xf32, #tpu.memory_space<hbm>>
        tpu.enqueue_dma source(%arg14 : memref<128x64xf32, #tpu.memory_space<vmem>>) target(%dma_start3A_49 : memref<128x64xf32, #tpu.memory_space<hbm>>) target_semaphore(%run_scoped3A : memref<!tpu.dma_semaphore, #tpu.memory_space<semaphore_mem>>)
        %dma_wait3A_50 = arith.constant 0 : i32
        %dma_wait3A_51 = tpu.memref_slice %arg9[%add3A_45, %dma_wait3A_50] : memref<196608x64xf32, #tpu.memory_space<hbm>> -> memref<128x64xf32, #tpu.memory_space<hbm>>
        %dma_wait3A_52 = arith.constant 0 : i32
        %dma_wait3A_53 = tpu.memref_slice %arg9[%add3A_45, %dma_wait3A_52] : memref<196608x64xf32, #tpu.memory_space<hbm>> -> memref<128x64xf32, #tpu.memory_space<hbm>>
        tpu.wait_dma2 semaphore(%run_scoped3A : memref<!tpu.dma_semaphore, #tpu.memory_space<semaphore_mem>>) src(%arg14 : memref<128x64xf32, #tpu.memory_space<vmem>>) dst(%dma_wait3A_53 : memref<128x64xf32, #tpu.memory_space<hbm>>)
        tpu.yield
      }) : () -> ()
    }
    %scan3A_7 = arith.constant 48 : i32
    "tpu.region"() ({
      %run_scoped3A = tpu.sem_alloc : memref<!tpu.dma_semaphore, #tpu.memory_space<semaphore_mem>>
      %dma_start3A_30 = arith.constant 0 : i32
      %dma_start3A_31 = tpu.memref_slice %arg3[%add3A, %dma_start3A_30] : memref<32x32xi32, #tpu.memory_space<hbm>> -> memref<1x32xi32, #tpu.memory_space<hbm>>
      %dma_start3A_32 = tpu.memref_squeeze %dma_start3A_31 : memref<1x32xi32, #tpu.memory_space<hbm>> -> memref<32xi32, #tpu.memory_space<hbm>>
      %dma_start3A_33 = arith.constant 0 : i32
      %dma_start3A_34 = tpu.memref_slice %arg3[%add3A, %dma_start3A_33] : memref<32x32xi32, #tpu.memory_space<hbm>> -> memref<1x32xi32, #tpu.memory_space<hbm>>
      %dma_start3A_35 = tpu.memref_squeeze %dma_start3A_34 : memref<1x32xi32, #tpu.memory_space<hbm>> -> memref<32xi32, #tpu.memory_space<hbm>>
      tpu.enqueue_dma source(%dma_start3A_35 : memref<32xi32, #tpu.memory_space<hbm>>) target(%arg15 : memref<32xi32, #tpu.memory_space<vmem>>) target_semaphore(%run_scoped3A : memref<!tpu.dma_semaphore, #tpu.memory_space<semaphore_mem>>)
      %dma_wait3A_36 = arith.constant 0 : i32
      %dma_wait3A_37 = tpu.memref_slice %arg3[%add3A, %dma_wait3A_36] : memref<32x32xi32, #tpu.memory_space<hbm>> -> memref<1x32xi32, #tpu.memory_space<hbm>>
      %dma_wait3A_38 = tpu.memref_squeeze %dma_wait3A_37 : memref<1x32xi32, #tpu.memory_space<hbm>> -> memref<32xi32, #tpu.memory_space<hbm>>
      %dma_wait3A_39 = arith.constant 0 : i32
      %dma_wait3A_40 = tpu.memref_slice %arg3[%add3A, %dma_wait3A_39] : memref<32x32xi32, #tpu.memory_space<hbm>> -> memref<1x32xi32, #tpu.memory_space<hbm>>
      %dma_wait3A_41 = tpu.memref_squeeze %dma_wait3A_40 : memref<1x32xi32, #tpu.memory_space<hbm>> -> memref<32xi32, #tpu.memory_space<hbm>>
      tpu.wait_dma2 semaphore(%run_scoped3A : memref<!tpu.dma_semaphore, #tpu.memory_space<semaphore_mem>>) src(%dma_wait3A_41 : memref<32xi32, #tpu.memory_space<hbm>>) dst(%arg15 : memref<32xi32, #tpu.memory_space<vmem>>)
      tpu.yield
    }) : () -> ()
    %dma_start3A = arith.constant 0 : i32
    %dma_start3A_8 = arith.constant 0 : i32
    %dma_start3A_9 = tpu.memref_slice %arg7[%dma_start3A, %dma_start3A_8] : memref<16384x64xf32, #tpu.memory_space<hbm>> -> memref<16384x64xf32, #tpu.memory_space<hbm>>
    tpu.enqueue_indirect_dma source(%dma_start3A_9 : memref<16384x64xf32, #tpu.memory_space<hbm>>) target(%arg16 : memref<32x64xf32, #tpu.memory_space<vmem>>) offsets(%arg15 : memref<32xi32, #tpu.memory_space<vmem>>) semaphore(%arg17 : memref<!tpu.dma_semaphore, #tpu.memory_space<semaphore_mem>>)
    %dma_wait3A = arith.constant 0 : i32
    %dma_wait3A_10 = arith.constant 0 : i32
    %dma_wait3A_11 = tpu.memref_slice %arg7[%dma_wait3A, %dma_wait3A_10] : memref<16384x64xf32, #tpu.memory_space<hbm>> -> memref<16384x64xf32, #tpu.memory_space<hbm>>
    tpu.wait_indirect_dma semaphore(%arg17 : memref<!tpu.dma_semaphore, #tpu.memory_space<semaphore_mem>>) src(%dma_wait3A_11 : memref<16384x64xf32, #tpu.memory_space<hbm>>) dst(%arg16 : memref<32x64xf32, #tpu.memory_space<vmem>>)
    %mul3A_12 = arith.constant 32 : i32
    %mul3A_13 = arith.muli %add3A, %mul3A_12 : i32
    "tpu.region"() ({
      %run_scoped3A = tpu.sem_alloc : memref<!tpu.dma_semaphore, #tpu.memory_space<semaphore_mem>>
      %dma_start3A_30 = arith.constant 0 : i32
      %dma_start3A_31 = tpu.memref_slice %arg10[%mul3A_13, %dma_start3A_30] : memref<1024x64xf32, #tpu.memory_space<hbm>> -> memref<32x64xf32, #tpu.memory_space<hbm>>
      %dma_start3A_32 = arith.constant 0 : i32
      %dma_start3A_33 = tpu.memref_slice %arg10[%mul3A_13, %dma_start3A_32] : memref<1024x64xf32, #tpu.memory_space<hbm>> -> memref<32x64xf32, #tpu.memory_space<hbm>>
      tpu.enqueue_dma source(%arg16 : memref<32x64xf32, #tpu.memory_space<vmem>>) target(%dma_start3A_33 : memref<32x64xf32, #tpu.memory_space<hbm>>) target_semaphore(%run_scoped3A : memref<!tpu.dma_semaphore, #tpu.memory_space<semaphore_mem>>)
      %dma_wait3A_34 = arith.constant 0 : i32
      %dma_wait3A_35 = tpu.memref_slice %arg10[%mul3A_13, %dma_wait3A_34] : memref<1024x64xf32, #tpu.memory_space<hbm>> -> memref<32x64xf32, #tpu.memory_space<hbm>>
      %dma_wait3A_36 = arith.constant 0 : i32
      %dma_wait3A_37 = tpu.memref_slice %arg10[%mul3A_13, %dma_wait3A_36] : memref<1024x64xf32, #tpu.memory_space<hbm>> -> memref<32x64xf32, #tpu.memory_space<hbm>>
      tpu.wait_dma2 semaphore(%run_scoped3A : memref<!tpu.dma_semaphore, #tpu.memory_space<semaphore_mem>>) src(%arg16 : memref<32x64xf32, #tpu.memory_space<vmem>>) dst(%dma_wait3A_37 : memref<32x64xf32, #tpu.memory_space<hbm>>)
      tpu.yield
    }) : () -> ()
    "tpu.region"() ({
      %run_scoped3A = tpu.sem_alloc : memref<!tpu.dma_semaphore, #tpu.memory_space<semaphore_mem>>
      %dma_start3A_30 = arith.constant 0 : i32
      %dma_start3A_31 = tpu.memref_slice %arg4[%add3A, %dma_start3A_30] : memref<32x32xi32, #tpu.memory_space<hbm>> -> memref<1x32xi32, #tpu.memory_space<hbm>>
      %dma_start3A_32 = tpu.memref_squeeze %dma_start3A_31 : memref<1x32xi32, #tpu.memory_space<hbm>> -> memref<32xi32, #tpu.memory_space<hbm>>
      %dma_start3A_33 = arith.constant 0 : i32
      %dma_start3A_34 = tpu.memref_slice %arg4[%add3A, %dma_start3A_33] : memref<32x32xi32, #tpu.memory_space<hbm>> -> memref<1x32xi32, #tpu.memory_space<hbm>>
      %dma_start3A_35 = tpu.memref_squeeze %dma_start3A_34 : memref<1x32xi32, #tpu.memory_space<hbm>> -> memref<32xi32, #tpu.memory_space<hbm>>
      tpu.enqueue_dma source(%dma_start3A_35 : memref<32xi32, #tpu.memory_space<hbm>>) target(%arg15 : memref<32xi32, #tpu.memory_space<vmem>>) target_semaphore(%run_scoped3A : memref<!tpu.dma_semaphore, #tpu.memory_space<semaphore_mem>>)
      %dma_wait3A_36 = arith.constant 0 : i32
      %dma_wait3A_37 = tpu.memref_slice %arg4[%add3A, %dma_wait3A_36] : memref<32x32xi32, #tpu.memory_space<hbm>> -> memref<1x32xi32, #tpu.memory_space<hbm>>
      %dma_wait3A_38 = tpu.memref_squeeze %dma_wait3A_37 : memref<1x32xi32, #tpu.memory_space<hbm>> -> memref<32xi32, #tpu.memory_space<hbm>>
      %dma_wait3A_39 = arith.constant 0 : i32
      %dma_wait3A_40 = tpu.memref_slice %arg4[%add3A, %dma_wait3A_39] : memref<32x32xi32, #tpu.memory_space<hbm>> -> memref<1x32xi32, #tpu.memory_space<hbm>>
      %dma_wait3A_41 = tpu.memref_squeeze %dma_wait3A_40 : memref<1x32xi32, #tpu.memory_space<hbm>> -> memref<32xi32, #tpu.memory_space<hbm>>
      tpu.wait_dma2 semaphore(%run_scoped3A : memref<!tpu.dma_semaphore, #tpu.memory_space<semaphore_mem>>) src(%dma_wait3A_41 : memref<32xi32, #tpu.memory_space<hbm>>) dst(%arg15 : memref<32xi32, #tpu.memory_space<vmem>>)
      tpu.yield
    }) : () -> ()
    %dma_start3A_14 = arith.constant 0 : i32
    %dma_start3A_15 = arith.constant 0 : i32
    %dma_start3A_16 = tpu.memref_slice %arg8[%dma_start3A_14, %dma_start3A_15] : memref<114688x64xf32, #tpu.memory_space<hbm>> -> memref<114688x64xf32, #tpu.memory_space<hbm>>
    tpu.enqueue_indirect_dma source(%dma_start3A_16 : memref<114688x64xf32, #tpu.memory_space<hbm>>) target(%arg16 : memref<32x64xf32, #tpu.memory_space<vmem>>) offsets(%arg15 : memref<32xi32, #tpu.memory_space<vmem>>) semaphore(%arg17 : memref<!tpu.dma_semaphore, #tpu.memory_space<semaphore_mem>>)
    %dma_wait3A_17 = arith.constant 0 : i32
    %dma_wait3A_18 = arith.constant 0 : i32
    %dma_wait3A_19 = tpu.memref_slice %arg8[%dma_wait3A_17, %dma_wait3A_18] : memref<114688x64xf32, #tpu.memory_space<hbm>> -> memref<114688x64xf32, #tpu.memory_space<hbm>>
    tpu.wait_indirect_dma semaphore(%arg17 : memref<!tpu.dma_semaphore, #tpu.memory_space<semaphore_mem>>) src(%dma_wait3A_19 : memref<114688x64xf32, #tpu.memory_space<hbm>>) dst(%arg16 : memref<32x64xf32, #tpu.memory_space<vmem>>)
    %mul3A_20 = arith.constant 32 : i32
    %mul3A_21 = arith.muli %add3A, %mul3A_20 : i32
    "tpu.region"() ({
      %run_scoped3A = tpu.sem_alloc : memref<!tpu.dma_semaphore, #tpu.memory_space<semaphore_mem>>
      %dma_start3A_30 = arith.constant 0 : i32
      %dma_start3A_31 = tpu.memref_slice %arg11[%mul3A_21, %dma_start3A_30] : memref<1024x64xf32, #tpu.memory_space<hbm>> -> memref<32x64xf32, #tpu.memory_space<hbm>>
      %dma_start3A_32 = arith.constant 0 : i32
      %dma_start3A_33 = tpu.memref_slice %arg11[%mul3A_21, %dma_start3A_32] : memref<1024x64xf32, #tpu.memory_space<hbm>> -> memref<32x64xf32, #tpu.memory_space<hbm>>
      tpu.enqueue_dma source(%arg16 : memref<32x64xf32, #tpu.memory_space<vmem>>) target(%dma_start3A_33 : memref<32x64xf32, #tpu.memory_space<hbm>>) target_semaphore(%run_scoped3A : memref<!tpu.dma_semaphore, #tpu.memory_space<semaphore_mem>>)
      %dma_wait3A_34 = arith.constant 0 : i32
      %dma_wait3A_35 = tpu.memref_slice %arg11[%mul3A_21, %dma_wait3A_34] : memref<1024x64xf32, #tpu.memory_space<hbm>> -> memref<32x64xf32, #tpu.memory_space<hbm>>
      %dma_wait3A_36 = arith.constant 0 : i32
      %dma_wait3A_37 = tpu.memref_slice %arg11[%mul3A_21, %dma_wait3A_36] : memref<1024x64xf32, #tpu.memory_space<hbm>> -> memref<32x64xf32, #tpu.memory_space<hbm>>
      tpu.wait_dma2 semaphore(%run_scoped3A : memref<!tpu.dma_semaphore, #tpu.memory_space<semaphore_mem>>) src(%arg16 : memref<32x64xf32, #tpu.memory_space<vmem>>) dst(%dma_wait3A_37 : memref<32x64xf32, #tpu.memory_space<hbm>>)
      tpu.yield
    }) : () -> ()
    "tpu.region"() ({
      %run_scoped3A = tpu.sem_alloc : memref<!tpu.dma_semaphore, #tpu.memory_space<semaphore_mem>>
      %dma_start3A_30 = arith.constant 0 : i32
      %dma_start3A_31 = tpu.memref_slice %arg5[%add3A, %dma_start3A_30] : memref<32x32xi32, #tpu.memory_space<hbm>> -> memref<1x32xi32, #tpu.memory_space<hbm>>
      %dma_start3A_32 = tpu.memref_squeeze %dma_start3A_31 : memref<1x32xi32, #tpu.memory_space<hbm>> -> memref<32xi32, #tpu.memory_space<hbm>>
      %dma_start3A_33 = arith.constant 0 : i32
      %dma_start3A_34 = tpu.memref_slice %arg5[%add3A, %dma_start3A_33] : memref<32x32xi32, #tpu.memory_space<hbm>> -> memref<1x32xi32, #tpu.memory_space<hbm>>
      %dma_start3A_35 = tpu.memref_squeeze %dma_start3A_34 : memref<1x32xi32, #tpu.memory_space<hbm>> -> memref<32xi32, #tpu.memory_space<hbm>>
      tpu.enqueue_dma source(%dma_start3A_35 : memref<32xi32, #tpu.memory_space<hbm>>) target(%arg15 : memref<32xi32, #tpu.memory_space<vmem>>) target_semaphore(%run_scoped3A : memref<!tpu.dma_semaphore, #tpu.memory_space<semaphore_mem>>)
      %dma_wait3A_36 = arith.constant 0 : i32
      %dma_wait3A_37 = tpu.memref_slice %arg5[%add3A, %dma_wait3A_36] : memref<32x32xi32, #tpu.memory_space<hbm>> -> memref<1x32xi32, #tpu.memory_space<hbm>>
      %dma_wait3A_38 = tpu.memref_squeeze %dma_wait3A_37 : memref<1x32xi32, #tpu.memory_space<hbm>> -> memref<32xi32, #tpu.memory_space<hbm>>
      %dma_wait3A_39 = arith.constant 0 : i32
      %dma_wait3A_40 = tpu.memref_slice %arg5[%add3A, %dma_wait3A_39] : memref<32x32xi32, #tpu.memory_space<hbm>> -> memref<1x32xi32, #tpu.memory_space<hbm>>
      %dma_wait3A_41 = tpu.memref_squeeze %dma_wait3A_40 : memref<1x32xi32, #tpu.memory_space<hbm>> -> memref<32xi32, #tpu.memory_space<hbm>>
      tpu.wait_dma2 semaphore(%run_scoped3A : memref<!tpu.dma_semaphore, #tpu.memory_space<semaphore_mem>>) src(%dma_wait3A_41 : memref<32xi32, #tpu.memory_space<hbm>>) dst(%arg15 : memref<32xi32, #tpu.memory_space<vmem>>)
      tpu.yield
    }) : () -> ()
    %dma_start3A_22 = arith.constant 0 : i32
    %dma_start3A_23 = arith.constant 0 : i32
    %dma_start3A_24 = tpu.memref_slice %arg8[%dma_start3A_22, %dma_start3A_23] : memref<114688x64xf32, #tpu.memory_space<hbm>> -> memref<114688x64xf32, #tpu.memory_space<hbm>>
    tpu.enqueue_indirect_dma source(%dma_start3A_24 : memref<114688x64xf32, #tpu.memory_space<hbm>>) target(%arg16 : memref<32x64xf32, #tpu.memory_space<vmem>>) offsets(%arg15 : memref<32xi32, #tpu.memory_space<vmem>>) semaphore(%arg17 : memref<!tpu.dma_semaphore, #tpu.memory_space<semaphore_mem>>)
    %dma_wait3A_25 = arith.constant 0 : i32
    %dma_wait3A_26 = arith.constant 0 : i32
    %dma_wait3A_27 = tpu.memref_slice %arg8[%dma_wait3A_25, %dma_wait3A_26] : memref<114688x64xf32, #tpu.memory_space<hbm>> -> memref<114688x64xf32, #tpu.memory_space<hbm>>
    tpu.wait_indirect_dma semaphore(%arg17 : memref<!tpu.dma_semaphore, #tpu.memory_space<semaphore_mem>>) src(%dma_wait3A_27 : memref<114688x64xf32, #tpu.memory_space<hbm>>) dst(%arg16 : memref<32x64xf32, #tpu.memory_space<vmem>>)
    %mul3A_28 = arith.constant 32 : i32
    %mul3A_29 = arith.muli %add3A, %mul3A_28 : i32
    "tpu.region"() ({
      %run_scoped3A = tpu.sem_alloc : memref<!tpu.dma_semaphore, #tpu.memory_space<semaphore_mem>>
      %dma_start3A_30 = arith.constant 0 : i32
      %dma_start3A_31 = tpu.memref_slice %arg12[%mul3A_29, %dma_start3A_30] : memref<1024x64xf32, #tpu.memory_space<hbm>> -> memref<32x64xf32, #tpu.memory_space<hbm>>
      %dma_start3A_32 = arith.constant 0 : i32
      %dma_start3A_33 = tpu.memref_slice %arg12[%mul3A_29, %dma_start3A_32] : memref<1024x64xf32, #tpu.memory_space<hbm>> -> memref<32x64xf32, #tpu.memory_space<hbm>>
      tpu.enqueue_dma source(%arg16 : memref<32x64xf32, #tpu.memory_space<vmem>>) target(%dma_start3A_33 : memref<32x64xf32, #tpu.memory_space<hbm>>) target_semaphore(%run_scoped3A : memref<!tpu.dma_semaphore, #tpu.memory_space<semaphore_mem>>)
      %dma_wait3A_34 = arith.constant 0 : i32
      %dma_wait3A_35 = tpu.memref_slice %arg12[%mul3A_29, %dma_wait3A_34] : memref<1024x64xf32, #tpu.memory_space<hbm>> -> memref<32x64xf32, #tpu.memory_space<hbm>>
      %dma_wait3A_36 = arith.constant 0 : i32
      %dma_wait3A_37 = tpu.memref_slice %arg12[%mul3A_29, %dma_wait3A_36] : memref<1024x64xf32, #tpu.memory_space<hbm>> -> memref<32x64xf32, #tpu.memory_space<hbm>>
      tpu.wait_dma2 semaphore(%run_scoped3A : memref<!tpu.dma_semaphore, #tpu.memory_space<semaphore_mem>>) src(%arg16 : memref<32x64xf32, #tpu.memory_space<vmem>>) dst(%dma_wait3A_37 : memref<32x64xf32, #tpu.memory_space<hbm>>)
      tpu.yield
    }) : () -> ()
    return
  }
}

module attributes {stable_mosaic.version = 14 : i64} {
  func.func @_tp_body(%arg0: i32, %arg1: memref<64x16384xf32, #tpu.memory_space<vmem>>, %arg2: memref<8192x128xf32, #tpu.memory_space<vmem>>) attributes {dimension_semantics = [#tpu.dimension_semantics<arbitrary>], iteration_bounds = array<i64: 1>, scalar_prefetch = 0 : i64, scratch_operands = 0 : i64, tpu.core_type = #tpu.core_type<tc>, window_params = [{transform_indices = @transform_0, window_bounds = array<i64: 64, 16384>}, {transform_indices = @transform_1, window_bounds = array<i64: 8192, 128>}]} {
    %get3A = arith.constant 0 : index
    %get3A_0 = arith.constant 0 : index
    %get3A_1 = vector.load %arg1[%get3A, %get3A_0] : memref<64x16384xf32, #tpu.memory_space<vmem>>, vector<64x16384xf32>
    %transpose3A = tpu.transpose %get3A_1, [1, 0] : vector<64x16384xf32> -> vector<16384x64xf32>
    %slice3A = vector.extract_strided_slice %transpose3A {offsets = [0, 0], sizes = [8192, 64], strides = [1, 1]} : vector<16384x64xf32> to vector<8192x64xf32>
    %slice3A_2 = vector.extract_strided_slice %transpose3A {offsets = [8192, 0], sizes = [8192, 64], strides = [1, 1]} : vector<16384x64xf32> to vector<8192x64xf32>
    %concatenate3A = tpu.concatenate %slice3A, %slice3A_2 in 1 : vector<8192x64xf32>, vector<8192x64xf32> -> vector<8192x128xf32>
    %swap3A = arith.constant 0 : index
    %swap3A_3 = arith.constant 0 : index
    %swap3A_4 = vector.load %arg2[%swap3A, %swap3A_3] : memref<8192x128xf32, #tpu.memory_space<vmem>>, vector<8192x128xf32>
    tpu.vector_store %arg2[%swap3A, %swap3A_3], %concatenate3A {strides = array<i32>} : memref<8192x128xf32, #tpu.memory_space<vmem>>, vector<8192x128xf32>,
    return
  }
  func.func @transform_0(%arg0: i32) -> (i32, i32) {
    %c0_i32 = arith.constant 0 : i32
    %c0_i32_0 = arith.constant 0 : i32
    return %c0_i32, %arg0 : i32, i32
  }
  func.func @transform_1(%arg0: i32) -> (i32, i32) {
    %c0_i32 = arith.constant 0 : i32
    %c0_i32_0 = arith.constant 0 : i32
    return %arg0, %c0_i32 : i32, i32
  }
}

module attributes {stable_mosaic.version = 14 : i64} {
  func.func @_tp_body(%arg0: i32, %arg1: memref<64x16384xf32, #tpu.memory_space<vmem>>, %arg2: memref<8192x128xf32, #tpu.memory_space<vmem>>) attributes {dimension_semantics = [#tpu.dimension_semantics<arbitrary>], iteration_bounds = array<i64: 7>, scalar_prefetch = 0 : i64, scratch_operands = 0 : i64, tpu.core_type = #tpu.core_type<tc>, window_params = [{transform_indices = @transform_0, window_bounds = array<i64: 64, 16384>}, {transform_indices = @transform_1, window_bounds = array<i64: 8192, 128>}]} {
    %get3A = arith.constant 0 : index
    %get3A_0 = arith.constant 0 : index
    %get3A_1 = vector.load %arg1[%get3A, %get3A_0] : memref<64x16384xf32, #tpu.memory_space<vmem>>, vector<64x16384xf32>
    %transpose3A = tpu.transpose %get3A_1, [1, 0] : vector<64x16384xf32> -> vector<16384x64xf32>
    %slice3A = vector.extract_strided_slice %transpose3A {offsets = [0, 0], sizes = [8192, 64], strides = [1, 1]} : vector<16384x64xf32> to vector<8192x64xf32>
    %slice3A_2 = vector.extract_strided_slice %transpose3A {offsets = [8192, 0], sizes = [8192, 64], strides = [1, 1]} : vector<16384x64xf32> to vector<8192x64xf32>
    %concatenate3A = tpu.concatenate %slice3A, %slice3A_2 in 1 : vector<8192x64xf32>, vector<8192x64xf32> -> vector<8192x128xf32>
    %swap3A = arith.constant 0 : index
    %swap3A_3 = arith.constant 0 : index
    %swap3A_4 = vector.load %arg2[%swap3A, %swap3A_3] : memref<8192x128xf32, #tpu.memory_space<vmem>>, vector<8192x128xf32>
    tpu.vector_store %arg2[%swap3A, %swap3A_3], %concatenate3A {strides = array<i32>} : memref<8192x128xf32, #tpu.memory_space<vmem>>, vector<8192x128xf32>,
    return
  }
  func.func @transform_0(%arg0: i32) -> (i32, i32) {
    %c0_i32 = arith.constant 0 : i32
    %c0_i32_0 = arith.constant 0 : i32
    return %c0_i32, %arg0 : i32, i32
  }
  func.func @transform_1(%arg0: i32) -> (i32, i32) {
    %c0_i32 = arith.constant 0 : i32
    %c0_i32_0 = arith.constant 0 : i32
    return %arg0, %c0_i32 : i32, i32
  }
}

module attributes {stable_mosaic.version = 14 : i64} {
  func.func @_tp_body(%arg0: i32, %arg1: memref<64x16384xf32, #tpu.memory_space<vmem>>, %arg2: memref<8192x128xf32, #tpu.memory_space<vmem>>) attributes {dimension_semantics = [#tpu.dimension_semantics<arbitrary>], iteration_bounds = array<i64: 62>, scalar_prefetch = 0 : i64, scratch_operands = 0 : i64, tpu.core_type = #tpu.core_type<tc>, window_params = [{transform_indices = @transform_0, window_bounds = array<i64: 64, 16384>}, {transform_indices = @transform_1, window_bounds = array<i64: 8192, 128>}]} {
    %get3A = arith.constant 0 : index
    %get3A_0 = arith.constant 0 : index
    %get3A_1 = vector.load %arg1[%get3A, %get3A_0] : memref<64x16384xf32, #tpu.memory_space<vmem>>, vector<64x16384xf32>
    %transpose3A = tpu.transpose %get3A_1, [1, 0] : vector<64x16384xf32> -> vector<16384x64xf32>
    %slice3A = vector.extract_strided_slice %transpose3A {offsets = [0, 0], sizes = [8192, 64], strides = [1, 1]} : vector<16384x64xf32> to vector<8192x64xf32>
    %slice3A_2 = vector.extract_strided_slice %transpose3A {offsets = [8192, 0], sizes = [8192, 64], strides = [1, 1]} : vector<16384x64xf32> to vector<8192x64xf32>
    %concatenate3A = tpu.concatenate %slice3A, %slice3A_2 in 1 : vector<8192x64xf32>, vector<8192x64xf32> -> vector<8192x128xf32>
    %swap3A = arith.constant 0 : index
    %swap3A_3 = arith.constant 0 : index
    %swap3A_4 = vector.load %arg2[%swap3A, %swap3A_3] : memref<8192x128xf32, #tpu.memory_space<vmem>>, vector<8192x128xf32>
    tpu.vector_store %arg2[%swap3A, %swap3A_3], %concatenate3A {strides = array<i32>} : memref<8192x128xf32, #tpu.memory_space<vmem>>, vector<8192x128xf32>,
    return
  }
  func.func @transform_0(%arg0: i32) -> (i32, i32) {
    %c0_i32 = arith.constant 0 : i32
    %c0_i32_0 = arith.constant 0 : i32
    return %c0_i32, %arg0 : i32, i32
  }
  func.func @transform_1(%arg0: i32) -> (i32, i32) {
    %c0_i32 = arith.constant 0 : i32
    %c0_i32_0 = arith.constant 0 : i32
    return %arg0, %c0_i32 : i32, i32
  }
}

module attributes {stable_mosaic.version = 14 : i64} {
  func.func @_tc_body(%arg0: i32, %arg1: memref<6144x128xf32, #tpu.memory_space<vmem>>, %arg2: memref<64x64xf32, #tpu.memory_space<vmem>>, %arg3: memref<64x64xf32, #tpu.memory_space<vmem>>, %arg4: memref<64x64xf32, #tpu.memory_space<vmem>>, %arg5: memref<64x128xf32, #tpu.memory_space<vmem>>, %arg6: memref<1x64xf32, #tpu.memory_space<vmem>>, %arg7: memref<64x128xf32, #tpu.memory_space<vmem>>, %arg8: memref<1x1x64xf32, #tpu.memory_space<vmem>>, %arg9: memref<1x1xf32, #tpu.memory_space<vmem>>) attributes {dimension_semantics = [#tpu.dimension_semantics<arbitrary>], iteration_bounds = array<i64: 16>, scalar_prefetch = 0 : i64, scratch_operands = 0 : i64, tpu.core_type = #tpu.core_type<tc>, window_params = [{transform_indices = @transform_0, window_bounds = array<i64: 6144, 128>}, {transform_indices = @transform_1, window_bounds = array<i64: 64, 64>}, {transform_indices = @transform_2, window_bounds = array<i64: 64, 64>}, {transform_indices = @transform_3, window_bounds = array<i64: 64, 64>}, {pipeline_mode = #tpu.pipeline_mode<synchronous>, transform_indices = @transform_4, window_bounds = array<i64: 64, 128>}, {pipeline_mode = #tpu.pipeline_mode<synchronous>, transform_indices = @transform_5, window_bounds = array<i64: 1, 64>}, {pipeline_mode = #tpu.pipeline_mode<synchronous>, transform_indices = @transform_6, window_bounds = array<i64: 64, 128>}, {transform_indices = @transform_7, window_bounds = array<i64: 1, 1, 64>}, {pipeline_mode = #tpu.pipeline_mode<synchronous>, transform_indices = @transform_8, window_bounds = array<i64: 1, 1>}]} {
    %get3A = arith.constant 0 : index
    %get3A_0 = arith.constant 0 : index
    %get3A_1 = vector.load %arg1[%get3A, %get3A_0] : memref<6144x128xf32, #tpu.memory_space<vmem>>, vector<6144x128xf32>
    %reshape3A = vector.shape_cast %get3A_1 : vector<6144x128xf32> to vector<6x64x16x128xf32>
    %get3A_2 = arith.constant 0 : index
    %get3A_3 = arith.constant 0 : index
    %get3A_4 = vector.load %arg2[%get3A_2, %get3A_3] : memref<64x64xf32, #tpu.memory_space<vmem>>, vector<64x64xf32>
    %get3A_5 = arith.constant 0 : index
    %get3A_6 = arith.constant 0 : index
    %get3A_7 = vector.load %arg3[%get3A_5, %get3A_6] : memref<64x64xf32, #tpu.memory_space<vmem>>, vector<64x64xf32>
    %get3A_8 = arith.constant 0 : index
    %get3A_9 = arith.constant 0 : index
    %get3A_10 = vector.load %arg4[%get3A_8, %get3A_9] : memref<64x64xf32, #tpu.memory_space<vmem>>, vector<64x64xf32>
    %get3A_11 = arith.constant 0 : index
    %get3A_12 = arith.constant 0 : index
    %get3A_13 = vector.load %arg5[%get3A_11, %get3A_12] : memref<64x128xf32, #tpu.memory_space<vmem>>, vector<64x128xf32>
    %get3A_14 = arith.constant 0 : index
    %get3A_15 = arith.constant 0 : index
    %get3A_16 = vector.load %arg6[%get3A_14, %get3A_15] : memref<1x64xf32, #tpu.memory_space<vmem>>, vector<1x64xf32>
    %get3A_17 = arith.constant 0 : index
    %get3A_18 = arith.constant 0 : index
    %get3A_19 = vector.load %arg7[%get3A_17, %get3A_18] : memref<64x128xf32, #tpu.memory_space<vmem>>, vector<64x128xf32>
    %iota3A = tpu.iota {dimensions = array<i32: 0>} : vector<128x2xi32>
    %lt3A = arith.constant 64 : i32
    %lt3A_20 = vector.broadcast %lt3A : i32 to vector<128x2xi32>
    %lt3A_21 = arith.cmpi slt, %iota3A, %lt3A_20 : vector<128x2xi32>
    %iota3A_22 = tpu.iota {dimensions = array<i32: 1>} : vector<128x2xi32>
    %eq3A = arith.constant 0 : i32
    %eq3A_23 = vector.broadcast %eq3A : i32 to vector<128x2xi32>
    %eq3A_24 = arith.cmpi eq, %iota3A_22, %eq3A_23 : vector<128x2xi32>
    %eq3A_25 = arith.xori %lt3A_21, %eq3A_24 : vector<128x2xi1>
    %eq3A_26 = arith.constant dense<true> : vector<128x2xi1>
    %eq3A_27 = arith.xori %eq3A_25, %eq3A_26 : vector<128x2xi1>
    %convert_element_type3A = arith.extui %eq3A_27 : vector<128x2xi1> to vector<128x2xi32>
    %convert_element_type3A_28 = arith.sitofp %convert_element_type3A : vector<128x2xi32> to vector<128x2xf32>
    %slice3A = vector.extract_strided_slice %reshape3A {offsets = [0, 0, 0, 0], sizes = [1, 64, 16, 128], strides = [1, 1, 1, 1]} : vector<6x64x16x128xf32> to vector<1x64x16x128xf32>
    %squeeze3A = vector.shape_cast %slice3A : vector<1x64x16x128xf32> to vector<64x16x128xf32>
    %concatenate3A = tpu.concatenate %get3A_4, %get3A_4 in 1 : vector<64x64xf32>, vector<64x64xf32> -> vector<64x128xf32>
    %broadcast_in_dim3A = vector.shape_cast %concatenate3A : vector<64x128xf32> to vector<64x1x128xf32>
    %mul3A = vector.broadcast %broadcast_in_dim3A : vector<64x1x128xf32> to vector<64x16x128xf32>
    %mul3A_29 = arith.mulf %squeeze3A, %mul3A : vector<64x16x128xf32>
    %reshape3A_30 = vector.shape_cast %mul3A_29 : vector<64x16x128xf32> to vector<1024x128xf32>
    %dot_general3A = arith.constant dense<0.000000e+00> : vector<1024x2xf32>
    %dot_general3A_31 = tpu.matmul %reshape3A_30, %convert_element_type3A_28, %dot_general3A {dimension_numbers = #tpu.dot_dimension_numbers<[1], [0], [0], [1], [0, 0, 1, 1], [], []>, transpose_lhs_hint = false} : vector<1024x128xf32>, vector<128x2xf32>, vector<1024x2xf32> -> vector<1024x2xf32>
    %reshape3A_32 = vector.shape_cast %dot_general3A_31 : vector<1024x2xf32> to vector<64x16x2xf32>
    %reduce_max3A = arith.constant dense<0xFF800000> : vector<64x16xf32>
    %reduce_max3A_33 = vector.multi_reduction <maximumf>, %reshape3A_32, %reduce_max3A [2] : vector<64x16x2xf32> to vector<64x16xf32>
    %broadcast_in_dim3A_34 = vector.shape_cast %reduce_max3A_33 : vector<64x16xf32> to vector<64x16x1xf32>
    %reduce_max3A_35 = arith.constant dense<0xFF800000> : vector<64x1xf32>
    %reduce_max3A_36 = vector.multi_reduction <maximumf>, %broadcast_in_dim3A_34, %reduce_max3A_35 [1] : vector<64x16x1xf32> to vector<64x1xf32>
    %broadcast_in_dim3A_37 = vector.shape_cast %reduce_max3A_36 : vector<64x1xf32> to vector<64x1x1xf32>
    %sub3A = vector.broadcast %broadcast_in_dim3A_37 : vector<64x1x1xf32> to vector<64x16x2xf32>
    %sub3A_38 = arith.subf %reshape3A_32, %sub3A : vector<64x16x2xf32>
    %exp3A = math.exp %sub3A_38 : vector<64x16x2xf32>
    %reduce_sum3A = arith.constant dense<0.000000e+00> : vector<64x16xf32>
    %reduce_sum3A_39 = vector.multi_reduction <add>, %exp3A, %reduce_sum3A [2] : vector<64x16x2xf32> to vector<64x16xf32>
    %broadcast_in_dim3A_40 = vector.shape_cast %reduce_sum3A_39 : vector<64x16xf32> to vector<64x16x1xf32>
    %reduce_sum3A_41 = arith.constant dense<0.000000e+00> : vector<64x1xf32>
    %reduce_sum3A_42 = vector.multi_reduction <add>, %broadcast_in_dim3A_40, %reduce_sum3A_41 [1] : vector<64x16x1xf32> to vector<64x1xf32>
    %broadcast_in_dim3A_43 = vector.shape_cast %reduce_sum3A_42 : vector<64x1xf32> to vector<64x1x1xf32>
    %div3A = vector.broadcast %broadcast_in_dim3A_43 : vector<64x1x1xf32> to vector<64x16x2xf32>
    %div3A_44 = arith.divf %exp3A, %div3A : vector<64x16x2xf32>
    %slice3A_45 = vector.extract_strided_slice %div3A_44 {offsets = [0, 0, 0], sizes = [64, 16, 1], strides = [1, 1, 1]} : vector<64x16x2xf32> to vector<64x16x1xf32>
    %broadcast_in_dim3A_46 = vector.shape_cast %slice3A_45 : vector<64x16x1xf32> to vector<64x16x1xf32>
    %broadcast_in_dim3A_47 = vector.broadcast %broadcast_in_dim3A_46 : vector<64x16x1xf32> to vector<64x16x64xf32>
    %slice3A_48 = vector.extract_strided_slice %div3A_44 {offsets = [0, 0, 1], sizes = [64, 16, 1], strides = [1, 1, 1]} : vector<64x16x2xf32> to vector<64x16x1xf32>
    %broadcast_in_dim3A_49 = vector.shape_cast %slice3A_48 : vector<64x16x1xf32> to vector<64x16x1xf32>
    %broadcast_in_dim3A_50 = vector.broadcast %broadcast_in_dim3A_49 : vector<64x16x1xf32> to vector<64x16x64xf32>
    %concatenate3A_51 = tpu.concatenate %broadcast_in_dim3A_47, %broadcast_in_dim3A_50 in 2 : vector<64x16x64xf32>, vector<64x16x64xf32> -> vector<64x16x128xf32>
    %mul3A_52 = arith.mulf %squeeze3A, %concatenate3A_51 : vector<64x16x128xf32>
    %reduce_sum3A_53 = arith.constant dense<0.000000e+00> : vector<64x128xf32>
    %reduce_sum3A_54 = vector.multi_reduction <add>, %mul3A_52, %reduce_sum3A_53 [1] : vector<64x16x128xf32> to vector<64x128xf32>
    %slice3A_55 = vector.extract_strided_slice %reduce_sum3A_54 {offsets = [0, 0], sizes = [64, 64], strides = [1, 1]} : vector<64x128xf32> to vector<64x64xf32>
    %slice3A_56 = vector.extract_strided_slice %reduce_sum3A_54 {offsets = [0, 64], sizes = [64, 64], strides = [1, 1]} : vector<64x128xf32> to vector<64x64xf32>
    %add3A = arith.addf %slice3A_55, %slice3A_56 : vector<64x64xf32>
    %slice3A_57 = vector.extract_strided_slice %reshape3A {offsets = [1, 0, 0, 0], sizes = [1, 64, 16, 128], strides = [1, 1, 1, 1]} : vector<6x64x16x128xf32> to vector<1x64x16x128xf32>
    %squeeze3A_58 = vector.shape_cast %slice3A_57 : vector<1x64x16x128xf32> to vector<64x16x128xf32>
    %concatenate3A_59 = tpu.concatenate %add3A, %add3A in 1 : vector<64x64xf32>, vector<64x64xf32> -> vector<64x128xf32>
    %broadcast_in_dim3A_60 = vector.shape_cast %concatenate3A_59 : vector<64x128xf32> to vector<64x1x128xf32>
    %mul3A_61 = vector.broadcast %broadcast_in_dim3A_60 : vector<64x1x128xf32> to vector<64x16x128xf32>
    %mul3A_62 = arith.mulf %squeeze3A_58, %mul3A_61 : vector<64x16x128xf32>
    %reshape3A_63 = vector.shape_cast %mul3A_62 : vector<64x16x128xf32> to vector<1024x128xf32>
    %dot_general3A_64 = arith.constant dense<0.000000e+00> : vector<1024x2xf32>
    %dot_general3A_65 = tpu.matmul %reshape3A_63, %convert_element_type3A_28, %dot_general3A_64 {dimension_numbers = #tpu.dot_dimension_numbers<[1], [0], [0], [1], [0, 0, 1, 1], [], []>, transpose_lhs_hint = false} : vector<1024x128xf32>, vector<128x2xf32>, vector<1024x2xf32> -> vector<1024x2xf32>
    %reshape3A_66 = vector.shape_cast %dot_general3A_65 : vector<1024x2xf32> to vector<64x16x2xf32>
    %reduce_max3A_67 = arith.constant dense<0xFF800000> : vector<64x16xf32>
    %reduce_max3A_68 = vector.multi_reduction <maximumf>, %reshape3A_66, %reduce_max3A_67 [2] : vector<64x16x2xf32> to vector<64x16xf32>
    %broadcast_in_dim3A_69 = vector.shape_cast %reduce_max3A_68 : vector<64x16xf32> to vector<64x16x1xf32>
    %reduce_max3A_70 = arith.constant dense<0xFF800000> : vector<64x1xf32>
    %reduce_max3A_71 = vector.multi_reduction <maximumf>, %broadcast_in_dim3A_69, %reduce_max3A_70 [1] : vector<64x16x1xf32> to vector<64x1xf32>
    %broadcast_in_dim3A_72 = vector.shape_cast %reduce_max3A_71 : vector<64x1xf32> to vector<64x1x1xf32>
    %sub3A_73 = vector.broadcast %broadcast_in_dim3A_72 : vector<64x1x1xf32> to vector<64x16x2xf32>
    %sub3A_74 = arith.subf %reshape3A_66, %sub3A_73 : vector<64x16x2xf32>
    %exp3A_75 = math.exp %sub3A_74 : vector<64x16x2xf32>
    %reduce_sum3A_76 = arith.constant dense<0.000000e+00> : vector<64x16xf32>
    %reduce_sum3A_77 = vector.multi_reduction <add>, %exp3A_75, %reduce_sum3A_76 [2] : vector<64x16x2xf32> to vector<64x16xf32>
    %broadcast_in_dim3A_78 = vector.shape_cast %reduce_sum3A_77 : vector<64x16xf32> to vector<64x16x1xf32>
    %reduce_sum3A_79 = arith.constant dense<0.000000e+00> : vector<64x1xf32>
    %reduce_sum3A_80 = vector.multi_reduction <add>, %broadcast_in_dim3A_78, %reduce_sum3A_79 [1] : vector<64x16x1xf32> to vector<64x1xf32>
    %broadcast_in_dim3A_81 = vector.shape_cast %reduce_sum3A_80 : vector<64x1xf32> to vector<64x1x1xf32>
    %div3A_82 = vector.broadcast %broadcast_in_dim3A_81 : vector<64x1x1xf32> to vector<64x16x2xf32>
    %div3A_83 = arith.divf %exp3A_75, %div3A_82 : vector<64x16x2xf32>
    %slice3A_84 = vector.extract_strided_slice %div3A_83 {offsets = [0, 0, 0], sizes = [64, 16, 1], strides = [1, 1, 1]} : vector<64x16x2xf32> to vector<64x16x1xf32>
    %broadcast_in_dim3A_85 = vector.shape_cast %slice3A_84 : vector<64x16x1xf32> to vector<64x16x1xf32>
    %broadcast_in_dim3A_86 = vector.broadcast %broadcast_in_dim3A_85 : vector<64x16x1xf32> to vector<64x16x64xf32>
    %slice3A_87 = vector.extract_strided_slice %div3A_83 {offsets = [0, 0, 1], sizes = [64, 16, 1], strides = [1, 1, 1]} : vector<64x16x2xf32> to vector<64x16x1xf32>
    %broadcast_in_dim3A_88 = vector.shape_cast %slice3A_87 : vector<64x16x1xf32> to vector<64x16x1xf32>
    %broadcast_in_dim3A_89 = vector.broadcast %broadcast_in_dim3A_88 : vector<64x16x1xf32> to vector<64x16x64xf32>
    %concatenate3A_90 = tpu.concatenate %broadcast_in_dim3A_86, %broadcast_in_dim3A_89 in 2 : vector<64x16x64xf32>, vector<64x16x64xf32> -> vector<64x16x128xf32>
    %mul3A_91 = arith.mulf %squeeze3A_58, %concatenate3A_90 : vector<64x16x128xf32>
    %reduce_sum3A_92 = arith.constant dense<0.000000e+00> : vector<64x128xf32>
    %reduce_sum3A_93 = vector.multi_reduction <add>, %mul3A_91, %reduce_sum3A_92 [1] : vector<64x16x128xf32> to vector<64x128xf32>
    %slice3A_94 = vector.extract_strided_slice %reduce_sum3A_93 {offsets = [0, 0], sizes = [64, 64], strides = [1, 1]} : vector<64x128xf32> to vector<64x64xf32>
    %slice3A_95 = vector.extract_strided_slice %reduce_sum3A_93 {offsets = [0, 64], sizes = [64, 64], strides = [1, 1]} : vector<64x128xf32> to vector<64x64xf32>
    %add3A_96 = arith.addf %slice3A_94, %slice3A_95 : vector<64x64xf32>
    %slice3A_97 = vector.extract_strided_slice %reshape3A {offsets = [2, 0, 0, 0], sizes = [1, 64, 16, 128], strides = [1, 1, 1, 1]} : vector<6x64x16x128xf32> to vector<1x64x16x128xf32>
    %squeeze3A_98 = vector.shape_cast %slice3A_97 : vector<1x64x16x128xf32> to vector<64x16x128xf32>
    %concatenate3A_99 = tpu.concatenate %get3A_7, %get3A_7 in 1 : vector<64x64xf32>, vector<64x64xf32> -> vector<64x128xf32>
    %broadcast_in_dim3A_100 = vector.shape_cast %concatenate3A_99 : vector<64x128xf32> to vector<64x1x128xf32>
    %mul3A_101 = vector.broadcast %broadcast_in_dim3A_100 : vector<64x1x128xf32> to vector<64x16x128xf32>
    %mul3A_102 = arith.mulf %squeeze3A_98, %mul3A_101 : vector<64x16x128xf32>
    %reshape3A_103 = vector.shape_cast %mul3A_102 : vector<64x16x128xf32> to vector<1024x128xf32>
    %dot_general3A_104 = arith.constant dense<0.000000e+00> : vector<1024x2xf32>
    %dot_general3A_105 = tpu.matmul %reshape3A_103, %convert_element_type3A_28, %dot_general3A_104 {dimension_numbers = #tpu.dot_dimension_numbers<[1], [0], [0], [1], [0, 0, 1, 1], [], []>, transpose_lhs_hint = false} : vector<1024x128xf32>, vector<128x2xf32>, vector<1024x2xf32> -> vector<1024x2xf32>
    %reshape3A_106 = vector.shape_cast %dot_general3A_105 : vector<1024x2xf32> to vector<64x16x2xf32>
    %reduce_max3A_107 = arith.constant dense<0xFF800000> : vector<64x16xf32>
    %reduce_max3A_108 = vector.multi_reduction <maximumf>, %reshape3A_106, %reduce_max3A_107 [2] : vector<64x16x2xf32> to vector<64x16xf32>
    %broadcast_in_dim3A_109 = vector.shape_cast %reduce_max3A_108 : vector<64x16xf32> to vector<64x16x1xf32>
    %reduce_max3A_110 = arith.constant dense<0xFF800000> : vector<64x1xf32>
    %reduce_max3A_111 = vector.multi_reduction <maximumf>, %broadcast_in_dim3A_109, %reduce_max3A_110 [1] : vector<64x16x1xf32> to vector<64x1xf32>
    %broadcast_in_dim3A_112 = vector.shape_cast %reduce_max3A_111 : vector<64x1xf32> to vector<64x1x1xf32>
    %sub3A_113 = vector.broadcast %broadcast_in_dim3A_112 : vector<64x1x1xf32> to vector<64x16x2xf32>
    %sub3A_114 = arith.subf %reshape3A_106, %sub3A_113 : vector<64x16x2xf32>
    %exp3A_115 = math.exp %sub3A_114 : vector<64x16x2xf32>
    %reduce_sum3A_116 = arith.constant dense<0.000000e+00> : vector<64x16xf32>
    %reduce_sum3A_117 = vector.multi_reduction <add>, %exp3A_115, %reduce_sum3A_116 [2] : vector<64x16x2xf32> to vector<64x16xf32>
    %broadcast_in_dim3A_118 = vector.shape_cast %reduce_sum3A_117 : vector<64x16xf32> to vector<64x16x1xf32>
    %reduce_sum3A_119 = arith.constant dense<0.000000e+00> : vector<64x1xf32>
    %reduce_sum3A_120 = vector.multi_reduction <add>, %broadcast_in_dim3A_118, %reduce_sum3A_119 [1] : vector<64x16x1xf32> to vector<64x1xf32>
    %broadcast_in_dim3A_121 = vector.shape_cast %reduce_sum3A_120 : vector<64x1xf32> to vector<64x1x1xf32>
    %div3A_122 = vector.broadcast %broadcast_in_dim3A_121 : vector<64x1x1xf32> to vector<64x16x2xf32>
    %div3A_123 = arith.divf %exp3A_115, %div3A_122 : vector<64x16x2xf32>
    %slice3A_124 = vector.extract_strided_slice %div3A_123 {offsets = [0, 0, 0], sizes = [64, 16, 1], strides = [1, 1, 1]} : vector<64x16x2xf32> to vector<64x16x1xf32>
    %broadcast_in_dim3A_125 = vector.shape_cast %slice3A_124 : vector<64x16x1xf32> to vector<64x16x1xf32>
    %broadcast_in_dim3A_126 = vector.broadcast %broadcast_in_dim3A_125 : vector<64x16x1xf32> to vector<64x16x64xf32>
    %slice3A_127 = vector.extract_strided_slice %div3A_123 {offsets = [0, 0, 1], sizes = [64, 16, 1], strides = [1, 1, 1]} : vector<64x16x2xf32> to vector<64x16x1xf32>
    %broadcast_in_dim3A_128 = vector.shape_cast %slice3A_127 : vector<64x16x1xf32> to vector<64x16x1xf32>
    %broadcast_in_dim3A_129 = vector.broadcast %broadcast_in_dim3A_128 : vector<64x16x1xf32> to vector<64x16x64xf32>
    %concatenate3A_130 = tpu.concatenate %broadcast_in_dim3A_126, %broadcast_in_dim3A_129 in 2 : vector<64x16x64xf32>, vector<64x16x64xf32> -> vector<64x16x128xf32>
    %mul3A_131 = arith.mulf %squeeze3A_98, %concatenate3A_130 : vector<64x16x128xf32>
    %reduce_sum3A_132 = arith.constant dense<0.000000e+00> : vector<64x128xf32>
    %reduce_sum3A_133 = vector.multi_reduction <add>, %mul3A_131, %reduce_sum3A_132 [1] : vector<64x16x128xf32> to vector<64x128xf32>
    %slice3A_134 = vector.extract_strided_slice %reduce_sum3A_133 {offsets = [0, 0], sizes = [64, 64], strides = [1, 1]} : vector<64x128xf32> to vector<64x64xf32>
    %slice3A_135 = vector.extract_strided_slice %reduce_sum3A_133 {offsets = [0, 64], sizes = [64, 64], strides = [1, 1]} : vector<64x128xf32> to vector<64x64xf32>
    %add3A_136 = arith.addf %slice3A_134, %slice3A_135 : vector<64x64xf32>
    %slice3A_137 = vector.extract_strided_slice %reshape3A {offsets = [3, 0, 0, 0], sizes = [1, 64, 16, 128], strides = [1, 1, 1, 1]} : vector<6x64x16x128xf32> to vector<1x64x16x128xf32>
    %squeeze3A_138 = vector.shape_cast %slice3A_137 : vector<1x64x16x128xf32> to vector<64x16x128xf32>
    %concatenate3A_139 = tpu.concatenate %add3A_136, %add3A_136 in 1 : vector<64x64xf32>, vector<64x64xf32> -> vector<64x128xf32>
    %broadcast_in_dim3A_140 = vector.shape_cast %concatenate3A_139 : vector<64x128xf32> to vector<64x1x128xf32>
    %mul3A_141 = vector.broadcast %broadcast_in_dim3A_140 : vector<64x1x128xf32> to vector<64x16x128xf32>
    %mul3A_142 = arith.mulf %squeeze3A_138, %mul3A_141 : vector<64x16x128xf32>
    %reshape3A_143 = vector.shape_cast %mul3A_142 : vector<64x16x128xf32> to vector<1024x128xf32>
    %dot_general3A_144 = arith.constant dense<0.000000e+00> : vector<1024x2xf32>
    %dot_general3A_145 = tpu.matmul %reshape3A_143, %convert_element_type3A_28, %dot_general3A_144 {dimension_numbers = #tpu.dot_dimension_numbers<[1], [0], [0], [1], [0, 0, 1, 1], [], []>, transpose_lhs_hint = false} : vector<1024x128xf32>, vector<128x2xf32>, vector<1024x2xf32> -> vector<1024x2xf32>
    %reshape3A_146 = vector.shape_cast %dot_general3A_145 : vector<1024x2xf32> to vector<64x16x2xf32>
    %reduce_max3A_147 = arith.constant dense<0xFF800000> : vector<64x16xf32>
    %reduce_max3A_148 = vector.multi_reduction <maximumf>, %reshape3A_146, %reduce_max3A_147 [2] : vector<64x16x2xf32> to vector<64x16xf32>
    %broadcast_in_dim3A_149 = vector.shape_cast %reduce_max3A_148 : vector<64x16xf32> to vector<64x16x1xf32>
    %reduce_max3A_150 = arith.constant dense<0xFF800000> : vector<64x1xf32>
    %reduce_max3A_151 = vector.multi_reduction <maximumf>, %broadcast_in_dim3A_149, %reduce_max3A_150 [1] : vector<64x16x1xf32> to vector<64x1xf32>
    %broadcast_in_dim3A_152 = vector.shape_cast %reduce_max3A_151 : vector<64x1xf32> to vector<64x1x1xf32>
    %sub3A_153 = vector.broadcast %broadcast_in_dim3A_152 : vector<64x1x1xf32> to vector<64x16x2xf32>
    %sub3A_154 = arith.subf %reshape3A_146, %sub3A_153 : vector<64x16x2xf32>
    %exp3A_155 = math.exp %sub3A_154 : vector<64x16x2xf32>
    %reduce_sum3A_156 = arith.constant dense<0.000000e+00> : vector<64x16xf32>
    %reduce_sum3A_157 = vector.multi_reduction <add>, %exp3A_155, %reduce_sum3A_156 [2] : vector<64x16x2xf32> to vector<64x16xf32>
    %broadcast_in_dim3A_158 = vector.shape_cast %reduce_sum3A_157 : vector<64x16xf32> to vector<64x16x1xf32>
    %reduce_sum3A_159 = arith.constant dense<0.000000e+00> : vector<64x1xf32>
    %reduce_sum3A_160 = vector.multi_reduction <add>, %broadcast_in_dim3A_158, %reduce_sum3A_159 [1] : vector<64x16x1xf32> to vector<64x1xf32>
    %broadcast_in_dim3A_161 = vector.shape_cast %reduce_sum3A_160 : vector<64x1xf32> to vector<64x1x1xf32>
    %div3A_162 = vector.broadcast %broadcast_in_dim3A_161 : vector<64x1x1xf32> to vector<64x16x2xf32>
    %div3A_163 = arith.divf %exp3A_155, %div3A_162 : vector<64x16x2xf32>
    %slice3A_164 = vector.extract_strided_slice %div3A_163 {offsets = [0, 0, 0], sizes = [64, 16, 1], strides = [1, 1, 1]} : vector<64x16x2xf32> to vector<64x16x1xf32>
    %broadcast_in_dim3A_165 = vector.shape_cast %slice3A_164 : vector<64x16x1xf32> to vector<64x16x1xf32>
    %broadcast_in_dim3A_166 = vector.broadcast %broadcast_in_dim3A_165 : vector<64x16x1xf32> to vector<64x16x64xf32>
    %slice3A_167 = vector.extract_strided_slice %div3A_163 {offsets = [0, 0, 1], sizes = [64, 16, 1], strides = [1, 1, 1]} : vector<64x16x2xf32> to vector<64x16x1xf32>
    %broadcast_in_dim3A_168 = vector.shape_cast %slice3A_167 : vector<64x16x1xf32> to vector<64x16x1xf32>
    %broadcast_in_dim3A_169 = vector.broadcast %broadcast_in_dim3A_168 : vector<64x16x1xf32> to vector<64x16x64xf32>
    %concatenate3A_170 = tpu.concatenate %broadcast_in_dim3A_166, %broadcast_in_dim3A_169 in 2 : vector<64x16x64xf32>, vector<64x16x64xf32> -> vector<64x16x128xf32>
    %mul3A_171 = arith.mulf %squeeze3A_138, %concatenate3A_170 : vector<64x16x128xf32>
    %reduce_sum3A_172 = arith.constant dense<0.000000e+00> : vector<64x128xf32>
    %reduce_sum3A_173 = vector.multi_reduction <add>, %mul3A_171, %reduce_sum3A_172 [1] : vector<64x16x128xf32> to vector<64x128xf32>
    %slice3A_174 = vector.extract_strided_slice %reduce_sum3A_173 {offsets = [0, 0], sizes = [64, 64], strides = [1, 1]} : vector<64x128xf32> to vector<64x64xf32>
    %slice3A_175 = vector.extract_strided_slice %reduce_sum3A_173 {offsets = [0, 64], sizes = [64, 64], strides = [1, 1]} : vector<64x128xf32> to vector<64x64xf32>
    %add3A_176 = arith.addf %slice3A_174, %slice3A_175 : vector<64x64xf32>
    %slice3A_177 = vector.extract_strided_slice %reshape3A {offsets = [4, 0, 0, 0], sizes = [1, 64, 16, 128], strides = [1, 1, 1, 1]} : vector<6x64x16x128xf32> to vector<1x64x16x128xf32>
    %squeeze3A_178 = vector.shape_cast %slice3A_177 : vector<1x64x16x128xf32> to vector<64x16x128xf32>
    %concatenate3A_179 = tpu.concatenate %get3A_10, %get3A_10 in 1 : vector<64x64xf32>, vector<64x64xf32> -> vector<64x128xf32>
    %broadcast_in_dim3A_180 = vector.shape_cast %concatenate3A_179 : vector<64x128xf32> to vector<64x1x128xf32>
    %mul3A_181 = vector.broadcast %broadcast_in_dim3A_180 : vector<64x1x128xf32> to vector<64x16x128xf32>
    %mul3A_182 = arith.mulf %squeeze3A_178, %mul3A_181 : vector<64x16x128xf32>
    %reshape3A_183 = vector.shape_cast %mul3A_182 : vector<64x16x128xf32> to vector<1024x128xf32>
    %dot_general3A_184 = arith.constant dense<0.000000e+00> : vector<1024x2xf32>
    %dot_general3A_185 = tpu.matmul %reshape3A_183, %convert_element_type3A_28, %dot_general3A_184 {dimension_numbers = #tpu.dot_dimension_numbers<[1], [0], [0], [1], [0, 0, 1, 1], [], []>, transpose_lhs_hint = false} : vector<1024x128xf32>, vector<128x2xf32>, vector<1024x2xf32> -> vector<1024x2xf32>
    %reshape3A_186 = vector.shape_cast %dot_general3A_185 : vector<1024x2xf32> to vector<64x16x2xf32>
    %reduce_max3A_187 = arith.constant dense<0xFF800000> : vector<64x16xf32>
    %reduce_max3A_188 = vector.multi_reduction <maximumf>, %reshape3A_186, %reduce_max3A_187 [2] : vector<64x16x2xf32> to vector<64x16xf32>
    %broadcast_in_dim3A_189 = vector.shape_cast %reduce_max3A_188 : vector<64x16xf32> to vector<64x16x1xf32>
    %reduce_max3A_190 = arith.constant dense<0xFF800000> : vector<64x1xf32>
    %reduce_max3A_191 = vector.multi_reduction <maximumf>, %broadcast_in_dim3A_189, %reduce_max3A_190 [1] : vector<64x16x1xf32> to vector<64x1xf32>
    %broadcast_in_dim3A_192 = vector.shape_cast %reduce_max3A_191 : vector<64x1xf32> to vector<64x1x1xf32>
    %sub3A_193 = vector.broadcast %broadcast_in_dim3A_192 : vector<64x1x1xf32> to vector<64x16x2xf32>
    %sub3A_194 = arith.subf %reshape3A_186, %sub3A_193 : vector<64x16x2xf32>
    %exp3A_195 = math.exp %sub3A_194 : vector<64x16x2xf32>
    %reduce_sum3A_196 = arith.constant dense<0.000000e+00> : vector<64x16xf32>
    %reduce_sum3A_197 = vector.multi_reduction <add>, %exp3A_195, %reduce_sum3A_196 [2] : vector<64x16x2xf32> to vector<64x16xf32>
    %broadcast_in_dim3A_198 = vector.shape_cast %reduce_sum3A_197 : vector<64x16xf32> to vector<64x16x1xf32>
    %reduce_sum3A_199 = arith.constant dense<0.000000e+00> : vector<64x1xf32>
    %reduce_sum3A_200 = vector.multi_reduction <add>, %broadcast_in_dim3A_198, %reduce_sum3A_199 [1] : vector<64x16x1xf32> to vector<64x1xf32>
    %broadcast_in_dim3A_201 = vector.shape_cast %reduce_sum3A_200 : vector<64x1xf32> to vector<64x1x1xf32>
    %div3A_202 = vector.broadcast %broadcast_in_dim3A_201 : vector<64x1x1xf32> to vector<64x16x2xf32>
    %div3A_203 = arith.divf %exp3A_195, %div3A_202 : vector<64x16x2xf32>
    %slice3A_204 = vector.extract_strided_slice %div3A_203 {offsets = [0, 0, 0], sizes = [64, 16, 1], strides = [1, 1, 1]} : vector<64x16x2xf32> to vector<64x16x1xf32>
    %broadcast_in_dim3A_205 = vector.shape_cast %slice3A_204 : vector<64x16x1xf32> to vector<64x16x1xf32>
    %broadcast_in_dim3A_206 = vector.broadcast %broadcast_in_dim3A_205 : vector<64x16x1xf32> to vector<64x16x64xf32>
    %slice3A_207 = vector.extract_strided_slice %div3A_203 {offsets = [0, 0, 1], sizes = [64, 16, 1], strides = [1, 1, 1]} : vector<64x16x2xf32> to vector<64x16x1xf32>
    %broadcast_in_dim3A_208 = vector.shape_cast %slice3A_207 : vector<64x16x1xf32> to vector<64x16x1xf32>
    %broadcast_in_dim3A_209 = vector.broadcast %broadcast_in_dim3A_208 : vector<64x16x1xf32> to vector<64x16x64xf32>
    %concatenate3A_210 = tpu.concatenate %broadcast_in_dim3A_206, %broadcast_in_dim3A_209 in 2 : vector<64x16x64xf32>, vector<64x16x64xf32> -> vector<64x16x128xf32>
    %mul3A_211 = arith.mulf %squeeze3A_178, %concatenate3A_210 : vector<64x16x128xf32>
    %reduce_sum3A_212 = arith.constant dense<0.000000e+00> : vector<64x128xf32>
    %reduce_sum3A_213 = vector.multi_reduction <add>, %mul3A_211, %reduce_sum3A_212 [1] : vector<64x16x128xf32> to vector<64x128xf32>
    %slice3A_214 = vector.extract_strided_slice %reduce_sum3A_213 {offsets = [0, 0], sizes = [64, 64], strides = [1, 1]} : vector<64x128xf32> to vector<64x64xf32>
    %slice3A_215 = vector.extract_strided_slice %reduce_sum3A_213 {offsets = [0, 64], sizes = [64, 64], strides = [1, 1]} : vector<64x128xf32> to vector<64x64xf32>
    %add3A_216 = arith.addf %slice3A_214, %slice3A_215 : vector<64x64xf32>
    %slice3A_217 = vector.extract_strided_slice %reshape3A {offsets = [5, 0, 0, 0], sizes = [1, 64, 16, 128], strides = [1, 1, 1, 1]} : vector<6x64x16x128xf32> to vector<1x64x16x128xf32>
    %squeeze3A_218 = vector.shape_cast %slice3A_217 : vector<1x64x16x128xf32> to vector<64x16x128xf32>
    %concatenate3A_219 = tpu.concatenate %add3A_216, %add3A_216 in 1 : vector<64x64xf32>, vector<64x64xf32> -> vector<64x128xf32>
    %broadcast_in_dim3A_220 = vector.shape_cast %concatenate3A_219 : vector<64x128xf32> to vector<64x1x128xf32>
    %mul3A_221 = vector.broadcast %broadcast_in_dim3A_220 : vector<64x1x128xf32> to vector<64x16x128xf32>
    %mul3A_222 = arith.mulf %squeeze3A_218, %mul3A_221 : vector<64x16x128xf32>
    %reshape3A_223 = vector.shape_cast %mul3A_222 : vector<64x16x128xf32> to vector<1024x128xf32>
    %dot_general3A_224 = arith.constant dense<0.000000e+00> : vector<1024x2xf32>
    %dot_general3A_225 = tpu.matmul %reshape3A_223, %convert_element_type3A_28, %dot_general3A_224 {dimension_numbers = #tpu.dot_dimension_numbers<[1], [0], [0], [1], [0, 0, 1, 1], [], []>, transpose_lhs_hint = false} : vector<1024x128xf32>, vector<128x2xf32>, vector<1024x2xf32> -> vector<1024x2xf32>
    %reshape3A_226 = vector.shape_cast %dot_general3A_225 : vector<1024x2xf32> to vector<64x16x2xf32>
    %reduce_max3A_227 = arith.constant dense<0xFF800000> : vector<64x16xf32>
    %reduce_max3A_228 = vector.multi_reduction <maximumf>, %reshape3A_226, %reduce_max3A_227 [2] : vector<64x16x2xf32> to vector<64x16xf32>
    %broadcast_in_dim3A_229 = vector.shape_cast %reduce_max3A_228 : vector<64x16xf32> to vector<64x16x1xf32>
    %reduce_max3A_230 = arith.constant dense<0xFF800000> : vector<64x1xf32>
    %reduce_max3A_231 = vector.multi_reduction <maximumf>, %broadcast_in_dim3A_229, %reduce_max3A_230 [1] : vector<64x16x1xf32> to vector<64x1xf32>
    %broadcast_in_dim3A_232 = vector.shape_cast %reduce_max3A_231 : vector<64x1xf32> to vector<64x1x1xf32>
    %sub3A_233 = vector.broadcast %broadcast_in_dim3A_232 : vector<64x1x1xf32> to vector<64x16x2xf32>
    %sub3A_234 = arith.subf %reshape3A_226, %sub3A_233 : vector<64x16x2xf32>
    %exp3A_235 = math.exp %sub3A_234 : vector<64x16x2xf32>
    %reduce_sum3A_236 = arith.constant dense<0.000000e+00> : vector<64x16xf32>
    %reduce_sum3A_237 = vector.multi_reduction <add>, %exp3A_235, %reduce_sum3A_236 [2] : vector<64x16x2xf32> to vector<64x16xf32>
    %broadcast_in_dim3A_238 = vector.shape_cast %reduce_sum3A_237 : vector<64x16xf32> to vector<64x16x1xf32>
    %reduce_sum3A_239 = arith.constant dense<0.000000e+00> : vector<64x1xf32>
    %reduce_sum3A_240 = vector.multi_reduction <add>, %broadcast_in_dim3A_238, %reduce_sum3A_239 [1] : vector<64x16x1xf32> to vector<64x1xf32>
    %broadcast_in_dim3A_241 = vector.shape_cast %reduce_sum3A_240 : vector<64x1xf32> to vector<64x1x1xf32>
    %div3A_242 = vector.broadcast %broadcast_in_dim3A_241 : vector<64x1x1xf32> to vector<64x16x2xf32>
    %div3A_243 = arith.divf %exp3A_235, %div3A_242 : vector<64x16x2xf32>
    %slice3A_244 = vector.extract_strided_slice %div3A_243 {offsets = [0, 0, 0], sizes = [64, 16, 1], strides = [1, 1, 1]} : vector<64x16x2xf32> to vector<64x16x1xf32>
    %broadcast_in_dim3A_245 = vector.shape_cast %slice3A_244 : vector<64x16x1xf32> to vector<64x16x1xf32>
    %broadcast_in_dim3A_246 = vector.broadcast %broadcast_in_dim3A_245 : vector<64x16x1xf32> to vector<64x16x64xf32>
    %slice3A_247 = vector.extract_strided_slice %div3A_243 {offsets = [0, 0, 1], sizes = [64, 16, 1], strides = [1, 1, 1]} : vector<64x16x2xf32> to vector<64x16x1xf32>
    %broadcast_in_dim3A_248 = vector.shape_cast %slice3A_247 : vector<64x16x1xf32> to vector<64x16x1xf32>
    %broadcast_in_dim3A_249 = vector.broadcast %broadcast_in_dim3A_248 : vector<64x16x1xf32> to vector<64x16x64xf32>
    %concatenate3A_250 = tpu.concatenate %broadcast_in_dim3A_246, %broadcast_in_dim3A_249 in 2 : vector<64x16x64xf32>, vector<64x16x64xf32> -> vector<64x16x128xf32>
    %mul3A_251 = arith.mulf %squeeze3A_218, %concatenate3A_250 : vector<64x16x128xf32>
    %reduce_sum3A_252 = arith.constant dense<0.000000e+00> : vector<64x128xf32>
    %reduce_sum3A_253 = vector.multi_reduction <add>, %mul3A_251, %reduce_sum3A_252 [1] : vector<64x16x128xf32> to vector<64x128xf32>
    %slice3A_254 = vector.extract_strided_slice %reduce_sum3A_253 {offsets = [0, 0], sizes = [64, 64], strides = [1, 1]} : vector<64x128xf32> to vector<64x64xf32>
    %slice3A_255 = vector.extract_strided_slice %reduce_sum3A_253 {offsets = [0, 64], sizes = [64, 64], strides = [1, 1]} : vector<64x128xf32> to vector<64x64xf32>
    %add3A_256 = arith.addf %slice3A_254, %slice3A_255 : vector<64x64xf32>
    %concatenate3A_257 = tpu.concatenate %add3A, %add3A_96 in 1 : vector<64x64xf32>, vector<64x64xf32> -> vector<64x128xf32>
    %dot_general3A_258 = arith.constant dense<0.000000e+00> : vector<64x64xf32>
    %dot_general3A_259 = tpu.matmul %concatenate3A_257, %get3A_13, %dot_general3A_258 {dimension_numbers = #tpu.dot_dimension_numbers<[1], [1], [0], [0], [0, 0, 1, 0], [], []>, transpose_lhs_hint = false} : vector<64x128xf32>, vector<64x128xf32>, vector<64x64xf32> -> vector<64x64xf32>
    %add3A_260 = vector.broadcast %get3A_16 : vector<1x64xf32> to vector<64x64xf32>
    %add3A_261 = arith.addf %dot_general3A_259, %add3A_260 : vector<64x64xf32>
    %concatenate3A_262 = tpu.concatenate %add3A_136, %add3A_176 in 1 : vector<64x64xf32>, vector<64x64xf32> -> vector<64x128xf32>
    %dot_general3A_263 = arith.constant dense<0.000000e+00> : vector<64x64xf32>
    %dot_general3A_264 = tpu.matmul %concatenate3A_262, %get3A_13, %dot_general3A_263 {dimension_numbers = #tpu.dot_dimension_numbers<[1], [1], [0], [0], [0, 0, 1, 0], [], []>, transpose_lhs_hint = false} : vector<64x128xf32>, vector<64x128xf32>, vector<64x64xf32> -> vector<64x64xf32>
    %add3A_265 = vector.broadcast %get3A_16 : vector<1x64xf32> to vector<64x64xf32>
    %add3A_266 = arith.addf %dot_general3A_264, %add3A_265 : vector<64x64xf32>
    %concatenate3A_267 = tpu.concatenate %add3A_216, %add3A_256 in 1 : vector<64x64xf32>, vector<64x64xf32> -> vector<64x128xf32>
    %dot_general3A_268 = arith.constant dense<0.000000e+00> : vector<64x64xf32>
    %dot_general3A_269 = tpu.matmul %concatenate3A_267, %get3A_13, %dot_general3A_268 {dimension_numbers = #tpu.dot_dimension_numbers<[1], [1], [0], [0], [0, 0, 1, 0], [], []>, transpose_lhs_hint = false} : vector<64x128xf32>, vector<64x128xf32>, vector<64x64xf32> -> vector<64x64xf32>
    %add3A_270 = vector.broadcast %get3A_16 : vector<1x64xf32> to vector<64x64xf32>
    %add3A_271 = arith.addf %dot_general3A_269, %add3A_270 : vector<64x64xf32>
    %concatenate3A_272 = tpu.concatenate %add3A_266, %add3A_271 in 1 : vector<64x64xf32>, vector<64x64xf32> -> vector<64x128xf32>
    %dot_general3A_273 = arith.constant dense<0.000000e+00> : vector<64x64xf32>
    %dot_general3A_274 = tpu.matmul %concatenate3A_272, %get3A_19, %dot_general3A_273 {dimension_numbers = #tpu.dot_dimension_numbers<[1], [1], [0], [0], [0, 0, 1, 0], [], []>, transpose_lhs_hint = false} : vector<64x128xf32>, vector<64x128xf32>, vector<64x64xf32> -> vector<64x64xf32>
    %mul3A_275 = arith.mulf %dot_general3A_274, %add3A_261 : vector<64x64xf32>
    %reduce_sum3A_276 = arith.constant dense<0.000000e+00> : vector<64xf32>
    %reduce_sum3A_277 = vector.multi_reduction <add>, %mul3A_275, %reduce_sum3A_276 [1] : vector<64x64xf32> to vector<64xf32>
    %mul3A_278 = arith.mulf %add3A_266, %add3A_271 : vector<64x64xf32>
    %reduce_sum3A_279 = arith.constant dense<0.000000e+00> : vector<64xf32>
    %reduce_sum3A_280 = vector.multi_reduction <add>, %mul3A_278, %reduce_sum3A_279 [1] : vector<64x64xf32> to vector<64xf32>
    %sub3A_281 = arith.subf %reduce_sum3A_277, %reduce_sum3A_280 : vector<64xf32>
    %broadcast_in_dim3A_282 = vector.shape_cast %sub3A_281 : vector<64xf32> to vector<1x1x64xf32>
    %swap3A = arith.constant 0 : index
    %swap3A_283 = arith.constant 0 : index
    %swap3A_284 = arith.constant 0 : index
    %swap3A_285 = vector.load %arg8[%swap3A, %swap3A_283, %swap3A_284] : memref<1x1x64xf32, #tpu.memory_space<vmem>>, vector<1x1x64xf32>
    tpu.vector_store %arg8[%swap3A, %swap3A_283, %swap3A_284], %broadcast_in_dim3A_282 {strides = array<i32>} : memref<1x1x64xf32, #tpu.memory_space<vmem>>, vector<1x1x64xf32>,
    %mul3A_286 = arith.mulf %get3A_4, %get3A_4 : vector<64x64xf32>
    %reduce_sum3A_287 = vector.shape_cast %mul3A_286 : vector<64x64xf32> to vector<1x64x64xf32>
    %reduce_sum3A_288 = arith.constant dense<0.000000e+00> : vector<1xf32>
    %reduce_sum3A_289 = vector.multi_reduction <add>, %reduce_sum3A_287, %reduce_sum3A_288 [1, 2] : vector<1x64x64xf32> to vector<1xf32>
    %reduce_sum3A_290 = vector.shape_cast %reduce_sum3A_289 : vector<1xf32> to vector<1x1x1xf32>
    %reduce_sum3A_291 = vector.extract %reduce_sum3A_290[0, 0, 0] : f32 from vector<1x1x1xf32>
    %mul3A_292 = arith.mulf %get3A_7, %get3A_7 : vector<64x64xf32>
    %reduce_sum3A_293 = vector.shape_cast %mul3A_292 : vector<64x64xf32> to vector<1x64x64xf32>
    %reduce_sum3A_294 = arith.constant dense<0.000000e+00> : vector<1xf32>
    %reduce_sum3A_295 = vector.multi_reduction <add>, %reduce_sum3A_293, %reduce_sum3A_294 [1, 2] : vector<1x64x64xf32> to vector<1xf32>
    %reduce_sum3A_296 = vector.shape_cast %reduce_sum3A_295 : vector<1xf32> to vector<1x1x1xf32>
    %reduce_sum3A_297 = vector.extract %reduce_sum3A_296[0, 0, 0] : f32 from vector<1x1x1xf32>
    %add3A_298 = arith.addf %reduce_sum3A_291, %reduce_sum3A_297 : f32
    %mul3A_299 = arith.mulf %get3A_10, %get3A_10 : vector<64x64xf32>
    %reduce_sum3A_300 = vector.shape_cast %mul3A_299 : vector<64x64xf32> to vector<1x64x64xf32>
    %reduce_sum3A_301 = arith.constant dense<0.000000e+00> : vector<1xf32>
    %reduce_sum3A_302 = vector.multi_reduction <add>, %reduce_sum3A_300, %reduce_sum3A_301 [1, 2] : vector<1x64x64xf32> to vector<1xf32>
    %reduce_sum3A_303 = vector.shape_cast %reduce_sum3A_302 : vector<1xf32> to vector<1x1x1xf32>
    %reduce_sum3A_304 = vector.extract %reduce_sum3A_303[0, 0, 0] : f32 from vector<1x1x1xf32>
    %add3A_305 = arith.addf %add3A_298, %reduce_sum3A_304 : f32
    %mul3A_306 = arith.mulf %reshape3A, %reshape3A : vector<6x64x16x128xf32>
    %reduce_sum3A_307 = vector.shape_cast %mul3A_306 : vector<6x64x16x128xf32> to vector<1x6x64x16x128xf32>
    %reduce_sum3A_308 = arith.constant dense<0.000000e+00> : vector<1xf32>
    %reduce_sum3A_309 = vector.multi_reduction <add>, %reduce_sum3A_307, %reduce_sum3A_308 [1, 2, 3, 4] : vector<1x6x64x16x128xf32> to vector<1xf32>
    %reduce_sum3A_310 = vector.shape_cast %reduce_sum3A_309 : vector<1xf32> to vector<1x1x1x1x1xf32>
    %reduce_sum3A_311 = vector.extract %reduce_sum3A_310[0, 0, 0, 0, 0] : f32 from vector<1x1x1x1x1xf32>
    %add3A_312 = arith.addf %add3A_305, %reduce_sum3A_311 : f32
    %mul3A_313 = arith.constant 5.000000e-01 : f32
    %mul3A_314 = arith.mulf %mul3A_313, %add3A_312 : f32
    %eq3A_315 = arith.constant 0 : i32
    %eq3A_316 = arith.cmpi eq, %arg0, %eq3A_315 : i32
    %convert_element_type3A_317 = arith.extui %eq3A_316 : i1 to i32
    %cond3A = arith.constant 0 : i32
    %cond3A_318 = arith.cmpi ne, %convert_element_type3A_317, %cond3A : i32
    scf.if %cond3A_318 {
      %broadcast_in_dim3A_327 = arith.constant 0.000000e+00 : f32
      %broadcast_in_dim3A_328 = vector.broadcast %broadcast_in_dim3A_327 : f32 to vector<1x1xf32>
      %swap3A_329 = arith.constant 0 : index
      %swap3A_330 = arith.constant 0 : index
      %swap3A_331 = vector.load %arg9[%swap3A_329, %swap3A_330] : memref<1x1xf32, #tpu.memory_space<vmem>>, vector<1x1xf32>
      tpu.vector_store %arg9[%swap3A_329, %swap3A_330], %broadcast_in_dim3A_328 {strides = array<i32>} : memref<1x1xf32, #tpu.memory_space<vmem>>, vector<1x1xf32>,
    } else {
    }
    %get3A_319 = arith.constant 0 : index
    %get3A_320 = arith.constant 0 : index
    %get3A_321 = vector.load %arg9[%get3A_319, %get3A_320] : memref<1x1xf32, #tpu.memory_space<vmem>>, vector<1x1xf32>
    %reshape3A_322 = vector.broadcast %mul3A_314 : f32 to vector<1x1xf32>
    %add3A_323 = arith.addf %get3A_321, %reshape3A_322 : vector<1x1xf32>
    %swap3A_324 = arith.constant 0 : index
    %swap3A_325 = arith.constant 0 : index
    %swap3A_326 = vector.load %arg9[%swap3A_324, %swap3A_325] : memref<1x1xf32, #tpu.memory_space<vmem>>, vector<1x1xf32>
    tpu.vector_store %arg9[%swap3A_324, %swap3A_325], %add3A_323 {strides = array<i32>} : memref<1x1xf32, #tpu.memory_space<vmem>>, vector<1x1xf32>,
    return
  }
  func.func @transform_0(%arg0: i32) -> (i32, i32) {
    %c0_i32 = arith.constant 0 : i32
    %c0_i32_0 = arith.constant 0 : i32
    return %arg0, %c0_i32 : i32, i32
  }
  func.func @transform_1(%arg0: i32) -> (i32, i32) {
    %c0_i32 = arith.constant 0 : i32
    %c0_i32_0 = arith.constant 0 : i32
    return %arg0, %c0_i32 : i32, i32
  }
  func.func @transform_2(%arg0: i32) -> (i32, i32) {
    %c0_i32 = arith.constant 0 : i32
    %c0_i32_0 = arith.constant 0 : i32
    return %arg0, %c0_i32 : i32, i32
  }
  func.func @transform_3(%arg0: i32) -> (i32, i32) {
    %c0_i32 = arith.constant 0 : i32
    %c0_i32_0 = arith.constant 0 : i32
    return %arg0, %c0_i32 : i32, i32
  }
  func.func @transform_4(%arg0: i32) -> (i32, i32) {
    %c0_i32 = arith.constant 0 : i32
    %c0_i32_0 = arith.constant 0 : i32
    %c0_i32_1 = arith.constant 0 : i32
    return %c0_i32, %c0_i32_0 : i32, i32
  }
  func.func @transform_5(%arg0: i32) -> (i32, i32) {
    %c0_i32 = arith.constant 0 : i32
    %c0_i32_0 = arith.constant 0 : i32
    %c0_i32_1 = arith.constant 0 : i32
    return %c0_i32, %c0_i32_0 : i32, i32
  }
  func.func @transform_6(%arg0: i32) -> (i32, i32) {
    %c0_i32 = arith.constant 0 : i32
    %c0_i32_0 = arith.constant 0 : i32
    %c0_i32_1 = arith.constant 0 : i32
    return %c0_i32, %c0_i32_0 : i32, i32
  }
  func.func @transform_7(%arg0: i32) -> (i32, i32, i32) {
    %c0_i32 = arith.constant 0 : i32
    %c0_i32_0 = arith.constant 0 : i32
    %c0_i32_1 = arith.constant 0 : i32
    return %arg0, %c0_i32, %c0_i32_0 : i32, i32, i32
  }
  func.func @transform_8(%arg0: i32) -> (i32, i32) {
    %c0_i32 = arith.constant 0 : i32
    %c0_i32_0 = arith.constant 0 : i32
    %c0_i32_1 = arith.constant 0 : i32
    return %c0_i32, %c0_i32_0 : i32, i32
  }
}

</mosaic_0001>

<sc_bundles>
// kernel: kernel.13.cloned.1.call-start
scs
__scs_entry_jumppad:
0x0: {  	(pc) =	sbr.rel $0x88, $3  }
0x1: {  	(tag) =	ssettag $0x0;
	lr =	simm.s32 $0x1  }
0x2: {  	[smem:$0x3F95] =	sst lr;
	_ =	strace $0xD0000000  }
0x3: {  	_ = 	snop  }
0x4: {  	_ = 	snop  }
0x5: {  	_ = 	snop  }
0x6: {  	_ = 	snop  }
0x7: {  	_ = 	snop  }
__scs_overlays_trampoline_lowered:
0x8: {  	[smem:$0x3FA4] =	sst s0  }
0x9: {  	[smem:$0x3FA5] =	sst s1  }
0xa: {  	[smem:$0x3FA6] =	sst s2  }
0xb: {  	[smem:$0x3FA7] =	sst s3  }
0xc: {  	[smem:$0x3FA8] =	sst s4  }
0xd: {  	[smem:$0x3FA9] =	sst s5  }
0xe: {  	[smem:$0x3FAA] =	sst s6  }
0xf: {  	[smem:$0x3FAB] =	sst s7  }
0x10: {  	[smem:$0x3FAC] =	sst s8  }
0x11: {  	[smem:$0x3FAD] =	sst s9;
	s0 =	simm.s32 @!p0 $0x0  }
0x12: {  	s1 =	sld [smem:$0x3F93];
	s0 =	simm.s32 @p0 $0x1  }
0x13: {  	[smem:$0x3FAE] =	sst s0;
	s0 =	simm.s32 @!p1 $0x0  }
0x14: {  	s2 =	sld [smem:$0x3F92];
	s0 =	simm.s32 @p1 $0x1  }
0x15: {  	[smem:$0x3FAF] =	sst s0;
	s0 =	simm.s32 @!p2 $0x0  }
0x16: {  	s3 =	sld [smem:$0x3FDB];
	s0 =	simm.s32 @p2 $0x1  }
0x17: {  	s4 =	simm.s32 $0x1BF5;
	[smem:$0x3FB1] =	sst s0  }
0x18: {  	s0 =	sld [smem:$0x3F94];
	_ =	swait.ge [sflag:s4], $0x0  }
0x19: {  	s7 =	sld [smem:$0x3F95]  }
0x1a: {  	s8 =	sadd.s32 $0xFFFFE003, lr  }
0x1b: {  	s9 =	sadd.s32 $0xFFFFFEF7, lr;
	s5 =	simm.s32 $0xFFFFFFFF;
	p2 =	slt.u32 s8, $0xFFFFF086  }
0x1c: {  	p1 =	slt.u32 s9, $0xF7A;
	s5 =	simm.s32 @!p2 $0x0  }
0x1d: {  	s5 =	simm.s32 @p1 $0x1;
	p0 =	seq.s32 s7, s2  }
0x1e: {  	s7 =	smul.u32 @!p0 $0xF7A, s2;
	p2 =	seq.s32 @!p0 s5, $0x0  }
0x1f: {  	s9 =	smul.u32 $0xF7A, s1;
	s8 =	simm.s32 @!p0 $0x1BF5;
	p2 =	por !p2, p0  }
0x20: {  	[sflag:s8] =	ssyncset.s32 @!p0 $0xFFFFF086;
	s6 =	sadd.s32 @!p0 s3, s7;
	s7 =	simm.s32 @!p0 $0x108  }
0x21: {  	s3 =	sadd.s32 s3, s9;
	s6 =	sadd.s32 @!p0 $0x88, s6;
	s7 =	simm.s32 @p2 $0x1082  }
0x22: {  	[simem:s7], [sflag:s8] =	dma.local @!p0 [hbm:s6], $0xF7A  }
0x23: {  	s9 =	sor.u32 $0xD0000000, s2;
	s6 =	simm.s32 $0x108;
	_ =	swait.ge @!p0 [sflag:s8], $0x0  }
0x24: {  	s3 =	sadd.s32 $0x88, s3;
	s6 =	simm.s32 @!p1 $0x1082;
	[sflag:s4] =	ssyncset.s32 $0xFFFFF086  }
0x25: {  	[simem:s6], [sflag:s4] =	dma.local [hbm:s3], $0xF7A  }
0x26: {  	[smem:$0x3F95] =	sst s1;
	(tag) =	ssettag s2;
	_ =	strace s9  }
0x27: {  	s1 =	sld [smem:$0x3FA5]  }
0x28: {  	s2 =	sld [smem:$0x3FA6]  }
0x29: {  	s4 =	sld [smem:$0x3FA8]  }
0x2a: {  	p0 =	seq.s32 s5, $0x0;
	s5 =	sld [smem:$0x3FA9]  }
0x2b: {  	s6 =	sld [smem:$0x3FAA]  }
0x2c: {  	s7 =	sld [smem:$0x3FAB]  }
0x2d: {  	s3 =	simm.s32 $0x108;
	s8 =	sld [smem:$0x3FAC]  }
0x2e: {  	s3 =	simm.s32 @!p0 $0x1082;
	s9 =	sld [smem:$0x3FAD]  }
0x2f: {  	lr =	sadd.s32 s0, s3;
	s0 =	sld [smem:$0x3FA4]  }
0x30: {  	s3 =	sld [smem:$0x3FA7]  }
0x31: {  	[smem:$0x3FB0] =	sst s10  }
0x32: {  	s10 =	sld [smem:$0x3FAE];
	_ =	sdelay $0x3  }
0x33: {  	p0 =	seq.s32 s10, $0x1;
	s10 =	sld [smem:$0x3FB0];
	_ =	sdelay $0x3  }
0x34: {  	[smem:$0x3FB0] =	sst s10  }
0x35: {  	s10 =	sld [smem:$0x3FAF];
	_ =	sdelay $0x3  }
0x36: {  	p1 =	seq.s32 s10, $0x1;
	s10 =	sld [smem:$0x3FB0];
	_ =	sdelay $0x3  }
0x37: {  	[smem:$0x3FB0] =	sst s10  }
0x38: {  	s10 =	sld [smem:$0x3FB1]  }
0x39: {  	_ = 	snop;
	(pc) =	sbr.ind lr, $3  }
0x3a: {  	_ = 	snop  }
0x3b: {  	_ = 	snop  }
0x3c: {  	p2 =	seq.s32 s10, $0x1;
	s10 =	sld [smem:$0x3FB0]  }
0x3d: {  	_ =	shalt  }
0x3e: {  	_ =	shalt  }
0x3f: {  	_ =	shalt  }
0x40: {  	_ =	shalt  }
0x41: {  	_ =	shalt  }
0x42: {  	_ =	shalt  }
0x43: {  	_ =	shalt  }
0x44: {  	_ =	shalt  }
0x45: {  	_ =	shalt  }
0x46: {  	_ =	shalt  }
0x47: {  	_ =	shalt  }
0x48: {  	_ =	shalt  }
0x49: {  	_ =	shalt  }
0x4a: {  	_ =	shalt  }
0x4b: {  	_ =	shalt  }
0x4c: {  	_ =	shalt  }
0x4d: {  	_ =	shalt  }
0x4e: {  	_ =	shalt  }
0x4f: {  	_ =	shalt  }
0x50: {  	_ =	shalt  }
0x51: {  	_ =	shalt  }
0x52: {  	_ =	shalt  }
0x53: {  	_ =	shalt  }
0x54: {  	_ =	shalt  }
0x55: {  	_ =	shalt  }
0x56: {  	_ =	shalt  }
0x57: {  	_ =	shalt  }
0x58: {  	_ =	shalt  }
0x59: {  	_ =	shalt  }
0x5a: {  	_ =	shalt  }
0x5b: {  	_ =	shalt  }
0x5c: {  	_ =	shalt  }
0x5d: {  	_ =	shalt  }
0x5e: {  	_ =	shalt  }
0x5f: {  	_ =	shalt  }
0x60: {  	_ =	shalt  }
0x61: {  	_ =	shalt  }
0x62: {  	_ =	shalt  }
0x63: {  	_ =	shalt  }
0x64: {  	_ =	shalt  }
0x65: {  	_ =	shalt  }
0x66: {  	_ =	shalt  }
0x67: {  	_ =	shalt  }
0x68: {  	_ =	shalt  }
0x69: {  	_ =	shalt  }
0x6a: {  	_ =	shalt  }
0x6b: {  	_ =	shalt  }
0x6c: {  	_ =	shalt  }
0x6d: {  	_ =	shalt  }
0x6e: {  	_ =	shalt  }
0x6f: {  	_ =	shalt  }
0x70: {  	_ =	shalt  }
0x71: {  	_ =	shalt  }
0x72: {  	_ =	shalt  }
0x73: {  	_ =	shalt  }
0x74: {  	_ =	shalt  }
0x75: {  	_ =	shalt  }
0x76: {  	_ =	shalt  }
0x77: {  	_ =	shalt  }
0x78: {  	_ =	shalt  }
0x79: {  	_ =	shalt  }
0x7a: {  	_ =	shalt  }
0x7b: {  	_ =	shalt  }
0x7c: {  	_ =	shalt  }
0x7d: {  	_ =	shalt  }
0x7e: {  	_ =	shalt  }
0x7f: {  	_ =	shalt  }
0x80: {  	_ =	shalt  }
0x81: {  	_ =	shalt  }
0x82: {  	_ =	shalt  }
0x83: {  	_ =	shalt  }
0x84: {  	_ =	shalt  }
0x85: {  	_ =	shalt  }
0x86: {  	_ =	shalt  }
0x87: {  	_ =	shalt  }
.Lfunc_end0:
.L_simem_size_0:
called_computation_lowered:
.L_overlay_start_0:
0x88: {  	s2 =	sld [smem:$0x3FD9]  }
0x89: {  	s3 =	sld [smem:$0x3FFE];
	_ =	sdelay $0x1  }
0x8a: {  	s1 =	srdreg.scid  }
0x8b: {  	s0 =	sand.u32 $0x1, s1  }
0x8c: {  	s17 =	sshll.u32 s0, $0xA;
	s2 =	sadd.s32 s3, s2  }
0x8d: {  	s2 =	sadd.s32 s2, s17  }
0x8e: {  	[smem:$0x3FBC] =	sst s2  }
0x8f: {  	_ = 	snop  }
0x90: {  	(tm) =	ssettm $0x1  }
0x91: {  	s18 =	sld [smem:$0x3FFB];
	_ =	sdelay $0x3  }
0x92: {  	_ =	strace s18  }
0x93: {  	s2 =	sld [smem:$0x3FFC];
	_ =	sdelay $0x3  }
0x94: {  	_ =	strace s2  }
0x95: {  	s2 =	sld [smem:$0x3FFD];
	_ =	sdelay $0x3  }
0x96: {  	_ =	strace s2  }
0x97: {  	_ =	strace $0x8FFFFFFF  }
0x98: {  	s19 =	sld [smem:$0x3FDB];
	_ =	sdelay $0x1  }
0x99: {  	s20 =	simm.s32 $_scs_section_size  }
0x9a: {  	s4 =	simm.s32 $_size__tile_overlayer_lowered;
	s5 =	simm.s32 $_tile_overlayer_lowered  }
0x9b: {  	s6 =	simm.s32 $0x1BFF;
	s21 =	sshll.u32 s5, $0x1;
	s3 =	sadd.s32 s20, s19  }
0x9c: {  	s22 =	simm.s32 $0x0;
	s4 =	sshll.u32 s4, $0x1;
	s5 =	sadd.s32 s21, s3  }
0x9d: {  	[timem:s22], [sflag:s6] =	dma.local [hbm:s5], s4  }
0x9e: {  	_ =	swait.ge [sflag:s6], s4  }
0x9f: {  	s4 =	ssub.s32 $0x0, s4;
	[sflag:s6] =	ssyncset.done $0x0  }
0xa0: {  	[sflag:s6] =	ssyncadd.s32 s4;
	_ =	sdelay $0x1  }
0xa1: {  	s23 =	simm.s32 $0x1B8B  }
0xa2: {  	_ =	swait.ge [sflag:s23], $0x1  }
0xa3: {  	[sflag:s23] =	ssyncset.done $0x0  }
0xa4: {  	[sflag:s23] =	ssyncadd.s32 $0xFFFFFFFF  }
0xa5: {  	s4 =	sld [smem:$0x0]  }
0xa6: {  	s5 =	sand.u32 $0xFFFFFFFE, s1  }
0xa7: {  	p0 =	sne.s32 s1, s5  }
0xa8: {  	s5 =	sshll.u32 @p0 s5, $0xE  }
0xa9: {  	s5 =	sadd.s32 @p0 $0x11B8D, s5;
	s6 =	sshll.u32 @p0 s4, $0x11  }
0xaa: {  	s5 =	sor.u32 @p0 s6, s5  }
0xab: {  	[sflag:s5] =	ssyncadd.remote.s32 @p0 $0x1;
	_ =	sdelay $0x1  }
0xac: {  	s5 =	simm.s32 @p0 $0x1B8D  }
0xad: {  	_ =	swait.eq @p0 [sflag:s5], $0x1  }
0xae: {  	[sflag:s5] =	ssyncadd.s32 @p0 $0xFFFFFFFF  }
0xaf: {  	s6 =	sshll.u32 @!p0 s1, $0xE  }
0xb0: {  	s6 =	sor.u32 @!p0 $0x4000, s6;
	s5 =	simm.s32 @!p0 $0x1B8D  }
0xb1: {  	s4 =	sshll.u32 @!p0 s4, $0x11;
	s6 =	sadd.s32 @!p0 $0x11B8D, s6;
	_ =	swait.eq @!p0 [sflag:s5], $0x1  }
0xb2: {  	s4 =	sor.u32 @!p0 s4, s6;
	[sflag:s5] =	ssyncadd.s32 @!p0 $0xFFFFFFFF  }
0xb3: {  	s25 =	simm.s32 $0x1B8E;
	s24 =	sld [smem:$0x3FFE];
	[sflag:s4] =	ssyncadd.remote.s32 @!p0 $0x1  }
0xb4: {  	s26 =	simm.s32 $execute0_lowered;
	[smem:$0x3FD2] =	sst s25  }
0xb5: {  	s5 =	sshll.u32 s26, $0x1;
	_ =	strace $0x8000004F;
	[dreg:$0x1] =	wrdreg $0xFFFFFFFF  }
0xb6: {  	s28 =	simm.s32 $_size_execute0_lowered;
	s3 =	sadd.s32 s3, s5;
	[dreg:$0x0] =	wrdreg $0x0  }
0xb7: {  	s5 =	sshll.u32 s28, $0x1;
	[dreg:$0x2] =	wrdreg s3  }
0xb8: {  	[dreg:$0x3] =	wrdreg s5  }
0xb9: {  	[dreg:$0x4] =	wrdreg $0xC0  }
0xba: {  	_ =	task [dreg:s22], $0x5FFFF  }
0xbb: {  	[dreg:$0x1] =	wrdreg $0xFFFFFFFF  }
0xbc: {  	[dreg:$0x0] =	wrdreg $0x60  }
0xbd: {  	[dreg:$0x2] =	wrdreg s24  }
0xbe: {  	[dreg:$0x3] =	wrdreg $0x9  }
0xbf: {  	_ =	task.clear_ibuf [dreg:s22], $0x4FFFF;
	_ =	strace $0x9000004F  }
0xc0: {  	s29 =	simm.s32 $0x9;
	_ =	strace $0x80000051  }
0xc1: {  	_ =	swait.ge [sflag:s29], $0x1  }
0xc2: {  	[sflag:s29] =	ssyncadd.s32 $0xFFFFFFFF  }
0xc3: {  	_ =	strace $0x90000051  }
0xc4: {  	_ =	sfence  }
0xc5: {  	s30 =	sld [smem:$0x0];
	_ =	sdelay $0x2  }
0xc6: {  	s31 =	sshll.u32 s1, $0xD;
	s1 =	sshrl.u32 s1, $0x2  }
0xc7: {  	s4 =	sand.u32 $0x4000, s31;
	s1 =	sadd.s32 s1, s30  }
0xc8: {  	s0 =	sor.u32 s4, s0;
	s1 =	sshll.u32 s1, $0x11  }
0xc9: {  	s0 =	sor.u32 s1, s0  }
0xca: {  	s0 =	sadd.s32 $0x8F2B, s0  }
0xcb: {  	[sflag:s0] =	ssyncadd.remote.s32 $0x1  }
0xcc: {  	_ =	sfence.sel $0xFFFF  }
0xcd: {  	[dreg:$0x0] =	wrdreg $0xFFFFFFFF;
	(pc) =	sbr.abs _section_cstart, $3  }
0xce: {  	[dreg:$0x1] =	wrdreg $0xFFFFFFFF  }
0xcf: {  	_ =	task.clear_ibuf [dreg:s22], $0x2FFFF;
	_ =	strace $0x9FFFFFFF  }
0xd0: {  	(tm) =	ssettm $0x7FFFFFFF  }
0xd1: {  	_ =	shalt  }
tec
execute0_lowered:
.L_overlay_start_1:
0x0: {  	(tag) =	ssettag $0x1  }
0x1: {  	s1 =	srdreg.scid;
	s0 =	stileid.u32  }
0x2: {  	s7 =	rddreg [dreg:$0x0];
	s2 =	simm.s32 $0x0;
	s17 =	simm.s32 $0x1800  }
0x3: {  	s18 =	simm.s32 $0x1;
	s19 =	simm.s32 $0x3800;
	s20 =	simm.s32 $0x20  }
0x4: {  	s21 =	simm.s32 $0x3820;
	s9 =	sand.u32 $0x1, s1;
	s1 =	rddreg [dreg:$0x1]  }
0x5: {  	s22 =	simm.s32 $0x0;
	s29 =	sshll.u32 s0, $0x1;
	[smem:$0x7FF] =	sst s2  }
0x6: {  	s10 =	smul.u32 $0x18000, s0;
	s4 =	sadd.s32 $0x1D000, s7;
	s5 =	sadd.s32 $0x3D000, s7  }
0x7: {  	s6 =	sor.u32 s9, s29;
	_ =	strace $0x80000050;
	s16 =	smul.u32 $0xC000, s9  }
0x8: {  	s12 =	ssub.s32 $0x2, s9;
	s3 =	smul.u32 $0x1800, s6;
	s30 =	sshll.u32 s6, $0x2  }
0x9: {  	s14 =	sadd.s32 s10, s7;
	s6 =	sshll.u32 s6, $0x8;
	s31 =	sshrl.u32 s12, $0x1  }
0xa: {  	s11 =	sadd.s32 s30, s7;
	s13 =	sadd.s32 s6, s7;
	s15 =	ssub.s32 s12, s31  }
0xb: {  	s14 =	sadd.s32 s16, s14;
	s16 =	simm.s32 $0x80;
	s9 =	sadd.s32 $0x3A00, s11  }
0xc: {  	s3 =	sshrl.u32 s3, $0x3;
	s10 =	sadd.s32 $0xD71200, s13;
	s12 =	sadd.s32 $0xD73200, s13  }
0xd: {  	s14 =	sadd.s32 $0xD75200, s14;
	s8 =	sadd.s32 s3, s7;
	s3 =	sadd.s32 $0x11D000, s7  }
0xe: {  	s7 =	sadd.s32 $0xD6F000, s11;
	s11 =	sadd.s32 $0x3C00, s11;
	s6 =	sadd.s32 $0x17000, s8  }
0xf: {  	s8 =	sadd.s32 $0xD6F200, s13;
	s13 =	smax.u32 s15, $0x1;
	s15 =	simm.s32 $0x2  }
.LBB2_1:
0x10: {  	[tilespmem:s2], [sflag:$0x2] =	stream.linear.gather [hbm4b:s6+s2], $0x1800, $0x38;
	[tilespmem:$0x4020] =	vst v63  }
0x11: {  	_ =	swait.ge [sflag:s15], $0x1800  }
0x12: {  	[sflag:s15] =	ssyncset.done $0x0  }
0x13: {  	s23 =	simm.s32 $0x0;
	[sflag:s15] =	ssyncadd.s32 $0xFFFFE800  }
0x14: {  	[tilespmem:s17], [sflag:$0x1] =	stream.indirect.gather [hbm4b:s3+s16], $0x40, s23, s16, $0xb8;
	[tilespmem:$0x4020] =	vst v63  }
0x15: {  	_ =	swait.ge [sflag:s18], $0x2000  }
0x16: {  	[sflag:s18] =	ssyncset.done $0x0  }
0x17: {  	[sflag:s18] =	ssyncadd.s32 $0xFFFFE000  }
0x18: {  	[hbm4b:s14+s2] =	stream.linear.scatter [tilespmem:s17], [sflag:$0x2], $0x2000, $0x38;
	[tilespmem:$0x4020] =	vst v63  }
0x19: {  	s24 =	simm.s32 $0x200;
	_ =	swait.ge [sflag:s15], $0x2000  }
0x1a: {  	s25 =	simm.s32 $0x400;
	s23 =	sadd.s32 $0x400, s14;
	[sflag:s15] =	ssyncset.done $0x0  }
.LBB2_2:
0x1b: {  	s26 =	sshra.s32 s24, $0x2  }
0x1c: {  	[sflag:s15] =	ssyncadd.s32 $0xFFFFE000;
	s24 =	smov.u32 s25;
	s28 =	sadd.s32 $0x200, s25  }
0x1d: {  	[tilespmem:s17], [sflag:$0x1] =	stream.indirect.gather [hbm4b:s3+s16], $0x40, s26, s16, $0xb8;
	[tilespmem:$0x4020] =	vst v63  }
0x1e: {  	p0 =	sne.s32 s25, $0x5E00;
	_ =	swait.ge [sflag:s18], $0x2000  }
.Ltmp0:
0x1f: {  	[sflag:s18] =	ssyncset.done $0x0;
	(pc) =	sbr.rel @p0 .LBB2_2-.Ltmp0, $4  }
0x20: {  	[sflag:s18] =	ssyncadd.s32 $0xFFFFE000  }
0x21: {  	[hbm4b:s23+s2] =	stream.linear.scatter [tilespmem:s17], [sflag:$0x2], $0x2000, $0x38;
	[tilespmem:$0x4020] =	vst v63  }
0x22: {  	_ =	swait.ge [sflag:s15], $0x2000  }
0x23: {  	s25 =	smov.u32 s28;
	s23 =	sadd.s32 $0x400, s23;
	[sflag:s15] =	ssyncset.done $0x0  }
0x24: {  	s24 =	sshra.s32 s24, $0x2;
	[sflag:s15] =	ssyncadd.s32 $0xFFFFE000  }
0x25: {  	[tilespmem:s17], [sflag:$0x1] =	stream.indirect.gather [hbm4b:s3+s16], $0x40, s24, s16, $0xb8;
	[tilespmem:$0x4020] =	vst v63  }
0x26: {  	_ =	swait.ge [sflag:s18], $0x2000  }
0x27: {  	[sflag:s18] =	ssyncset.done $0x0  }
0x28: {  	[sflag:s18] =	ssyncadd.s32 $0xFFFFE000  }
0x29: {  	[hbm4b:s23+s2] =	stream.linear.scatter [tilespmem:s17], [sflag:$0x2], $0x2000, $0x38;
	[tilespmem:$0x4020] =	vst v63  }
0x2a: {  	_ =	swait.ge [sflag:s15], $0x2000  }
0x2b: {  	[sflag:s15] =	ssyncset.done $0x0  }
0x2c: {  	[sflag:s15] =	ssyncadd.s32 $0xFFFFE000  }
0x2d: {  	[tilespmem:s19], [sflag:$0x2] =	stream.linear.gather [hbm4b:s7+s2], $0x20, $0x38;
	[tilespmem:$0x4020] =	vst v63  }
0x2e: {  	_ =	swait.ge [sflag:s15], $0x20  }
0x2f: {  	[sflag:s15] =	ssyncset.done $0x0  }
0x30: {  	[sflag:s15] =	ssyncadd.s32 $0xFFFFFFE0  }
0x31: {  	[tilespmem:s21], [sflag:$0x1] =	stream.indirect.gather [hbm4b:s4+s20], $0x40, s19, s20, $0xb8;
	[tilespmem:$0x4020] =	vst v63  }
0x32: {  	_ =	swait.ge [sflag:s18], $0x800  }
0x33: {  	[sflag:s18] =	ssyncset.done $0x0  }
0x34: {  	[sflag:s18] =	ssyncadd.s32 $0xFFFFF800  }
0x35: {  	[hbm4b:s8+s2] =	stream.linear.scatter [tilespmem:s21], [sflag:$0x2], $0x800, $0x38;
	[tilespmem:$0x4020] =	vst v63  }
0x36: {  	_ =	swait.ge [sflag:s15], $0x800  }
0x37: {  	[sflag:s15] =	ssyncset.done $0x0  }
0x38: {  	[sflag:s15] =	ssyncadd.s32 $0xFFFFF800  }
0x39: {  	[tilespmem:s19], [sflag:$0x2] =	stream.linear.gather [hbm4b:s9+s2], $0x20, $0x38;
	[tilespmem:$0x4020] =	vst v63  }
0x3a: {  	_ =	swait.ge [sflag:s15], $0x20  }
0x3b: {  	[sflag:s15] =	ssyncset.done $0x0  }
0x3c: {  	[sflag:s15] =	ssyncadd.s32 $0xFFFFFFE0  }
0x3d: {  	[tilespmem:s21], [sflag:$0x1] =	stream.indirect.gather [hbm4b:s5+s20], $0x40, s19, s20, $0xb8;
	[tilespmem:$0x4020] =	vst v63  }
0x3e: {  	_ =	swait.ge [sflag:s18], $0x800  }
0x3f: {  	[sflag:s18] =	ssyncset.done $0x0  }
0x40: {  	[sflag:s18] =	ssyncadd.s32 $0xFFFFF800  }
0x41: {  	[hbm4b:s10+s2] =	stream.linear.scatter [tilespmem:s21], [sflag:$0x2], $0x800, $0x38;
	[tilespmem:$0x4020] =	vst v63  }
0x42: {  	_ =	swait.ge [sflag:s15], $0x800  }
0x43: {  	[sflag:s15] =	ssyncset.done $0x0  }
0x44: {  	[sflag:s15] =	ssyncadd.s32 $0xFFFFF800  }
0x45: {  	[tilespmem:s19], [sflag:$0x2] =	stream.linear.gather [hbm4b:s11+s2], $0x20, $0x38;
	[tilespmem:$0x4020] =	vst v63  }
0x46: {  	_ =	swait.ge [sflag:s15], $0x20  }
0x47: {  	[sflag:s15] =	ssyncset.done $0x0  }
0x48: {  	[sflag:s15] =	ssyncadd.s32 $0xFFFFFFE0  }
0x49: {  	[tilespmem:s21], [sflag:$0x1] =	stream.indirect.gather [hbm4b:s5+s20], $0x40, s19, s20, $0xb8;
	[tilespmem:$0x4020] =	vst v63  }
0x4a: {  	s22 =	sadd.s32 $0x1, s22;
	_ =	swait.ge [sflag:s18], $0x800  }
0x4b: {  	p0 =	sne.s32 s22, s13;
	[sflag:s18] =	ssyncset.done $0x0  }
.Ltmp1:
0x4c: {  	[sflag:s18] =	ssyncadd.s32 $0xFFFFF800;
	(pc) =	sbr.rel @p0 .LBB2_1-.Ltmp1, $4  }
0x4d: {  	[hbm4b:s12+s2] =	stream.linear.scatter [tilespmem:s21], [sflag:$0x2], $0x800, $0x38;
	[tilespmem:$0x4020] =	vst v63  }
0x4e: {  	_ =	swait.ge [sflag:s15], $0x800  }
0x4f: {  	[sflag:s15] =	ssyncset.done $0x0  }
0x50: {  	[sflag:s15] =	ssyncadd.s32 $0xFFFFF800  }
0x51: {  	_ =	sfence.sel $0x180000  }
0x52: {  	[bflag:$0x0] =	sbarrier.arrive $0xFFFF  }
0x53: {  	p0 =	sne.s32 s0, $0x0;
	_ =	strace $0x90000050  }
0x54: {  	s0 =	sadd.s32 @!p0 $0x100000, s1;
	[bflag:$0x2] =	sbarrier.arrive $0xFFFF  }
0x55: {  	[sflag:s0] =	ssyncadd.tile.s32 @!p0 $0x1;
	_ =	shalt  }
.Lfunc_end2:
_tile_overlayer_lowered:
.L_overlay_start_2:
0x56: {  	(tag) =	ssettag $0x2  }
0x57: {  	s0 =	rddreg [dreg:$0x0];
	s2 =	stileid.u32  }
0x58: {  	s1 =	rddreg [dreg:$0x1];
	p0 =	sne.s32 s2, $0x0  }
0x59: {  	s3 =	rddreg [dreg:$0x2];
	[bflag:$0x3] =	sbarrier.arrive $0xFFFF;
	s2 =	simm.s32 @!p0 $0x1C02  }
0x5a: {  	[timem:s3], [sflag:s2] =	dma.local @!p0 [hbm:s0], s1  }
0x5b: {  	s0 =	simm.s32 @!p0 $0x2  }
0x5c: {  	_ =	swait.ge @!p0 [sflag:s0], s1  }
0x5d: {  	s1 =	ssub.s32 @!p0 $0x0, s1;
	[sflag:s0] =	ssyncset.done @!p0 $0x0  }
0x5e: {  	[sflag:s0] =	ssyncadd.s32 @!p0 s1  }
0x5f: {  	[bflag:$0x3] =	sbarrier.arrive $0xFFFF  }
0x60: {  	_ =	shalt  }

// kernel: kernel.16.cloned.1.call-start
scs
__scs_entry_jumppad:
0x0: {  	(pc) =	sbr.rel $0x88, $3  }
0x1: {  	(tag) =	ssettag $0x0;
	lr =	simm.s32 $0x1  }
0x2: {  	[smem:$0x3F95] =	sst lr;
	_ =	strace $0xD0000000  }
0x3: {  	_ = 	snop  }
0x4: {  	_ = 	snop  }
0x5: {  	_ = 	snop  }
0x6: {  	_ = 	snop  }
0x7: {  	_ = 	snop  }
__scs_overlays_trampoline_lowered:
0x8: {  	[smem:$0x3FA4] =	sst s0  }
0x9: {  	[smem:$0x3FA5] =	sst s1  }
0xa: {  	[smem:$0x3FA6] =	sst s2  }
0xb: {  	[smem:$0x3FA7] =	sst s3  }
0xc: {  	[smem:$0x3FA8] =	sst s4  }
0xd: {  	[smem:$0x3FA9] =	sst s5  }
0xe: {  	[smem:$0x3FAA] =	sst s6  }
0xf: {  	[smem:$0x3FAB] =	sst s7  }
0x10: {  	[smem:$0x3FAC] =	sst s8  }
0x11: {  	[smem:$0x3FAD] =	sst s9;
	s0 =	simm.s32 @!p0 $0x0  }
0x12: {  	s1 =	sld [smem:$0x3F93];
	s0 =	simm.s32 @p0 $0x1  }
0x13: {  	[smem:$0x3FAE] =	sst s0;
	s0 =	simm.s32 @!p1 $0x0  }
0x14: {  	s2 =	sld [smem:$0x3F92];
	s0 =	simm.s32 @p1 $0x1  }
0x15: {  	[smem:$0x3FAF] =	sst s0;
	s0 =	simm.s32 @!p2 $0x0  }
0x16: {  	s3 =	sld [smem:$0x3FDB];
	s0 =	simm.s32 @p2 $0x1  }
0x17: {  	s4 =	simm.s32 $0x1BF5;
	[smem:$0x3FB1] =	sst s0  }
0x18: {  	s0 =	sld [smem:$0x3F94];
	_ =	swait.ge [sflag:s4], $0x0  }
0x19: {  	s7 =	sld [smem:$0x3F95]  }
0x1a: {  	s8 =	sadd.s32 $0xFFFFE003, lr  }
0x1b: {  	s9 =	sadd.s32 $0xFFFFFEF7, lr;
	s5 =	simm.s32 $0xFFFFFFFF;
	p2 =	slt.u32 s8, $0xFFFFF086  }
0x1c: {  	p1 =	slt.u32 s9, $0xF7A;
	s5 =	simm.s32 @!p2 $0x0  }
0x1d: {  	s5 =	simm.s32 @p1 $0x1;
	p0 =	seq.s32 s7, s2  }
0x1e: {  	s7 =	smul.u32 @!p0 $0xF7A, s2;
	p2 =	seq.s32 @!p0 s5, $0x0  }
0x1f: {  	s9 =	smul.u32 $0xF7A, s1;
	s8 =	simm.s32 @!p0 $0x1BF5;
	p2 =	por !p2, p0  }
0x20: {  	[sflag:s8] =	ssyncset.s32 @!p0 $0xFFFFF086;
	s6 =	sadd.s32 @!p0 s3, s7;
	s7 =	simm.s32 @!p0 $0x108  }
0x21: {  	s3 =	sadd.s32 s3, s9;
	s6 =	sadd.s32 @!p0 $0x88, s6;
	s7 =	simm.s32 @p2 $0x1082  }
0x22: {  	[simem:s7], [sflag:s8] =	dma.local @!p0 [hbm:s6], $0xF7A  }
0x23: {  	s9 =	sor.u32 $0xD0000000, s2;
	s6 =	simm.s32 $0x108;
	_ =	swait.ge @!p0 [sflag:s8], $0x0  }
0x24: {  	s3 =	sadd.s32 $0x88, s3;
	s6 =	simm.s32 @!p1 $0x1082;
	[sflag:s4] =	ssyncset.s32 $0xFFFFF086  }
0x25: {  	[simem:s6], [sflag:s4] =	dma.local [hbm:s3], $0xF7A  }
0x26: {  	[smem:$0x3F95] =	sst s1;
	(tag) =	ssettag s2;
	_ =	strace s9  }
0x27: {  	s1 =	sld [smem:$0x3FA5]  }
0x28: {  	s2 =	sld [smem:$0x3FA6]  }
0x29: {  	s4 =	sld [smem:$0x3FA8]  }
0x2a: {  	p0 =	seq.s32 s5, $0x0;
	s5 =	sld [smem:$0x3FA9]  }
0x2b: {  	s6 =	sld [smem:$0x3FAA]  }
0x2c: {  	s7 =	sld [smem:$0x3FAB]  }
0x2d: {  	s3 =	simm.s32 $0x108;
	s8 =	sld [smem:$0x3FAC]  }
0x2e: {  	s3 =	simm.s32 @!p0 $0x1082;
	s9 =	sld [smem:$0x3FAD]  }
0x2f: {  	lr =	sadd.s32 s0, s3;
	s0 =	sld [smem:$0x3FA4]  }
0x30: {  	s3 =	sld [smem:$0x3FA7]  }
0x31: {  	[smem:$0x3FB0] =	sst s10  }
0x32: {  	s10 =	sld [smem:$0x3FAE];
	_ =	sdelay $0x3  }
0x33: {  	p0 =	seq.s32 s10, $0x1;
	s10 =	sld [smem:$0x3FB0];
	_ =	sdelay $0x3  }
0x34: {  	[smem:$0x3FB0] =	sst s10  }
0x35: {  	s10 =	sld [smem:$0x3FAF];
	_ =	sdelay $0x3  }
0x36: {  	p1 =	seq.s32 s10, $0x1;
	s10 =	sld [smem:$0x3FB0];
	_ =	sdelay $0x3  }
0x37: {  	[smem:$0x3FB0] =	sst s10  }
0x38: {  	s10 =	sld [smem:$0x3FB1]  }
0x39: {  	_ = 	snop;
	(pc) =	sbr.ind lr, $3  }
0x3a: {  	_ = 	snop  }
0x3b: {  	_ = 	snop  }
0x3c: {  	p2 =	seq.s32 s10, $0x1;
	s10 =	sld [smem:$0x3FB0]  }
0x3d: {  	_ =	shalt  }
0x3e: {  	_ =	shalt  }
0x3f: {  	_ =	shalt  }
0x40: {  	_ =	shalt  }
0x41: {  	_ =	shalt  }
0x42: {  	_ =	shalt  }
0x43: {  	_ =	shalt  }
0x44: {  	_ =	shalt  }
0x45: {  	_ =	shalt  }
0x46: {  	_ =	shalt  }
0x47: {  	_ =	shalt  }
0x48: {  	_ =	shalt  }
0x49: {  	_ =	shalt  }
0x4a: {  	_ =	shalt  }
0x4b: {  	_ =	shalt  }
0x4c: {  	_ =	shalt  }
0x4d: {  	_ =	shalt  }
0x4e: {  	_ =	shalt  }
0x4f: {  	_ =	shalt  }
0x50: {  	_ =	shalt  }
0x51: {  	_ =	shalt  }
0x52: {  	_ =	shalt  }
0x53: {  	_ =	shalt  }
0x54: {  	_ =	shalt  }
0x55: {  	_ =	shalt  }
0x56: {  	_ =	shalt  }
0x57: {  	_ =	shalt  }
0x58: {  	_ =	shalt  }
0x59: {  	_ =	shalt  }
0x5a: {  	_ =	shalt  }
0x5b: {  	_ =	shalt  }
0x5c: {  	_ =	shalt  }
0x5d: {  	_ =	shalt  }
0x5e: {  	_ =	shalt  }
0x5f: {  	_ =	shalt  }
0x60: {  	_ =	shalt  }
0x61: {  	_ =	shalt  }
0x62: {  	_ =	shalt  }
0x63: {  	_ =	shalt  }
0x64: {  	_ =	shalt  }
0x65: {  	_ =	shalt  }
0x66: {  	_ =	shalt  }
0x67: {  	_ =	shalt  }
0x68: {  	_ =	shalt  }
0x69: {  	_ =	shalt  }
0x6a: {  	_ =	shalt  }
0x6b: {  	_ =	shalt  }
0x6c: {  	_ =	shalt  }
0x6d: {  	_ =	shalt  }
0x6e: {  	_ =	shalt  }
0x6f: {  	_ =	shalt  }
0x70: {  	_ =	shalt  }
0x71: {  	_ =	shalt  }
0x72: {  	_ =	shalt  }
0x73: {  	_ =	shalt  }
0x74: {  	_ =	shalt  }
0x75: {  	_ =	shalt  }
0x76: {  	_ =	shalt  }
0x77: {  	_ =	shalt  }
0x78: {  	_ =	shalt  }
0x79: {  	_ =	shalt  }
0x7a: {  	_ =	shalt  }
0x7b: {  	_ =	shalt  }
0x7c: {  	_ =	shalt  }
0x7d: {  	_ =	shalt  }
0x7e: {  	_ =	shalt  }
0x7f: {  	_ =	shalt  }
0x80: {  	_ =	shalt  }
0x81: {  	_ =	shalt  }
0x82: {  	_ =	shalt  }
0x83: {  	_ =	shalt  }
0x84: {  	_ =	shalt  }
0x85: {  	_ =	shalt  }
0x86: {  	_ =	shalt  }
0x87: {  	_ =	shalt  }
.Lfunc_end0:
.L_simem_size_0:
called_computation.1_lowered:
.L_overlay_start_0:
0x88: {  	s2 =	sld [smem:$0x3FD9]  }
0x89: {  	s3 =	sld [smem:$0x3FFE];
	_ =	sdelay $0x1  }
0x8a: {  	s1 =	srdreg.scid  }
0x8b: {  	s0 =	sand.u32 $0x1, s1  }
0x8c: {  	s15 =	sshll.u32 s0, $0xA;
	s2 =	sadd.s32 s3, s2  }
0x8d: {  	s2 =	sadd.s32 s2, s15  }
0x8e: {  	[smem:$0x3FBC] =	sst s2  }
0x8f: {  	_ = 	snop  }
0x90: {  	s2 =	sld [smem:$0x3FD0];
	_ =	sdelay $0x2  }
0x91: {  	s16 =	simm.s32 $0xD;
	s4 =	simm.s32 $0x10  }
0x92: {  	[smem:s4], [sflag:s16] =	dma.local [hbm:s2], $0x1  }
0x93: {  	_ =	swait.eq [sflag:s16], $0x1  }
0x94: {  	[sflag:s16] =	ssyncset.done $0x0  }
0x95: {  	[sflag:s16] =	ssyncadd.s32 $0xFFFFFFFF  }
0x96: {  	s17 =	sld [smem:$0x10];
	(tm) =	ssettm $0x1  }
0x97: {  	s18 =	sld [smem:$0x3FFB];
	_ =	sdelay $0x3  }
0x98: {  	_ =	strace s18  }
0x99: {  	s2 =	sld [smem:$0x3FFC];
	_ =	sdelay $0x3  }
0x9a: {  	_ =	strace s2  }
0x9b: {  	s2 =	sld [smem:$0x3FFD];
	_ =	sdelay $0x3  }
0x9c: {  	_ =	strace s2  }
0x9d: {  	_ =	strace $0x8FFFFFFF  }
0x9e: {  	s19 =	sld [smem:$0x3FDB];
	_ =	sdelay $0x1  }
0x9f: {  	s20 =	simm.s32 $_scs_section_size  }
0xa0: {  	s5 =	simm.s32 $_size__tile_overlayer_lowered;
	s6 =	simm.s32 $_tile_overlayer_lowered  }
0xa1: {  	s7 =	simm.s32 $0x1BFF;
	s21 =	sshll.u32 s6, $0x1;
	s4 =	sadd.s32 s20, s19  }
0xa2: {  	s22 =	simm.s32 $0x0;
	s5 =	sshll.u32 s5, $0x1;
	s6 =	sadd.s32 s21, s4  }
0xa3: {  	[timem:s22], [sflag:s7] =	dma.local [hbm:s6], s5  }
0xa4: {  	_ =	swait.ge [sflag:s7], s5  }
0xa5: {  	s5 =	ssub.s32 $0x0, s5;
	[sflag:s7] =	ssyncset.done $0x0  }
0xa6: {  	[sflag:s7] =	ssyncadd.s32 s5;
	_ =	sdelay $0x1  }
0xa7: {  	s23 =	simm.s32 $0x1B8B  }
0xa8: {  	_ =	swait.ge [sflag:s23], $0x1  }
0xa9: {  	[sflag:s23] =	ssyncset.done $0x0  }
0xaa: {  	[sflag:s23] =	ssyncadd.s32 $0xFFFFFFFF  }
0xab: {  	s5 =	sld [smem:$0x0]  }
0xac: {  	s6 =	sand.u32 $0xFFFFFFFE, s1  }
0xad: {  	p0 =	sne.s32 s1, s6  }
0xae: {  	s6 =	sshll.u32 @p0 s6, $0xE  }
0xaf: {  	s6 =	sadd.s32 @p0 $0x11B8D, s6;
	s7 =	sshll.u32 @p0 s5, $0x11  }
0xb0: {  	s6 =	sor.u32 @p0 s7, s6  }
0xb1: {  	[sflag:s6] =	ssyncadd.remote.s32 @p0 $0x1;
	_ =	sdelay $0x1  }
0xb2: {  	s6 =	simm.s32 @p0 $0x1B8D  }
0xb3: {  	_ =	swait.eq @p0 [sflag:s6], $0x1  }
0xb4: {  	[sflag:s6] =	ssyncadd.s32 @p0 $0xFFFFFFFF  }
0xb5: {  	s7 =	sshll.u32 @!p0 s1, $0xE  }
0xb6: {  	s7 =	sor.u32 @!p0 $0x4000, s7;
	s6 =	simm.s32 @!p0 $0x1B8D  }
0xb7: {  	s5 =	sshll.u32 @!p0 s5, $0x11;
	s7 =	sadd.s32 @!p0 $0x11B8D, s7;
	_ =	swait.eq @!p0 [sflag:s6], $0x1  }
0xb8: {  	s5 =	sor.u32 @!p0 s5, s7;
	[sflag:s6] =	ssyncadd.s32 @!p0 $0xFFFFFFFF  }
0xb9: {  	s25 =	simm.s32 $0x1B8E;
	s24 =	sld [smem:$0x3FFE];
	[sflag:s5] =	ssyncadd.remote.s32 @!p0 $0x1  }
0xba: {  	s26 =	simm.s32 $execute0_lowered;
	[smem:$0x3FD2] =	sst s25  }
0xbb: {  	s6 =	sshll.u32 s26, $0x1;
	_ =	strace $0x8000004C;
	[dreg:$0x1] =	wrdreg $0xFFFFFFFF  }
0xbc: {  	s28 =	simm.s32 $_size_execute0_lowered;
	s4 =	sadd.s32 s4, s6;
	[dreg:$0x0] =	wrdreg $0x0  }
0xbd: {  	s6 =	sshll.u32 s28, $0x1;
	[dreg:$0x2] =	wrdreg s4  }
0xbe: {  	[dreg:$0x3] =	wrdreg s6  }
0xbf: {  	[dreg:$0x4] =	wrdreg $0xC0  }
0xc0: {  	_ =	task [dreg:s22], $0x5FFFF  }
0xc1: {  	[dreg:$0x1] =	wrdreg $0xFFFFFFFF  }
0xc2: {  	[dreg:$0x0] =	wrdreg $0x60  }
0xc3: {  	[dreg:$0x2] =	wrdreg s24  }
0xc4: {  	[dreg:$0x3] =	wrdreg s17  }
0xc5: {  	[dreg:$0x4] =	wrdreg $0xA  }
0xc6: {  	_ =	task.clear_ibuf [dreg:s22], $0x5FFFF;
	_ =	strace $0x9000004C  }
0xc7: {  	s29 =	simm.s32 $0xA;
	_ =	strace $0x8000004E  }
0xc8: {  	_ =	swait.ge [sflag:s29], $0x1  }
0xc9: {  	[sflag:s29] =	ssyncadd.s32 $0xFFFFFFFF  }
0xca: {  	_ =	strace $0x9000004E  }
0xcb: {  	_ =	sfence  }
0xcc: {  	s30 =	sld [smem:$0x0];
	_ =	sdelay $0x2  }
0xcd: {  	s31 =	sshll.u32 s1, $0xD;
	s1 =	sshrl.u32 s1, $0x2  }
0xce: {  	s4 =	sand.u32 $0x4000, s31;
	s1 =	sadd.s32 s1, s30  }
0xcf: {  	s0 =	sor.u32 s4, s0;
	s1 =	sshll.u32 s1, $0x11  }
0xd0: {  	s0 =	sor.u32 s1, s0  }
0xd1: {  	s0 =	sadd.s32 $0x8F2B, s0  }
0xd2: {  	[sflag:s0] =	ssyncadd.remote.s32 $0x1  }
0xd3: {  	_ =	sfence.sel $0xFFFF  }
0xd4: {  	[dreg:$0x0] =	wrdreg $0xFFFFFFFF;
	(pc) =	sbr.abs _section_cstart, $3  }
0xd5: {  	[dreg:$0x1] =	wrdreg $0xFFFFFFFF  }
0xd6: {  	_ =	task.clear_ibuf [dreg:s22], $0x2FFFF;
	_ =	strace $0x9FFFFFFF  }
0xd7: {  	(tm) =	ssettm $0x7FFFFFFF  }
tec
execute0_lowered:
.L_overlay_start_1:
0x0: {  	(tag) =	ssettag $0x1  }
0x1: {  	s1 =	srdreg.scid  }
0x2: {  	s0 =	stileid.u32;
	s6 =	rddreg [dreg:$0x0]  }
0x3: {  	s8 =	rddreg [dreg:$0x1];
	s2 =	simm.s32 $0x0;
	s17 =	simm.s32 $0x1800  }
0x4: {  	s18 =	simm.s32 $0x1;
	s19 =	simm.s32 $0x3800;
	s20 =	simm.s32 $0x20  }
0x5: {  	s21 =	simm.s32 $0x3820;
	s9 =	sand.u32 $0x1, s1;
	s1 =	rddreg [dreg:$0x2]  }
0x6: {  	s22 =	simm.s32 $0x0;
	s29 =	sshll.u32 s0, $0x1;
	[smem:$0x7FF] =	sst s2  }
0x7: {  	s13 =	smul.u32 $0x18000, s0;
	s4 =	sadd.s32 $0x1D000, s6;
	s5 =	sadd.s32 $0x3D000, s6  }
0x8: {  	s7 =	sor.u32 s9, s29;
	_ =	strace $0x8000004D;
	s31 =	smul.u32 $0xC000, s9  }
0x9: {  	s14 =	ssub.s32 $0x2, s9;
	s3 =	smul.u32 $0x1800, s7;
	s11 =	sshll.u32 s7, $0x2  }
0xa: {  	s15 =	sadd.s32 s13, s6;
	s7 =	sshll.u32 s7, $0x8;
	s30 =	sshrl.u32 s14, $0x1  }
0xb: {  	s12 =	sadd.s32 s11, s6;
	s16 =	sadd.s32 s7, s6;
	s13 =	ssub.s32 s14, s30  }
0xc: {  	s7 =	sadd.s32 s8, s11;
	s14 =	sadd.s32 s31, s15;
	s15 =	simm.s32 $0x2  }
0xd: {  	s3 =	sshrl.u32 s3, $0x3;
	s8 =	sadd.s32 $0xBE9000, s16;
	s9 =	sadd.s32 $0x4800, s12  }
0xe: {  	s11 =	sadd.s32 $0x4200, s12;
	s12 =	sadd.s32 $0xBED000, s16;
	s13 =	smax.u32 s13, $0x1  }
0xf: {  	s14 =	sadd.s32 $0xBEF000, s14;
	s10 =	sadd.s32 s3, s6;
	s3 =	sadd.s32 $0x11D000, s6  }
0x10: {  	s6 =	sadd.s32 $0x11000, s10;
	s10 =	sadd.s32 $0xBEB000, s16;
	s16 =	simm.s32 $0x80  }
.LBB2_1:
0x11: {  	[tilespmem:s2], [sflag:$0x2] =	stream.linear.gather [hbm4b:s6+s2], $0x1800, $0x38;
	[tilespmem:$0x4020] =	vst v63  }
0x12: {  	_ =	swait.ge [sflag:s15], $0x1800  }
0x13: {  	[sflag:s15] =	ssyncset.done $0x0  }
0x14: {  	s23 =	simm.s32 $0x0;
	[sflag:s15] =	ssyncadd.s32 $0xFFFFE800  }
0x15: {  	[tilespmem:s17], [sflag:$0x1] =	stream.indirect.gather [hbm4b:s3+s16], $0x40, s23, s16, $0xb8;
	[tilespmem:$0x4020] =	vst v63  }
0x16: {  	_ =	swait.ge [sflag:s18], $0x2000  }
0x17: {  	[sflag:s18] =	ssyncset.done $0x0  }
0x18: {  	[sflag:s18] =	ssyncadd.s32 $0xFFFFE000  }
0x19: {  	[hbm4b:s14+s2] =	stream.linear.scatter [tilespmem:s17], [sflag:$0x2], $0x2000, $0x38;
	[tilespmem:$0x4020] =	vst v63  }
0x1a: {  	s24 =	simm.s32 $0x200;
	_ =	swait.ge [sflag:s15], $0x2000  }
0x1b: {  	s25 =	simm.s32 $0x400;
	s23 =	sadd.s32 $0x400, s14;
	[sflag:s15] =	ssyncset.done $0x0  }
.LBB2_2:
0x1c: {  	s26 =	sshra.s32 s24, $0x2  }
0x1d: {  	[sflag:s15] =	ssyncadd.s32 $0xFFFFE000;
	s24 =	smov.u32 s25;
	s28 =	sadd.s32 $0x200, s25  }
0x1e: {  	[tilespmem:s17], [sflag:$0x1] =	stream.indirect.gather [hbm4b:s3+s16], $0x40, s26, s16, $0xb8;
	[tilespmem:$0x4020] =	vst v63  }
0x1f: {  	p0 =	sne.s32 s25, $0x5E00;
	_ =	swait.ge [sflag:s18], $0x2000  }
.Ltmp0:
0x20: {  	[sflag:s18] =	ssyncset.done $0x0;
	(pc) =	sbr.rel @p0 .LBB2_2-.Ltmp0, $4  }
0x21: {  	[sflag:s18] =	ssyncadd.s32 $0xFFFFE000  }
0x22: {  	[hbm4b:s23+s2] =	stream.linear.scatter [tilespmem:s17], [sflag:$0x2], $0x2000, $0x38;
	[tilespmem:$0x4020] =	vst v63  }
0x23: {  	_ =	swait.ge [sflag:s15], $0x2000  }
0x24: {  	s25 =	smov.u32 s28;
	s23 =	sadd.s32 $0x400, s23;
	[sflag:s15] =	ssyncset.done $0x0  }
0x25: {  	s24 =	sshra.s32 s24, $0x2;
	[sflag:s15] =	ssyncadd.s32 $0xFFFFE000  }
0x26: {  	[tilespmem:s17], [sflag:$0x1] =	stream.indirect.gather [hbm4b:s3+s16], $0x40, s24, s16, $0xb8;
	[tilespmem:$0x4020] =	vst v63  }
0x27: {  	_ =	swait.ge [sflag:s18], $0x2000  }
0x28: {  	[sflag:s18] =	ssyncset.done $0x0  }
0x29: {  	[sflag:s18] =	ssyncadd.s32 $0xFFFFE000  }
0x2a: {  	[hbm4b:s23+s2] =	stream.linear.scatter [tilespmem:s17], [sflag:$0x2], $0x2000, $0x38;
	[tilespmem:$0x4020] =	vst v63  }
0x2b: {  	_ =	swait.ge [sflag:s15], $0x2000  }
0x2c: {  	[sflag:s15] =	ssyncset.done $0x0  }
0x2d: {  	[sflag:s15] =	ssyncadd.s32 $0xFFFFE000  }
0x2e: {  	[tilespmem:s19], [sflag:$0x2] =	stream.linear.gather [hbm4b:s7+s2], $0x20, $0x38;
	[tilespmem:$0x4020] =	vst v63  }
0x2f: {  	_ =	swait.ge [sflag:s15], $0x20  }
0x30: {  	[sflag:s15] =	ssyncset.done $0x0  }
0x31: {  	[sflag:s15] =	ssyncadd.s32 $0xFFFFFFE0  }
0x32: {  	[tilespmem:s21], [sflag:$0x1] =	stream.indirect.gather [hbm4b:s4+s20], $0x40, s19, s20, $0xb8;
	[tilespmem:$0x4020] =	vst v63  }
0x33: {  	_ =	swait.ge [sflag:s18], $0x800  }
0x34: {  	[sflag:s18] =	ssyncset.done $0x0  }
0x35: {  	[sflag:s18] =	ssyncadd.s32 $0xFFFFF800  }
0x36: {  	[hbm4b:s8+s2] =	stream.linear.scatter [tilespmem:s21], [sflag:$0x2], $0x800, $0x38;
	[tilespmem:$0x4020] =	vst v63  }
0x37: {  	_ =	swait.ge [sflag:s15], $0x800  }
0x38: {  	[sflag:s15] =	ssyncset.done $0x0  }
0x39: {  	[sflag:s15] =	ssyncadd.s32 $0xFFFFF800  }
0x3a: {  	[tilespmem:s19], [sflag:$0x2] =	stream.linear.gather [hbm4b:s9+s2], $0x20, $0x38;
	[tilespmem:$0x4020] =	vst v63  }
0x3b: {  	_ =	swait.ge [sflag:s15], $0x20  }
0x3c: {  	[sflag:s15] =	ssyncset.done $0x0  }
0x3d: {  	[sflag:s15] =	ssyncadd.s32 $0xFFFFFFE0  }
0x3e: {  	[tilespmem:s21], [sflag:$0x1] =	stream.indirect.gather [hbm4b:s5+s20], $0x40, s19, s20, $0xb8;
	[tilespmem:$0x4020] =	vst v63  }
0x3f: {  	_ =	swait.ge [sflag:s18], $0x800  }
0x40: {  	[sflag:s18] =	ssyncset.done $0x0  }
0x41: {  	[sflag:s18] =	ssyncadd.s32 $0xFFFFF800  }
0x42: {  	[hbm4b:s10+s2] =	stream.linear.scatter [tilespmem:s21], [sflag:$0x2], $0x800, $0x38;
	[tilespmem:$0x4020] =	vst v63  }
0x43: {  	_ =	swait.ge [sflag:s15], $0x800  }
0x44: {  	[sflag:s15] =	ssyncset.done $0x0  }
0x45: {  	[sflag:s15] =	ssyncadd.s32 $0xFFFFF800  }
0x46: {  	[tilespmem:s19], [sflag:$0x2] =	stream.linear.gather [hbm4b:s11+s2], $0x20, $0x38;
	[tilespmem:$0x4020] =	vst v63  }
0x47: {  	_ =	swait.ge [sflag:s15], $0x20  }
0x48: {  	[sflag:s15] =	ssyncset.done $0x0  }
0x49: {  	[sflag:s15] =	ssyncadd.s32 $0xFFFFFFE0  }
0x4a: {  	[tilespmem:s21], [sflag:$0x1] =	stream.indirect.gather [hbm4b:s5+s20], $0x40, s19, s20, $0xb8;
	[tilespmem:$0x4020] =	vst v63  }
0x4b: {  	s22 =	sadd.s32 $0x1, s22;
	_ =	swait.ge [sflag:s18], $0x800  }
0x4c: {  	p0 =	sne.s32 s22, s13;
	[sflag:s18] =	ssyncset.done $0x0  }
.Ltmp1:
0x4d: {  	[sflag:s18] =	ssyncadd.s32 $0xFFFFF800;
	(pc) =	sbr.rel @p0 .LBB2_1-.Ltmp1, $4  }
0x4e: {  	[hbm4b:s12+s2] =	stream.linear.scatter [tilespmem:s21], [sflag:$0x2], $0x800, $0x38;
	[tilespmem:$0x4020] =	vst v63  }
0x4f: {  	_ =	swait.ge [sflag:s15], $0x800  }
0x50: {  	[sflag:s15] =	ssyncset.done $0x0  }
0x51: {  	[sflag:s15] =	ssyncadd.s32 $0xFFFFF800  }
0x52: {  	_ =	sfence.sel $0x180000  }
0x53: {  	[bflag:$0x0] =	sbarrier.arrive $0xFFFF  }
0x54: {  	p0 =	sne.s32 s0, $0x0;
	_ =	strace $0x9000004D  }
0x55: {  	s0 =	sadd.s32 @!p0 $0x100000, s1;
	[bflag:$0x2] =	sbarrier.arrive $0xFFFF  }
0x56: {  	[sflag:s0] =	ssyncadd.tile.s32 @!p0 $0x1;
	_ =	shalt  }
.Lfunc_end2:
_tile_overlayer_lowered:
.L_overlay_start_2:
0x57: {  	(tag) =	ssettag $0x2  }
0x58: {  	s0 =	rddreg [dreg:$0x0];
	s2 =	stileid.u32  }
0x59: {  	s1 =	rddreg [dreg:$0x1];
	p0 =	sne.s32 s2, $0x0  }
0x5a: {  	s3 =	rddreg [dreg:$0x2];
	[bflag:$0x3] =	sbarrier.arrive $0xFFFF;
	s2 =	simm.s32 @!p0 $0x1C02  }
0x5b: {  	[timem:s3], [sflag:s2] =	dma.local @!p0 [hbm:s0], s1  }
0x5c: {  	s0 =	simm.s32 @!p0 $0x2  }
0x5d: {  	_ =	swait.ge @!p0 [sflag:s0], s1  }
0x5e: {  	s1 =	ssub.s32 @!p0 $0x0, s1;
	[sflag:s0] =	ssyncset.done @!p0 $0x0  }
0x5f: {  	[sflag:s0] =	ssyncadd.s32 @!p0 s1  }
0x60: {  	[bflag:$0x3] =	sbarrier.arrive $0xFFFF  }
0x61: {  	_ =	shalt  }

// kernel: kernel.19.cloned.1.call-start
scs
__scs_entry_jumppad:
0x0: {  	(pc) =	sbr.rel $0x88, $3  }
0x1: {  	(tag) =	ssettag $0x0;
	lr =	simm.s32 $0x1  }
0x2: {  	[smem:$0x3F95] =	sst lr;
	_ =	strace $0xD0000000  }
0x3: {  	_ = 	snop  }
0x4: {  	_ = 	snop  }
0x5: {  	_ = 	snop  }
0x6: {  	_ = 	snop  }
0x7: {  	_ = 	snop  }
__scs_overlays_trampoline_lowered:
0x8: {  	[smem:$0x3FA4] =	sst s0  }
0x9: {  	[smem:$0x3FA5] =	sst s1  }
0xa: {  	[smem:$0x3FA6] =	sst s2  }
0xb: {  	[smem:$0x3FA7] =	sst s3  }
0xc: {  	[smem:$0x3FA8] =	sst s4  }
0xd: {  	[smem:$0x3FA9] =	sst s5  }
0xe: {  	[smem:$0x3FAA] =	sst s6  }
0xf: {  	[smem:$0x3FAB] =	sst s7  }
0x10: {  	[smem:$0x3FAC] =	sst s8  }
0x11: {  	[smem:$0x3FAD] =	sst s9;
	s0 =	simm.s32 @!p0 $0x0  }
0x12: {  	s1 =	sld [smem:$0x3F93];
	s0 =	simm.s32 @p0 $0x1  }
0x13: {  	[smem:$0x3FAE] =	sst s0;
	s0 =	simm.s32 @!p1 $0x0  }
0x14: {  	s2 =	sld [smem:$0x3F92];
	s0 =	simm.s32 @p1 $0x1  }
0x15: {  	[smem:$0x3FAF] =	sst s0;
	s0 =	simm.s32 @!p2 $0x0  }
0x16: {  	s3 =	sld [smem:$0x3FDB];
	s0 =	simm.s32 @p2 $0x1  }
0x17: {  	s4 =	simm.s32 $0x1BF5;
	[smem:$0x3FB1] =	sst s0  }
0x18: {  	s0 =	sld [smem:$0x3F94];
	_ =	swait.ge [sflag:s4], $0x0  }
0x19: {  	s7 =	sld [smem:$0x3F95]  }
0x1a: {  	s8 =	sadd.s32 $0xFFFFE003, lr  }
0x1b: {  	s9 =	sadd.s32 $0xFFFFFEF7, lr;
	s5 =	simm.s32 $0xFFFFFFFF;
	p2 =	slt.u32 s8, $0xFFFFF086  }
0x1c: {  	p1 =	slt.u32 s9, $0xF7A;
	s5 =	simm.s32 @!p2 $0x0  }
0x1d: {  	s5 =	simm.s32 @p1 $0x1;
	p0 =	seq.s32 s7, s2  }
0x1e: {  	s7 =	smul.u32 @!p0 $0xF7A, s2;
	p2 =	seq.s32 @!p0 s5, $0x0  }
0x1f: {  	s9 =	smul.u32 $0xF7A, s1;
	s8 =	simm.s32 @!p0 $0x1BF5;
	p2 =	por !p2, p0  }
0x20: {  	[sflag:s8] =	ssyncset.s32 @!p0 $0xFFFFF086;
	s6 =	sadd.s32 @!p0 s3, s7;
	s7 =	simm.s32 @!p0 $0x108  }
0x21: {  	s3 =	sadd.s32 s3, s9;
	s6 =	sadd.s32 @!p0 $0x88, s6;
	s7 =	simm.s32 @p2 $0x1082  }
0x22: {  	[simem:s7], [sflag:s8] =	dma.local @!p0 [hbm:s6], $0xF7A  }
0x23: {  	s9 =	sor.u32 $0xD0000000, s2;
	s6 =	simm.s32 $0x108;
	_ =	swait.ge @!p0 [sflag:s8], $0x0  }
0x24: {  	s3 =	sadd.s32 $0x88, s3;
	s6 =	simm.s32 @!p1 $0x1082;
	[sflag:s4] =	ssyncset.s32 $0xFFFFF086  }
0x25: {  	[simem:s6], [sflag:s4] =	dma.local [hbm:s3], $0xF7A  }
0x26: {  	[smem:$0x3F95] =	sst s1;
	(tag) =	ssettag s2;
	_ =	strace s9  }
0x27: {  	s1 =	sld [smem:$0x3FA5]  }
0x28: {  	s2 =	sld [smem:$0x3FA6]  }
0x29: {  	s4 =	sld [smem:$0x3FA8]  }
0x2a: {  	p0 =	seq.s32 s5, $0x0;
	s5 =	sld [smem:$0x3FA9]  }
0x2b: {  	s6 =	sld [smem:$0x3FAA]  }
0x2c: {  	s7 =	sld [smem:$0x3FAB]  }
0x2d: {  	s3 =	simm.s32 $0x108;
	s8 =	sld [smem:$0x3FAC]  }
0x2e: {  	s3 =	simm.s32 @!p0 $0x1082;
	s9 =	sld [smem:$0x3FAD]  }
0x2f: {  	lr =	sadd.s32 s0, s3;
	s0 =	sld [smem:$0x3FA4]  }
0x30: {  	s3 =	sld [smem:$0x3FA7]  }
0x31: {  	[smem:$0x3FB0] =	sst s10  }
0x32: {  	s10 =	sld [smem:$0x3FAE];
	_ =	sdelay $0x3  }
0x33: {  	p0 =	seq.s32 s10, $0x1;
	s10 =	sld [smem:$0x3FB0];
	_ =	sdelay $0x3  }
0x34: {  	[smem:$0x3FB0] =	sst s10  }
0x35: {  	s10 =	sld [smem:$0x3FAF];
	_ =	sdelay $0x3  }
0x36: {  	p1 =	seq.s32 s10, $0x1;
	s10 =	sld [smem:$0x3FB0];
	_ =	sdelay $0x3  }
0x37: {  	[smem:$0x3FB0] =	sst s10  }
0x38: {  	s10 =	sld [smem:$0x3FB1]  }
0x39: {  	_ = 	snop;
	(pc) =	sbr.ind lr, $3  }
0x3a: {  	_ = 	snop  }
0x3b: {  	_ = 	snop  }
0x3c: {  	p2 =	seq.s32 s10, $0x1;
	s10 =	sld [smem:$0x3FB0]  }
0x3d: {  	_ =	shalt  }
0x3e: {  	_ =	shalt  }
0x3f: {  	_ =	shalt  }
0x40: {  	_ =	shalt  }
0x41: {  	_ =	shalt  }
0x42: {  	_ =	shalt  }
0x43: {  	_ =	shalt  }
0x44: {  	_ =	shalt  }
0x45: {  	_ =	shalt  }
0x46: {  	_ =	shalt  }
0x47: {  	_ =	shalt  }
0x48: {  	_ =	shalt  }
0x49: {  	_ =	shalt  }
0x4a: {  	_ =	shalt  }
0x4b: {  	_ =	shalt  }
0x4c: {  	_ =	shalt  }
0x4d: {  	_ =	shalt  }
0x4e: {  	_ =	shalt  }
0x4f: {  	_ =	shalt  }
0x50: {  	_ =	shalt  }
0x51: {  	_ =	shalt  }
0x52: {  	_ =	shalt  }
0x53: {  	_ =	shalt  }
0x54: {  	_ =	shalt  }
0x55: {  	_ =	shalt  }
0x56: {  	_ =	shalt  }
0x57: {  	_ =	shalt  }
0x58: {  	_ =	shalt  }
0x59: {  	_ =	shalt  }
0x5a: {  	_ =	shalt  }
0x5b: {  	_ =	shalt  }
0x5c: {  	_ =	shalt  }
0x5d: {  	_ =	shalt  }
0x5e: {  	_ =	shalt  }
0x5f: {  	_ =	shalt  }
0x60: {  	_ =	shalt  }
0x61: {  	_ =	shalt  }
0x62: {  	_ =	shalt  }
0x63: {  	_ =	shalt  }
0x64: {  	_ =	shalt  }
0x65: {  	_ =	shalt  }
0x66: {  	_ =	shalt  }
0x67: {  	_ =	shalt  }
0x68: {  	_ =	shalt  }
0x69: {  	_ =	shalt  }
0x6a: {  	_ =	shalt  }
0x6b: {  	_ =	shalt  }
0x6c: {  	_ =	shalt  }
0x6d: {  	_ =	shalt  }
0x6e: {  	_ =	shalt  }
0x6f: {  	_ =	shalt  }
0x70: {  	_ =	shalt  }
0x71: {  	_ =	shalt  }
0x72: {  	_ =	shalt  }
0x73: {  	_ =	shalt  }
0x74: {  	_ =	shalt  }
0x75: {  	_ =	shalt  }
0x76: {  	_ =	shalt  }
0x77: {  	_ =	shalt  }
0x78: {  	_ =	shalt  }
0x79: {  	_ =	shalt  }
0x7a: {  	_ =	shalt  }
0x7b: {  	_ =	shalt  }
0x7c: {  	_ =	shalt  }
0x7d: {  	_ =	shalt  }
0x7e: {  	_ =	shalt  }
0x7f: {  	_ =	shalt  }
0x80: {  	_ =	shalt  }
0x81: {  	_ =	shalt  }
0x82: {  	_ =	shalt  }
0x83: {  	_ =	shalt  }
0x84: {  	_ =	shalt  }
0x85: {  	_ =	shalt  }
0x86: {  	_ =	shalt  }
0x87: {  	_ =	shalt  }
.Lfunc_end0:
.L_simem_size_0:
called_computation.2_lowered:
.L_overlay_start_0:
0x88: {  	s2 =	sld [smem:$0x3FD9]  }
0x89: {  	s3 =	sld [smem:$0x3FFE];
	_ =	sdelay $0x1  }
0x8a: {  	s1 =	srdreg.scid  }
0x8b: {  	s0 =	sand.u32 $0x1, s1  }
0x8c: {  	s17 =	sshll.u32 s0, $0xA;
	s2 =	sadd.s32 s3, s2  }
0x8d: {  	s2 =	sadd.s32 s2, s17  }
0x8e: {  	[smem:$0x3FBC] =	sst s2  }
0x8f: {  	_ = 	snop  }
0x90: {  	(tm) =	ssettm $0x1  }
0x91: {  	s18 =	sld [smem:$0x3FFB];
	_ =	sdelay $0x3  }
0x92: {  	_ =	strace s18  }
0x93: {  	s2 =	sld [smem:$0x3FFC];
	_ =	sdelay $0x3  }
0x94: {  	_ =	strace s2  }
0x95: {  	s2 =	sld [smem:$0x3FFD];
	_ =	sdelay $0x3  }
0x96: {  	_ =	strace s2  }
0x97: {  	_ =	strace $0x8FFFFFFF  }
0x98: {  	s19 =	sld [smem:$0x3FDB];
	_ =	sdelay $0x1  }
0x99: {  	s20 =	simm.s32 $_scs_section_size  }
0x9a: {  	s4 =	simm.s32 $_size__tile_overlayer_lowered;
	s5 =	simm.s32 $_tile_overlayer_lowered  }
0x9b: {  	s6 =	simm.s32 $0x1BFF;
	s21 =	sshll.u32 s5, $0x1;
	s3 =	sadd.s32 s20, s19  }
0x9c: {  	s22 =	simm.s32 $0x0;
	s4 =	sshll.u32 s4, $0x1;
	s5 =	sadd.s32 s21, s3  }
0x9d: {  	[timem:s22], [sflag:s6] =	dma.local [hbm:s5], s4  }
0x9e: {  	_ =	swait.ge [sflag:s6], s4  }
0x9f: {  	s4 =	ssub.s32 $0x0, s4;
	[sflag:s6] =	ssyncset.done $0x0  }
0xa0: {  	[sflag:s6] =	ssyncadd.s32 s4;
	_ =	sdelay $0x1  }
0xa1: {  	s23 =	simm.s32 $0x1B8B  }
0xa2: {  	_ =	swait.ge [sflag:s23], $0x1  }
0xa3: {  	[sflag:s23] =	ssyncset.done $0x0  }
0xa4: {  	[sflag:s23] =	ssyncadd.s32 $0xFFFFFFFF  }
0xa5: {  	s4 =	sld [smem:$0x0]  }
0xa6: {  	s5 =	sand.u32 $0xFFFFFFFE, s1  }
0xa7: {  	p0 =	sne.s32 s1, s5  }
0xa8: {  	s5 =	sshll.u32 @p0 s5, $0xE  }
0xa9: {  	s5 =	sadd.s32 @p0 $0x11B8D, s5;
	s6 =	sshll.u32 @p0 s4, $0x11  }
0xaa: {  	s5 =	sor.u32 @p0 s6, s5  }
0xab: {  	[sflag:s5] =	ssyncadd.remote.s32 @p0 $0x1;
	_ =	sdelay $0x1  }
0xac: {  	s5 =	simm.s32 @p0 $0x1B8D  }
0xad: {  	_ =	swait.eq @p0 [sflag:s5], $0x1  }
0xae: {  	[sflag:s5] =	ssyncadd.s32 @p0 $0xFFFFFFFF  }
0xaf: {  	s6 =	sshll.u32 @!p0 s1, $0xE  }
0xb0: {  	s6 =	sor.u32 @!p0 $0x4000, s6;
	s5 =	simm.s32 @!p0 $0x1B8D  }
0xb1: {  	s4 =	sshll.u32 @!p0 s4, $0x11;
	s6 =	sadd.s32 @!p0 $0x11B8D, s6;
	_ =	swait.eq @!p0 [sflag:s5], $0x1  }
0xb2: {  	s4 =	sor.u32 @!p0 s4, s6;
	[sflag:s5] =	ssyncadd.s32 @!p0 $0xFFFFFFFF  }
0xb3: {  	s25 =	simm.s32 $0x1B8E;
	s24 =	sld [smem:$0x3FFE];
	[sflag:s4] =	ssyncadd.remote.s32 @!p0 $0x1  }
0xb4: {  	s26 =	simm.s32 $execute0_lowered;
	[smem:$0x3FD2] =	sst s25  }
0xb5: {  	s5 =	sshll.u32 s26, $0x1;
	_ =	strace $0x80000049;
	[dreg:$0x1] =	wrdreg $0xFFFFFFFF  }
0xb6: {  	s28 =	simm.s32 $_size_execute0_lowered;
	s3 =	sadd.s32 s3, s5;
	[dreg:$0x0] =	wrdreg $0x0  }
0xb7: {  	s5 =	sshll.u32 s28, $0x1;
	[dreg:$0x2] =	wrdreg s3  }
0xb8: {  	[dreg:$0x3] =	wrdreg s5  }
0xb9: {  	[dreg:$0x4] =	wrdreg $0xC0  }
0xba: {  	_ =	task [dreg:s22], $0x5FFFF  }
0xbb: {  	[dreg:$0x1] =	wrdreg $0xFFFFFFFF  }
0xbc: {  	[dreg:$0x0] =	wrdreg $0x60  }
0xbd: {  	[dreg:$0x2] =	wrdreg s24  }
0xbe: {  	[dreg:$0x3] =	wrdreg $0xB  }
0xbf: {  	_ =	task.clear_ibuf [dreg:s22], $0x4FFFF;
	_ =	strace $0x90000049  }
0xc0: {  	s29 =	simm.s32 $0xB;
	_ =	strace $0x8000004B  }
0xc1: {  	_ =	swait.ge [sflag:s29], $0x1  }
0xc2: {  	[sflag:s29] =	ssyncadd.s32 $0xFFFFFFFF  }
0xc3: {  	_ =	strace $0x9000004B  }
0xc4: {  	_ =	sfence  }
0xc5: {  	s30 =	sld [smem:$0x0];
	_ =	sdelay $0x2  }
0xc6: {  	s31 =	sshll.u32 s1, $0xD;
	s1 =	sshrl.u32 s1, $0x2  }
0xc7: {  	s4 =	sand.u32 $0x4000, s31;
	s1 =	sadd.s32 s1, s30  }
0xc8: {  	s0 =	sor.u32 s4, s0;
	s1 =	sshll.u32 s1, $0x11  }
0xc9: {  	s0 =	sor.u32 s1, s0  }
0xca: {  	s0 =	sadd.s32 $0x8F2B, s0  }
0xcb: {  	[sflag:s0] =	ssyncadd.remote.s32 $0x1  }
0xcc: {  	_ =	sfence.sel $0xFFFF  }
0xcd: {  	[dreg:$0x0] =	wrdreg $0xFFFFFFFF;
	(pc) =	sbr.abs _section_cstart, $3  }
0xce: {  	[dreg:$0x1] =	wrdreg $0xFFFFFFFF  }
0xcf: {  	_ =	task.clear_ibuf [dreg:s22], $0x2FFFF;
	_ =	strace $0x9FFFFFFF  }
0xd0: {  	(tm) =	ssettm $0x7FFFFFFF  }
0xd1: {  	_ =	shalt  }
tec
execute0_lowered:
.L_overlay_start_1:
0x0: {  	(tag) =	ssettag $0x1  }
0x1: {  	s1 =	srdreg.scid;
	s0 =	stileid.u32  }
0x2: {  	s7 =	rddreg [dreg:$0x0];
	s2 =	simm.s32 $0x0;
	s17 =	simm.s32 $0x1800  }
0x3: {  	s18 =	simm.s32 $0x1;
	s19 =	simm.s32 $0x3800;
	s20 =	simm.s32 $0x20  }
0x4: {  	s21 =	simm.s32 $0x3820;
	s9 =	sand.u32 $0x1, s1;
	s1 =	rddreg [dreg:$0x1]  }
0x5: {  	s22 =	simm.s32 $0x0;
	s29 =	sshll.u32 s0, $0x1;
	[smem:$0x7FF] =	sst s2  }
0x6: {  	s10 =	smul.u32 $0x18000, s0;
	s4 =	sadd.s32 $0x1D000, s7;
	s5 =	sadd.s32 $0x3D000, s7  }
0x7: {  	s6 =	sor.u32 s9, s29;
	_ =	strace $0x8000004A;
	s16 =	smul.u32 $0xC000, s9  }
0x8: {  	s12 =	ssub.s32 $0x2, s9;
	s3 =	smul.u32 $0x1800, s6;
	s30 =	sshll.u32 s6, $0x2  }
0x9: {  	s14 =	sadd.s32 s10, s7;
	s6 =	sshll.u32 s6, $0x8;
	s31 =	sshrl.u32 s12, $0x1  }
0xa: {  	s11 =	sadd.s32 s30, s7;
	s13 =	sadd.s32 s6, s7;
	s15 =	ssub.s32 s12, s31  }
0xb: {  	s14 =	sadd.s32 s16, s14;
	s16 =	simm.s32 $0x80;
	s3 =	sshrl.u32 s3, $0x3  }
0xc: {  	s9 =	sadd.s32 $0x4600, s11;
	s10 =	sadd.s32 $0xA65000, s13;
	s12 =	sadd.s32 $0xA67000, s13  }
0xd: {  	s14 =	sadd.s32 $0xA69000, s14;
	s8 =	sadd.s32 s3, s7;
	s3 =	sadd.s32 $0x11D000, s7  }
0xe: {  	s7 =	sadd.s32 $0x4C00, s11;
	s11 =	sadd.s32 $0x4000, s11;
	s6 =	sadd.s32 $0xB000, s8  }
0xf: {  	s8 =	sadd.s32 $0xA63000, s13;
	s13 =	smax.u32 s15, $0x1;
	s15 =	simm.s32 $0x2  }
.LBB2_1:
0x10: {  	[tilespmem:s2], [sflag:$0x2] =	stream.linear.gather [hbm4b:s6+s2], $0x1800, $0x38;
	[tilespmem:$0x4020] =	vst v63  }
0x11: {  	_ =	swait.ge [sflag:s15], $0x1800  }
0x12: {  	[sflag:s15] =	ssyncset.done $0x0  }
0x13: {  	s23 =	simm.s32 $0x0;
	[sflag:s15] =	ssyncadd.s32 $0xFFFFE800  }
0x14: {  	[tilespmem:s17], [sflag:$0x1] =	stream.indirect.gather [hbm4b:s3+s16], $0x40, s23, s16, $0xb8;
	[tilespmem:$0x4020] =	vst v63  }
0x15: {  	_ =	swait.ge [sflag:s18], $0x2000  }
0x16: {  	[sflag:s18] =	ssyncset.done $0x0  }
0x17: {  	[sflag:s18] =	ssyncadd.s32 $0xFFFFE000  }
0x18: {  	[hbm4b:s14+s2] =	stream.linear.scatter [tilespmem:s17], [sflag:$0x2], $0x2000, $0x38;
	[tilespmem:$0x4020] =	vst v63  }
0x19: {  	s24 =	simm.s32 $0x200;
	_ =	swait.ge [sflag:s15], $0x2000  }
0x1a: {  	s25 =	simm.s32 $0x400;
	s23 =	sadd.s32 $0x400, s14;
	[sflag:s15] =	ssyncset.done $0x0  }
.LBB2_2:
0x1b: {  	s26 =	sshra.s32 s24, $0x2  }
0x1c: {  	[sflag:s15] =	ssyncadd.s32 $0xFFFFE000;
	s24 =	smov.u32 s25;
	s28 =	sadd.s32 $0x200, s25  }
0x1d: {  	[tilespmem:s17], [sflag:$0x1] =	stream.indirect.gather [hbm4b:s3+s16], $0x40, s26, s16, $0xb8;
	[tilespmem:$0x4020] =	vst v63  }
0x1e: {  	p0 =	sne.s32 s25, $0x5E00;
	_ =	swait.ge [sflag:s18], $0x2000  }
.Ltmp0:
0x1f: {  	[sflag:s18] =	ssyncset.done $0x0;
	(pc) =	sbr.rel @p0 .LBB2_2-.Ltmp0, $4  }
0x20: {  	[sflag:s18] =	ssyncadd.s32 $0xFFFFE000  }
0x21: {  	[hbm4b:s23+s2] =	stream.linear.scatter [tilespmem:s17], [sflag:$0x2], $0x2000, $0x38;
	[tilespmem:$0x4020] =	vst v63  }
0x22: {  	_ =	swait.ge [sflag:s15], $0x2000  }
0x23: {  	s25 =	smov.u32 s28;
	s23 =	sadd.s32 $0x400, s23;
	[sflag:s15] =	ssyncset.done $0x0  }
0x24: {  	s24 =	sshra.s32 s24, $0x2;
	[sflag:s15] =	ssyncadd.s32 $0xFFFFE000  }
0x25: {  	[tilespmem:s17], [sflag:$0x1] =	stream.indirect.gather [hbm4b:s3+s16], $0x40, s24, s16, $0xb8;
	[tilespmem:$0x4020] =	vst v63  }
0x26: {  	_ =	swait.ge [sflag:s18], $0x2000  }
0x27: {  	[sflag:s18] =	ssyncset.done $0x0  }
0x28: {  	[sflag:s18] =	ssyncadd.s32 $0xFFFFE000  }
0x29: {  	[hbm4b:s23+s2] =	stream.linear.scatter [tilespmem:s17], [sflag:$0x2], $0x2000, $0x38;
	[tilespmem:$0x4020] =	vst v63  }
0x2a: {  	_ =	swait.ge [sflag:s15], $0x2000  }
0x2b: {  	[sflag:s15] =	ssyncset.done $0x0  }
0x2c: {  	[sflag:s15] =	ssyncadd.s32 $0xFFFFE000  }
0x2d: {  	[tilespmem:s19], [sflag:$0x2] =	stream.linear.gather [hbm4b:s7+s2], $0x20, $0x38;
	[tilespmem:$0x4020] =	vst v63  }
0x2e: {  	_ =	swait.ge [sflag:s15], $0x20  }
0x2f: {  	[sflag:s15] =	ssyncset.done $0x0  }
0x30: {  	[sflag:s15] =	ssyncadd.s32 $0xFFFFFFE0  }
0x31: {  	[tilespmem:s21], [sflag:$0x1] =	stream.indirect.gather [hbm4b:s4+s20], $0x40, s19, s20, $0xb8;
	[tilespmem:$0x4020] =	vst v63  }
0x32: {  	_ =	swait.ge [sflag:s18], $0x800  }
0x33: {  	[sflag:s18] =	ssyncset.done $0x0  }
0x34: {  	[sflag:s18] =	ssyncadd.s32 $0xFFFFF800  }
0x35: {  	[hbm4b:s8+s2] =	stream.linear.scatter [tilespmem:s21], [sflag:$0x2], $0x800, $0x38;
	[tilespmem:$0x4020] =	vst v63  }
0x36: {  	_ =	swait.ge [sflag:s15], $0x800  }
0x37: {  	[sflag:s15] =	ssyncset.done $0x0  }
0x38: {  	[sflag:s15] =	ssyncadd.s32 $0xFFFFF800  }
0x39: {  	[tilespmem:s19], [sflag:$0x2] =	stream.linear.gather [hbm4b:s9+s2], $0x20, $0x38;
	[tilespmem:$0x4020] =	vst v63  }
0x3a: {  	_ =	swait.ge [sflag:s15], $0x20  }
0x3b: {  	[sflag:s15] =	ssyncset.done $0x0  }
0x3c: {  	[sflag:s15] =	ssyncadd.s32 $0xFFFFFFE0  }
0x3d: {  	[tilespmem:s21], [sflag:$0x1] =	stream.indirect.gather [hbm4b:s5+s20], $0x40, s19, s20, $0xb8;
	[tilespmem:$0x4020] =	vst v63  }
0x3e: {  	_ =	swait.ge [sflag:s18], $0x800  }
0x3f: {  	[sflag:s18] =	ssyncset.done $0x0  }
0x40: {  	[sflag:s18] =	ssyncadd.s32 $0xFFFFF800  }
0x41: {  	[hbm4b:s10+s2] =	stream.linear.scatter [tilespmem:s21], [sflag:$0x2], $0x800, $0x38;
	[tilespmem:$0x4020] =	vst v63  }
0x42: {  	_ =	swait.ge [sflag:s15], $0x800  }
0x43: {  	[sflag:s15] =	ssyncset.done $0x0  }
0x44: {  	[sflag:s15] =	ssyncadd.s32 $0xFFFFF800  }
0x45: {  	[tilespmem:s19], [sflag:$0x2] =	stream.linear.gather [hbm4b:s11+s2], $0x20, $0x38;
	[tilespmem:$0x4020] =	vst v63  }
0x46: {  	_ =	swait.ge [sflag:s15], $0x20  }
0x47: {  	[sflag:s15] =	ssyncset.done $0x0  }
0x48: {  	[sflag:s15] =	ssyncadd.s32 $0xFFFFFFE0  }
0x49: {  	[tilespmem:s21], [sflag:$0x1] =	stream.indirect.gather [hbm4b:s5+s20], $0x40, s19, s20, $0xb8;
	[tilespmem:$0x4020] =	vst v63  }
0x4a: {  	s22 =	sadd.s32 $0x1, s22;
	_ =	swait.ge [sflag:s18], $0x800  }
0x4b: {  	p0 =	sne.s32 s22, s13;
	[sflag:s18] =	ssyncset.done $0x0  }
.Ltmp1:
0x4c: {  	[sflag:s18] =	ssyncadd.s32 $0xFFFFF800;
	(pc) =	sbr.rel @p0 .LBB2_1-.Ltmp1, $4  }
0x4d: {  	[hbm4b:s12+s2] =	stream.linear.scatter [tilespmem:s21], [sflag:$0x2], $0x800, $0x38;
	[tilespmem:$0x4020] =	vst v63  }
0x4e: {  	_ =	swait.ge [sflag:s15], $0x800  }
0x4f: {  	[sflag:s15] =	ssyncset.done $0x0  }
0x50: {  	[sflag:s15] =	ssyncadd.s32 $0xFFFFF800  }
0x51: {  	_ =	sfence.sel $0x180000  }
0x52: {  	[bflag:$0x0] =	sbarrier.arrive $0xFFFF  }
0x53: {  	p0 =	sne.s32 s0, $0x0;
	_ =	strace $0x9000004A  }
0x54: {  	s0 =	sadd.s32 @!p0 $0x100000, s1;
	[bflag:$0x2] =	sbarrier.arrive $0xFFFF  }
0x55: {  	[sflag:s0] =	ssyncadd.tile.s32 @!p0 $0x1;
	_ =	shalt  }
.Lfunc_end2:
_tile_overlayer_lowered:
.L_overlay_start_2:
0x56: {  	(tag) =	ssettag $0x2  }
0x57: {  	s0 =	rddreg [dreg:$0x0];
	s2 =	stileid.u32  }
0x58: {  	s1 =	rddreg [dreg:$0x1];
	p0 =	sne.s32 s2, $0x0  }
0x59: {  	s3 =	rddreg [dreg:$0x2];
	[bflag:$0x3] =	sbarrier.arrive $0xFFFF;
	s2 =	simm.s32 @!p0 $0x1C02  }
0x5a: {  	[timem:s3], [sflag:s2] =	dma.local @!p0 [hbm:s0], s1  }
0x5b: {  	s0 =	simm.s32 @!p0 $0x2  }
0x5c: {  	_ =	swait.ge @!p0 [sflag:s0], s1  }
0x5d: {  	s1 =	ssub.s32 @!p0 $0x0, s1;
	[sflag:s0] =	ssyncset.done @!p0 $0x0  }
0x5e: {  	[sflag:s0] =	ssyncadd.s32 @!p0 s1  }
0x5f: {  	[bflag:$0x3] =	sbarrier.arrive $0xFFFF  }
0x60: {  	_ =	shalt  }

// kernel: kernel.22.cloned.1.call-start
scs
__scs_entry_jumppad:
0x0: {  	(pc) =	sbr.rel $0x88, $3  }
0x1: {  	(tag) =	ssettag $0x0;
	lr =	simm.s32 $0x1  }
0x2: {  	[smem:$0x3F95] =	sst lr;
	_ =	strace $0xD0000000  }
0x3: {  	_ = 	snop  }
0x4: {  	_ = 	snop  }
0x5: {  	_ = 	snop  }
0x6: {  	_ = 	snop  }
0x7: {  	_ = 	snop  }
__scs_overlays_trampoline_lowered:
0x8: {  	[smem:$0x3FA4] =	sst s0  }
0x9: {  	[smem:$0x3FA5] =	sst s1  }
0xa: {  	[smem:$0x3FA6] =	sst s2  }
0xb: {  	[smem:$0x3FA7] =	sst s3  }
0xc: {  	[smem:$0x3FA8] =	sst s4  }
0xd: {  	[smem:$0x3FA9] =	sst s5  }
0xe: {  	[smem:$0x3FAA] =	sst s6  }
0xf: {  	[smem:$0x3FAB] =	sst s7  }
0x10: {  	[smem:$0x3FAC] =	sst s8  }
0x11: {  	[smem:$0x3FAD] =	sst s9;
	s0 =	simm.s32 @!p0 $0x0  }
0x12: {  	s1 =	sld [smem:$0x3F93];
	s0 =	simm.s32 @p0 $0x1  }
0x13: {  	[smem:$0x3FAE] =	sst s0;
	s0 =	simm.s32 @!p1 $0x0  }
0x14: {  	s2 =	sld [smem:$0x3F92];
	s0 =	simm.s32 @p1 $0x1  }
0x15: {  	[smem:$0x3FAF] =	sst s0;
	s0 =	simm.s32 @!p2 $0x0  }
0x16: {  	s3 =	sld [smem:$0x3FDB];
	s0 =	simm.s32 @p2 $0x1  }
0x17: {  	s4 =	simm.s32 $0x1BF5;
	[smem:$0x3FB1] =	sst s0  }
0x18: {  	s0 =	sld [smem:$0x3F94];
	_ =	swait.ge [sflag:s4], $0x0  }
0x19: {  	s7 =	sld [smem:$0x3F95]  }
0x1a: {  	s8 =	sadd.s32 $0xFFFFE003, lr  }
0x1b: {  	s9 =	sadd.s32 $0xFFFFFEF7, lr;
	s5 =	simm.s32 $0xFFFFFFFF;
	p2 =	slt.u32 s8, $0xFFFFF086  }
0x1c: {  	p1 =	slt.u32 s9, $0xF7A;
	s5 =	simm.s32 @!p2 $0x0  }
0x1d: {  	s5 =	simm.s32 @p1 $0x1;
	p0 =	seq.s32 s7, s2  }
0x1e: {  	s7 =	smul.u32 @!p0 $0xF7A, s2;
	p2 =	seq.s32 @!p0 s5, $0x0  }
0x1f: {  	s9 =	smul.u32 $0xF7A, s1;
	s8 =	simm.s32 @!p0 $0x1BF5;
	p2 =	por !p2, p0  }
0x20: {  	[sflag:s8] =	ssyncset.s32 @!p0 $0xFFFFF086;
	s6 =	sadd.s32 @!p0 s3, s7;
	s7 =	simm.s32 @!p0 $0x108  }
0x21: {  	s3 =	sadd.s32 s3, s9;
	s6 =	sadd.s32 @!p0 $0x88, s6;
	s7 =	simm.s32 @p2 $0x1082  }
0x22: {  	[simem:s7], [sflag:s8] =	dma.local @!p0 [hbm:s6], $0xF7A  }
0x23: {  	s9 =	sor.u32 $0xD0000000, s2;
	s6 =	simm.s32 $0x108;
	_ =	swait.ge @!p0 [sflag:s8], $0x0  }
0x24: {  	s3 =	sadd.s32 $0x88, s3;
	s6 =	simm.s32 @!p1 $0x1082;
	[sflag:s4] =	ssyncset.s32 $0xFFFFF086  }
0x25: {  	[simem:s6], [sflag:s4] =	dma.local [hbm:s3], $0xF7A  }
0x26: {  	[smem:$0x3F95] =	sst s1;
	(tag) =	ssettag s2;
	_ =	strace s9  }
0x27: {  	s1 =	sld [smem:$0x3FA5]  }
0x28: {  	s2 =	sld [smem:$0x3FA6]  }
0x29: {  	s4 =	sld [smem:$0x3FA8]  }
0x2a: {  	p0 =	seq.s32 s5, $0x0;
	s5 =	sld [smem:$0x3FA9]  }
0x2b: {  	s6 =	sld [smem:$0x3FAA]  }
0x2c: {  	s7 =	sld [smem:$0x3FAB]  }
0x2d: {  	s3 =	simm.s32 $0x108;
	s8 =	sld [smem:$0x3FAC]  }
0x2e: {  	s3 =	simm.s32 @!p0 $0x1082;
	s9 =	sld [smem:$0x3FAD]  }
0x2f: {  	lr =	sadd.s32 s0, s3;
	s0 =	sld [smem:$0x3FA4]  }
0x30: {  	s3 =	sld [smem:$0x3FA7]  }
0x31: {  	[smem:$0x3FB0] =	sst s10  }
0x32: {  	s10 =	sld [smem:$0x3FAE];
	_ =	sdelay $0x3  }
0x33: {  	p0 =	seq.s32 s10, $0x1;
	s10 =	sld [smem:$0x3FB0];
	_ =	sdelay $0x3  }
0x34: {  	[smem:$0x3FB0] =	sst s10  }
0x35: {  	s10 =	sld [smem:$0x3FAF];
	_ =	sdelay $0x3  }
0x36: {  	p1 =	seq.s32 s10, $0x1;
	s10 =	sld [smem:$0x3FB0];
	_ =	sdelay $0x3  }
0x37: {  	[smem:$0x3FB0] =	sst s10  }
0x38: {  	s10 =	sld [smem:$0x3FB1]  }
0x39: {  	_ = 	snop;
	(pc) =	sbr.ind lr, $3  }
0x3a: {  	_ = 	snop  }
0x3b: {  	_ = 	snop  }
0x3c: {  	p2 =	seq.s32 s10, $0x1;
	s10 =	sld [smem:$0x3FB0]  }
0x3d: {  	_ =	shalt  }
0x3e: {  	_ =	shalt  }
0x3f: {  	_ =	shalt  }
0x40: {  	_ =	shalt  }
0x41: {  	_ =	shalt  }
0x42: {  	_ =	shalt  }
0x43: {  	_ =	shalt  }
0x44: {  	_ =	shalt  }
0x45: {  	_ =	shalt  }
0x46: {  	_ =	shalt  }
0x47: {  	_ =	shalt  }
0x48: {  	_ =	shalt  }
0x49: {  	_ =	shalt  }
0x4a: {  	_ =	shalt  }
0x4b: {  	_ =	shalt  }
0x4c: {  	_ =	shalt  }
0x4d: {  	_ =	shalt  }
0x4e: {  	_ =	shalt  }
0x4f: {  	_ =	shalt  }
0x50: {  	_ =	shalt  }
0x51: {  	_ =	shalt  }
0x52: {  	_ =	shalt  }
0x53: {  	_ =	shalt  }
0x54: {  	_ =	shalt  }
0x55: {  	_ =	shalt  }
0x56: {  	_ =	shalt  }
0x57: {  	_ =	shalt  }
0x58: {  	_ =	shalt  }
0x59: {  	_ =	shalt  }
0x5a: {  	_ =	shalt  }
0x5b: {  	_ =	shalt  }
0x5c: {  	_ =	shalt  }
0x5d: {  	_ =	shalt  }
0x5e: {  	_ =	shalt  }
0x5f: {  	_ =	shalt  }
0x60: {  	_ =	shalt  }
0x61: {  	_ =	shalt  }
0x62: {  	_ =	shalt  }
0x63: {  	_ =	shalt  }
0x64: {  	_ =	shalt  }
0x65: {  	_ =	shalt  }
0x66: {  	_ =	shalt  }
0x67: {  	_ =	shalt  }
0x68: {  	_ =	shalt  }
0x69: {  	_ =	shalt  }
0x6a: {  	_ =	shalt  }
0x6b: {  	_ =	shalt  }
0x6c: {  	_ =	shalt  }
0x6d: {  	_ =	shalt  }
0x6e: {  	_ =	shalt  }
0x6f: {  	_ =	shalt  }
0x70: {  	_ =	shalt  }
0x71: {  	_ =	shalt  }
0x72: {  	_ =	shalt  }
0x73: {  	_ =	shalt  }
0x74: {  	_ =	shalt  }
0x75: {  	_ =	shalt  }
0x76: {  	_ =	shalt  }
0x77: {  	_ =	shalt  }
0x78: {  	_ =	shalt  }
0x79: {  	_ =	shalt  }
0x7a: {  	_ =	shalt  }
0x7b: {  	_ =	shalt  }
0x7c: {  	_ =	shalt  }
0x7d: {  	_ =	shalt  }
0x7e: {  	_ =	shalt  }
0x7f: {  	_ =	shalt  }
0x80: {  	_ =	shalt  }
0x81: {  	_ =	shalt  }
0x82: {  	_ =	shalt  }
0x83: {  	_ =	shalt  }
0x84: {  	_ =	shalt  }
0x85: {  	_ =	shalt  }
0x86: {  	_ =	shalt  }
0x87: {  	_ =	shalt  }
.Lfunc_end0:
.L_simem_size_0:
called_computation.3_lowered:
.L_overlay_start_0:
0x88: {  	s2 =	sld [smem:$0x3FD9]  }
0x89: {  	s3 =	sld [smem:$0x3FFE];
	_ =	sdelay $0x1  }
0x8a: {  	s1 =	srdreg.scid  }
0x8b: {  	s0 =	sand.u32 $0x1, s1  }
0x8c: {  	s16 =	sshll.u32 s0, $0xA;
	s2 =	sadd.s32 s3, s2  }
0x8d: {  	s2 =	sadd.s32 s2, s16  }
0x8e: {  	[smem:$0x3FBC] =	sst s2  }
0x8f: {  	_ = 	snop  }
0x90: {  	(tm) =	ssettm $0x1  }
0x91: {  	s17 =	sld [smem:$0x3FFB];
	_ =	sdelay $0x3  }
0x92: {  	_ =	strace s17  }
0x93: {  	s2 =	sld [smem:$0x3FFC];
	_ =	sdelay $0x3  }
0x94: {  	_ =	strace s2  }
0x95: {  	s2 =	sld [smem:$0x3FFD];
	_ =	sdelay $0x3  }
0x96: {  	_ =	strace s2  }
0x97: {  	_ =	strace $0x8FFFFFFF  }
0x98: {  	s18 =	sld [smem:$0x3FDB];
	_ =	sdelay $0x1  }
0x99: {  	s19 =	simm.s32 $_scs_section_size  }
0x9a: {  	s4 =	simm.s32 $_size__tile_overlayer_lowered;
	s5 =	simm.s32 $_tile_overlayer_lowered  }
0x9b: {  	s22 =	simm.s32 $0x1BFF;
	s21 =	sshll.u32 s5, $0x1;
	s2 =	sadd.s32 s19, s18  }
0x9c: {  	s6 =	simm.s32 $0x0;
	s20 =	sshll.u32 s4, $0x1;
	s4 =	sadd.s32 s21, s2  }
0x9d: {  	[timem:s6], [sflag:s22] =	dma.local [hbm:s4], s20  }
0x9e: {  	_ =	swait.ge [sflag:s22], s20  }
0x9f: {  	s3 =	ssub.s32 $0x0, s20;
	[sflag:s22] =	ssyncset.done $0x0  }
0xa0: {  	[sflag:s22] =	ssyncadd.s32 s3;
	_ =	sdelay $0x1  }
0xa1: {  	s23 =	simm.s32 $0x1B8B  }
0xa2: {  	_ =	swait.ge [sflag:s23], $0x1  }
0xa3: {  	[sflag:s23] =	ssyncset.done $0x0  }
0xa4: {  	s25 =	simm.s32 $0x1B8E;
	s24 =	sld [smem:$0x3FFE];
	[sflag:s23] =	ssyncadd.s32 $0xFFFFFFFF  }
0xa5: {  	s26 =	simm.s32 $execute0_lowered;
	[smem:$0x3FD2] =	sst s25  }
0xa6: {  	s4 =	sshll.u32 s26, $0x1;
	_ =	strace $0x80000046;
	[dreg:$0x1] =	wrdreg $0xFFFFFFFF  }
0xa7: {  	s28 =	simm.s32 $_size_execute0_lowered;
	s2 =	sadd.s32 s2, s4;
	[dreg:$0x0] =	wrdreg $0x0  }
0xa8: {  	s4 =	sshll.u32 s28, $0x1;
	[dreg:$0x2] =	wrdreg s2  }
0xa9: {  	[dreg:$0x3] =	wrdreg s4  }
0xaa: {  	[dreg:$0x4] =	wrdreg $0xC0  }
0xab: {  	_ =	task [dreg:s6], $0x5FFFF  }
0xac: {  	[dreg:$0x1] =	wrdreg $0xFFFFFFFF  }
0xad: {  	[dreg:$0x0] =	wrdreg $0x60  }
0xae: {  	[dreg:$0x2] =	wrdreg s24  }
0xaf: {  	[dreg:$0x3] =	wrdreg $0xC  }
0xb0: {  	_ =	task.clear_ibuf [dreg:s6], $0x4FFFF;
	_ =	strace $0x90000046  }
0xb1: {  	s29 =	simm.s32 $0xC;
	_ =	strace $0x80000048  }
0xb2: {  	_ =	swait.ge [sflag:s29], $0x1  }
0xb3: {  	[sflag:s29] =	ssyncadd.s32 $0xFFFFFFFF  }
0xb4: {  	_ =	strace $0x90000048  }
0xb5: {  	_ =	sfence  }
0xb6: {  	s30 =	sld [smem:$0x0];
	_ =	sdelay $0x2  }
0xb7: {  	s31 =	sshll.u32 s1, $0xD;
	s1 =	sshrl.u32 s1, $0x2  }
0xb8: {  	s3 =	sand.u32 $0x4000, s31;
	s1 =	sadd.s32 s1, s30  }
0xb9: {  	s0 =	sor.u32 s3, s0;
	s1 =	sshll.u32 s1, $0x11  }
0xba: {  	s0 =	sor.u32 s1, s0  }
0xbb: {  	s0 =	sadd.s32 $0x8F2B, s0  }
0xbc: {  	[sflag:s0] =	ssyncadd.remote.s32 $0x1  }
0xbd: {  	_ =	sfence.sel $0xFFFF  }
0xbe: {  	[dreg:$0x0] =	wrdreg $0xFFFFFFFF;
	(pc) =	sbr.abs _section_cstart, $3  }
0xbf: {  	[dreg:$0x1] =	wrdreg $0xFFFFFFFF  }
0xc0: {  	_ =	task.clear_ibuf [dreg:s6], $0x2FFFF;
	_ =	strace $0x9FFFFFFF  }
0xc1: {  	(tm) =	ssettm $0x7FFFFFFF  }
tec
execute0_lowered:
.L_overlay_start_1:
0x0: {  	(tag) =	ssettag $0x1  }
0x1: {  	s1 =	srdreg.scid;
	s0 =	stileid.u32  }
0x2: {  	s7 =	rddreg [dreg:$0x0];
	s2 =	simm.s32 $0x0;
	s17 =	simm.s32 $0x1800  }
0x3: {  	s18 =	simm.s32 $0x1;
	s19 =	simm.s32 $0x3800;
	s20 =	simm.s32 $0x20  }
0x4: {  	s21 =	simm.s32 $0x3820;
	s9 =	sand.u32 $0x1, s1;
	s1 =	rddreg [dreg:$0x1]  }
0x5: {  	s22 =	simm.s32 $0x0;
	s29 =	sshll.u32 s0, $0x1;
	[smem:$0x7FF] =	sst s2  }
0x6: {  	s10 =	smul.u32 $0x18000, s0;
	s4 =	sadd.s32 $0x1D000, s7;
	s5 =	sadd.s32 $0x3D000, s7  }
0x7: {  	s6 =	sor.u32 s9, s29;
	_ =	strace $0x80000047;
	s16 =	smul.u32 $0xC000, s9  }
0x8: {  	s12 =	ssub.s32 $0x2, s9;
	s3 =	smul.u32 $0x1800, s6;
	s30 =	sshll.u32 s6, $0x2  }
0x9: {  	s14 =	sadd.s32 s10, s7;
	s6 =	sshll.u32 s6, $0x8;
	s31 =	sshrl.u32 s12, $0x1  }
0xa: {  	s11 =	sadd.s32 s30, s7;
	s13 =	sadd.s32 s6, s7;
	s15 =	ssub.s32 s12, s31  }
0xb: {  	s14 =	sadd.s32 s16, s14;
	s16 =	simm.s32 $0x80;
	s3 =	sshrl.u32 s3, $0x3  }
0xc: {  	s9 =	sadd.s32 $0x4A00, s11;
	s10 =	sadd.s32 $0x8DF000, s13;
	s12 =	sadd.s32 $0x8E1000, s13  }
0xd: {  	s14 =	sadd.s32 $0x8E3000, s14;
	s8 =	sadd.s32 s3, s7;
	s3 =	sadd.s32 $0x11D000, s7  }
0xe: {  	s7 =	sadd.s32 $0x4E00, s11;
	s11 =	sadd.s32 $0x4400, s11;
	s6 =	sadd.s32 $0x5000, s8  }
0xf: {  	s8 =	sadd.s32 $0x8DD000, s13;
	s13 =	smax.u32 s15, $0x1;
	s15 =	simm.s32 $0x2  }
.LBB2_1:
0x10: {  	[tilespmem:s2], [sflag:$0x2] =	stream.linear.gather [hbm4b:s6+s2], $0x1800, $0x38;
	[tilespmem:$0x4020] =	vst v63  }
0x11: {  	_ =	swait.ge [sflag:s15], $0x1800  }
0x12: {  	[sflag:s15] =	ssyncset.done $0x0  }
0x13: {  	s23 =	simm.s32 $0x0;
	[sflag:s15] =	ssyncadd.s32 $0xFFFFE800  }
0x14: {  	[tilespmem:s17], [sflag:$0x1] =	stream.indirect.gather [hbm4b:s3+s16], $0x40, s23, s16, $0xb8;
	[tilespmem:$0x4020] =	vst v63  }
0x15: {  	_ =	swait.ge [sflag:s18], $0x2000  }
0x16: {  	[sflag:s18] =	ssyncset.done $0x0  }
0x17: {  	[sflag:s18] =	ssyncadd.s32 $0xFFFFE000  }
0x18: {  	[hbm4b:s14+s2] =	stream.linear.scatter [tilespmem:s17], [sflag:$0x2], $0x2000, $0x38;
	[tilespmem:$0x4020] =	vst v63  }
0x19: {  	s24 =	simm.s32 $0x200;
	_ =	swait.ge [sflag:s15], $0x2000  }
0x1a: {  	s25 =	simm.s32 $0x400;
	s23 =	sadd.s32 $0x400, s14;
	[sflag:s15] =	ssyncset.done $0x0  }
.LBB2_2:
0x1b: {  	s26 =	sshra.s32 s24, $0x2  }
0x1c: {  	[sflag:s15] =	ssyncadd.s32 $0xFFFFE000;
	s24 =	smov.u32 s25;
	s28 =	sadd.s32 $0x200, s25  }
0x1d: {  	[tilespmem:s17], [sflag:$0x1] =	stream.indirect.gather [hbm4b:s3+s16], $0x40, s26, s16, $0xb8;
	[tilespmem:$0x4020] =	vst v63  }
0x1e: {  	p0 =	sne.s32 s25, $0x5E00;
	_ =	swait.ge [sflag:s18], $0x2000  }
.Ltmp0:
0x1f: {  	[sflag:s18] =	ssyncset.done $0x0;
	(pc) =	sbr.rel @p0 .LBB2_2-.Ltmp0, $4  }
0x20: {  	[sflag:s18] =	ssyncadd.s32 $0xFFFFE000  }
0x21: {  	[hbm4b:s23+s2] =	stream.linear.scatter [tilespmem:s17], [sflag:$0x2], $0x2000, $0x38;
	[tilespmem:$0x4020] =	vst v63  }
0x22: {  	_ =	swait.ge [sflag:s15], $0x2000  }
0x23: {  	s25 =	smov.u32 s28;
	s23 =	sadd.s32 $0x400, s23;
	[sflag:s15] =	ssyncset.done $0x0  }
0x24: {  	s24 =	sshra.s32 s24, $0x2;
	[sflag:s15] =	ssyncadd.s32 $0xFFFFE000  }
0x25: {  	[tilespmem:s17], [sflag:$0x1] =	stream.indirect.gather [hbm4b:s3+s16], $0x40, s24, s16, $0xb8;
	[tilespmem:$0x4020] =	vst v63  }
0x26: {  	_ =	swait.ge [sflag:s18], $0x2000  }
0x27: {  	[sflag:s18] =	ssyncset.done $0x0  }
0x28: {  	[sflag:s18] =	ssyncadd.s32 $0xFFFFE000  }
0x29: {  	[hbm4b:s23+s2] =	stream.linear.scatter [tilespmem:s17], [sflag:$0x2], $0x2000, $0x38;
	[tilespmem:$0x4020] =	vst v63  }
0x2a: {  	_ =	swait.ge [sflag:s15], $0x2000  }
0x2b: {  	[sflag:s15] =	ssyncset.done $0x0  }
0x2c: {  	[sflag:s15] =	ssyncadd.s32 $0xFFFFE000  }
0x2d: {  	[tilespmem:s19], [sflag:$0x2] =	stream.linear.gather [hbm4b:s7+s2], $0x20, $0x38;
	[tilespmem:$0x4020] =	vst v63  }
0x2e: {  	_ =	swait.ge [sflag:s15], $0x20  }
0x2f: {  	[sflag:s15] =	ssyncset.done $0x0  }
0x30: {  	[sflag:s15] =	ssyncadd.s32 $0xFFFFFFE0  }
0x31: {  	[tilespmem:s21], [sflag:$0x1] =	stream.indirect.gather [hbm4b:s4+s20], $0x40, s19, s20, $0xb8;
	[tilespmem:$0x4020] =	vst v63  }
0x32: {  	_ =	swait.ge [sflag:s18], $0x800  }
0x33: {  	[sflag:s18] =	ssyncset.done $0x0  }
0x34: {  	[sflag:s18] =	ssyncadd.s32 $0xFFFFF800  }
0x35: {  	[hbm4b:s8+s2] =	stream.linear.scatter [tilespmem:s21], [sflag:$0x2], $0x800, $0x38;
	[tilespmem:$0x4020] =	vst v63  }
0x36: {  	_ =	swait.ge [sflag:s15], $0x800  }
0x37: {  	[sflag:s15] =	ssyncset.done $0x0  }
0x38: {  	[sflag:s15] =	ssyncadd.s32 $0xFFFFF800  }
0x39: {  	[tilespmem:s19], [sflag:$0x2] =	stream.linear.gather [hbm4b:s9+s2], $0x20, $0x38;
	[tilespmem:$0x4020] =	vst v63  }
0x3a: {  	_ =	swait.ge [sflag:s15], $0x20  }
0x3b: {  	[sflag:s15] =	ssyncset.done $0x0  }
0x3c: {  	[sflag:s15] =	ssyncadd.s32 $0xFFFFFFE0  }
0x3d: {  	[tilespmem:s21], [sflag:$0x1] =	stream.indirect.gather [hbm4b:s5+s20], $0x40, s19, s20, $0xb8;
	[tilespmem:$0x4020] =	vst v63  }
0x3e: {  	_ =	swait.ge [sflag:s18], $0x800  }
0x3f: {  	[sflag:s18] =	ssyncset.done $0x0  }
0x40: {  	[sflag:s18] =	ssyncadd.s32 $0xFFFFF800  }
0x41: {  	[hbm4b:s10+s2] =	stream.linear.scatter [tilespmem:s21], [sflag:$0x2], $0x800, $0x38;
	[tilespmem:$0x4020] =	vst v63  }
0x42: {  	_ =	swait.ge [sflag:s15], $0x800  }
0x43: {  	[sflag:s15] =	ssyncset.done $0x0  }
0x44: {  	[sflag:s15] =	ssyncadd.s32 $0xFFFFF800  }
0x45: {  	[tilespmem:s19], [sflag:$0x2] =	stream.linear.gather [hbm4b:s11+s2], $0x20, $0x38;
	[tilespmem:$0x4020] =	vst v63  }
0x46: {  	_ =	swait.ge [sflag:s15], $0x20  }
0x47: {  	[sflag:s15] =	ssyncset.done $0x0  }
0x48: {  	[sflag:s15] =	ssyncadd.s32 $0xFFFFFFE0  }
0x49: {  	[tilespmem:s21], [sflag:$0x1] =	stream.indirect.gather [hbm4b:s5+s20], $0x40, s19, s20, $0xb8;
	[tilespmem:$0x4020] =	vst v63  }
0x4a: {  	s22 =	sadd.s32 $0x1, s22;
	_ =	swait.ge [sflag:s18], $0x800  }
0x4b: {  	p0 =	sne.s32 s22, s13;
	[sflag:s18] =	ssyncset.done $0x0  }
.Ltmp1:
0x4c: {  	[sflag:s18] =	ssyncadd.s32 $0xFFFFF800;
	(pc) =	sbr.rel @p0 .LBB2_1-.Ltmp1, $4  }
0x4d: {  	[hbm4b:s12+s2] =	stream.linear.scatter [tilespmem:s21], [sflag:$0x2], $0x800, $0x38;
	[tilespmem:$0x4020] =	vst v63  }
0x4e: {  	_ =	swait.ge [sflag:s15], $0x800  }
0x4f: {  	[sflag:s15] =	ssyncset.done $0x0  }
0x50: {  	[sflag:s15] =	ssyncadd.s32 $0xFFFFF800  }
0x51: {  	_ =	sfence.sel $0x180000  }
0x52: {  	[bflag:$0x0] =	sbarrier.arrive $0xFFFF  }
0x53: {  	p0 =	sne.s32 s0, $0x0;
	_ =	strace $0x90000047  }
0x54: {  	s0 =	sadd.s32 @!p0 $0x100000, s1;
	[bflag:$0x2] =	sbarrier.arrive $0xFFFF  }
0x55: {  	[sflag:s0] =	ssyncadd.tile.s32 @!p0 $0x1;
	_ =	shalt  }
.Lfunc_end2:
_tile_overlayer_lowered:
.L_overlay_start_2:
0x56: {  	(tag) =	ssettag $0x2  }
0x57: {  	s0 =	rddreg [dreg:$0x0];
	s2 =	stileid.u32  }
0x58: {  	s1 =	rddreg [dreg:$0x1];
	p0 =	sne.s32 s2, $0x0  }
0x59: {  	s3 =	rddreg [dreg:$0x2];
	[bflag:$0x3] =	sbarrier.arrive $0xFFFF;
	s2 =	simm.s32 @!p0 $0x1C02  }
0x5a: {  	[timem:s3], [sflag:s2] =	dma.local @!p0 [hbm:s0], s1  }
0x5b: {  	s0 =	simm.s32 @!p0 $0x2  }
0x5c: {  	_ =	swait.ge @!p0 [sflag:s0], s1  }
0x5d: {  	s1 =	ssub.s32 @!p0 $0x0, s1;
	[sflag:s0] =	ssyncset.done @!p0 $0x0  }
0x5e: {  	[sflag:s0] =	ssyncadd.s32 @!p0 s1  }
0x5f: {  	[bflag:$0x3] =	sbarrier.arrive $0xFFFF  }
0x60: {  	_ =	shalt  }

</sc_bundles>
